<compile_context>
chip_gen: v7x
topology: tpu7x:2x2x1
jax: 0.10.2.dev20260603
libtpu: 0.0.44.dev20260713+nightly
codegen_flags: <defaults>
</compile_context>

<pallas_src>
import functools

import jax
import jax.numpy as jnp
from jax import lax
from jax.experimental import pallas as pl
from jax.experimental.pallas import tpu as pltpu
from jax.experimental.pallas import tpu_sc as plsc

N_NODES = 10000
D_IN = 128
H = 64
N_CLASSES = 8
E_TOTAL = 320000

NCORES = 2
NSUB = 16
FSL = H // NSUB
SLICE = FSL * N_NODES
EG = E_TOTAL // NCORES
CE = 2000
NCHUNK = EG // CE
STEPS = CE // 16

_BN_SCALE = 0.9999950000374997


def _sc_edge_body(hh_hbm, src_hbm, dst_hbm, ea_hbm, out_hbm,
                  table_v, acc_v,
                  src0_v, dst0_v, ea0_v, src1_v, dst1_v, ea1_v,
                  sem0, sem1):
    c = lax.axis_index("c")
    s = lax.axis_index("s")

    bufs = ((src0_v, dst0_v, ea0_v, sem0), (src1_v, dst1_v, ea1_v, sem1))

    def _start(ci, b):
        base = c * EG + ci * CE
        sb, db, eb, sem = bufs[b]
        pltpu.async_copy(src_hbm.at[pl.ds(base, CE)], sb, sem)
        pltpu.async_copy(dst_hbm.at[pl.ds(base, CE)], db, sem)
        pltpu.async_copy(ea_hbm.at[pl.ds(base, CE)], eb, sem)

    def _wait(ci, b):
        base = c * EG + ci * CE
        sb, db, eb, sem = bufs[b]
        pltpu.make_async_copy(src_hbm.at[pl.ds(base, CE)], sb, sem).wait()
        pltpu.make_async_copy(dst_hbm.at[pl.ds(base, CE)], db, sem).wait()
        pltpu.make_async_copy(ea_hbm.at[pl.ds(base, CE)], eb, sem).wait()

    _start(0, 0)
    _start(1, 1)

    pltpu.sync_copy(hh_hbm.at[pl.ds(s * SLICE, SLICE)], table_v)

    _zeros16 = jnp.zeros((16,), jnp.float32)

    @plsc.parallel_loop(0, SLICE // 16, 1, unroll=8)
    def _zero(i):
        acc_v[pl.ds(i * 16, 16)] = _zeros16

    tabs = [table_v.at[pl.ds(j * N_NODES, N_NODES)] for j in range(FSL)]
    accs = [acc_v.at[pl.ds(j * N_NODES, N_NODES)] for j in range(FSL)]

    def _process(b):
        sb, db, eb, _ = bufs[b]

        @plsc.parallel_loop(0, CE, 16, unroll=2)
        def _step(off):
            sv = sb[pl.ds(off, 16)]
            dv = db[pl.ds(off, 16)]
            av = eb[pl.ds(off, 16)]
            for j in range(FSL):
                vals = plsc.load_gather(tabs[j], [sv])
                plsc.addupdate_scatter(accs[j], [dv], vals * av)

    def _outer(k, carry):
        for b in range(2):
            ci = 2 * k + b
            _wait(ci, b)
            _process(b)

            @pl.when(ci + 2 < NCHUNK)
            def _():
                _start(ci + 2, b)
        return carry
    lax.fori_loop(0, NCHUNK // 2, _outer, 0)

    pltpu.sync_copy(acc_v, out_hbm.at[pl.ds((c * NSUB + s) * SLICE, SLICE)])


@functools.cache
def _sc_edge_kernel():
    return pl.kernel(
        _sc_edge_body,
        out_type=jax.ShapeDtypeStruct((NCORES * H * N_NODES,), jnp.float32),
        mesh=plsc.VectorSubcoreMesh(core_axis_name="c", subcore_axis_name="s",
                                    num_cores=NCORES, num_subcores=NSUB),
        compiler_params=pltpu.CompilerParams(needs_layout_passes=False,
                                             use_tc_tiling_on_sc=False),
        scratch_types=[
            pltpu.VMEM((SLICE,), jnp.float32),
            pltpu.VMEM((SLICE,), jnp.float32),
            pltpu.VMEM((CE,), jnp.int32),
            pltpu.VMEM((CE,), jnp.int32),
            pltpu.VMEM((CE,), jnp.float32),
            pltpu.VMEM((CE,), jnp.int32),
            pltpu.VMEM((CE,), jnp.int32),
            pltpu.VMEM((CE,), jnp.float32),
            pltpu.SemaphoreType.DMA,
            pltpu.SemaphoreType.DMA,
        ],
    )


def _sc_edge(*args):
    return _sc_edge_kernel()(*args)


_DN0 = (((0,), (1,)), ((), ()))
_DNF = (((0,), (0,)), ((), ()))


def _tc_in_body(x_ref, w_ref, out_ref):
    out_ref[...] = lax.dot_general(w_ref[...], x_ref[...], _DN0,
                                   preferred_element_type=jnp.float32)


def _post_layer(acc_ref, b_ref, g_ref, be_ref):
    h = acc_ref[0] + acc_ref[1] + b_ref[...]
    h = jnp.maximum(h, 0.0)
    return h * (g_ref[...] * _BN_SCALE) + be_ref[...]


def _tc_mid_body(acc_ref, b_ref, g_ref, be_ref, w_ref, out_ref):
    h = _post_layer(acc_ref, b_ref, g_ref, be_ref)
    out_ref[...] = lax.dot_general(w_ref[...], h, _DNF,
                                   preferred_element_type=jnp.float32)


def _gelu(z):
    return 0.5 * z * (1.0 + lax.erf(z * 0.7071067811865476))


def _tc_out_body(acc_ref, b_ref, g_ref, be_ref,
                 C1_ref, c1_ref, C2_ref, c2_ref, C3_ref, c3_ref, out_ref):
    h = _post_layer(acc_ref, b_ref, g_ref, be_ref)
    z = lax.dot_general(C1_ref[...], h, _DNF,
                        preferred_element_type=jnp.float32) + c1_ref[...]
    z = _gelu(z)
    z = lax.dot_general(C2_ref[...], z, _DNF,
                        preferred_element_type=jnp.float32) + c2_ref[...]
    z = _gelu(z)
    out_ref[...] = lax.dot_general(C3_ref[...], z, _DNF,
                                   preferred_element_type=jnp.float32) + c3_ref[...]


def _tc_in(x, w):
    return pl.pallas_call(
        _tc_in_body,
        out_shape=jax.ShapeDtypeStruct((H, N_NODES), jnp.float32),
    )(x, w)


def _tc_mid(acc, b, g, be, w):
    return pl.pallas_call(
        _tc_mid_body,
        out_shape=jax.ShapeDtypeStruct((H, N_NODES), jnp.float32),
    )(acc, b, g, be, w)


def _tc_out(acc, b, g, be, C1, c1, C2, c2, C3, c3):
    return pl.pallas_call(
        _tc_out_body,
        out_shape=jax.ShapeDtypeStruct((N_CLASSES, N_NODES), jnp.float32),
    )(acc, b, g, be, C1, c1, C2, c2, C3, c3)


def _col(v):
    return v.reshape(-1, 1)


def kernel(x, edge_index, edge_attr, W0, b0, W1, b1, W2, b2,
           bn_g0, bn_b0, bn_g1, bn_b1, bn_g2, bn_b2,
           C1, c1, C2, c2, C3, c3):
    src = edge_index[0]
    dst = edge_index[1]

    hh = _tc_in(x, W0)
    acc = _sc_edge(hh.reshape(-1), src, dst, edge_attr).reshape(NCORES, H, N_NODES)
    hh = _tc_mid(acc, _col(b0), _col(bn_g0), _col(bn_b0), W1)
    acc = _sc_edge(hh.reshape(-1), src, dst, edge_attr).reshape(NCORES, H, N_NODES)
    hh = _tc_mid(acc, _col(b1), _col(bn_g1), _col(bn_b1), W2)
    acc = _sc_edge(hh.reshape(-1), src, dst, edge_attr).reshape(NCORES, H, N_NODES)
    outT = _tc_out(acc, _col(b2), _col(bn_g2), _col(bn_b2),
                   C1, _col(c1), C2, _col(c2), C3, _col(c3))
    return outT.T

# --- scband reference (transcript-rebuilt; emitter-appended) ---
"""Pipeline reference for scband-mineral-deposit-gcn-38276748542138 (READ-ONLY COPY).

The authoritative reference and input builder live on the scoring server;
editing this copy changes nothing except your own understanding.
"""

import jax, jax.numpy as jnp
import numpy as np

N = 10000
E = 320000
D_IN = 128
H = 64
N_CLASSES = 8


def setup_inputs(seed: int = 0):
    key = jax.random.key(seed)
    ks = jax.random.split(key, 16)
    inp = {}
    inp["x"] = jax.random.normal(ks[0], (N, D_IN), dtype=jnp.float32)
    inp["edge_index"] = jax.random.randint(ks[1], (2, E), 0, N, dtype=jnp.int32)
    inp["edge_attr"] = jax.random.uniform(ks[2], (E,), dtype=jnp.float32)

    def lin(k, fi, fo):
        return jax.random.normal(k, (fi, fo), dtype=jnp.float32) / np.sqrt(fi)

    inp["W0"] = lin(ks[3], D_IN, H)
    inp["b0"] = jnp.zeros((H,), dtype=jnp.float32)
    inp["W1"] = lin(ks[4], H, H)
    inp["b1"] = jnp.zeros((H,), dtype=jnp.float32)
    inp["W2"] = lin(ks[5], H, H)
    inp["b2"] = jnp.zeros((H,), dtype=jnp.float32)
    for i in range(3):
        inp["bn_g%d" % i] = jnp.ones((H,), dtype=jnp.float32)
        inp["bn_b%d" % i] = jnp.zeros((H,), dtype=jnp.float32)
    inp["C1"] = lin(ks[6], H, 2 * H)
    inp["c1"] = jnp.zeros((2 * H,), dtype=jnp.float32)
    inp["C2"] = lin(ks[7], 2 * H, H)
    inp["c2"] = jnp.zeros((H,), dtype=jnp.float32)
    inp["C3"] = lin(ks[8], H, N_CLASSES)
    inp["c3"] = jnp.zeros((N_CLASSES,), dtype=jnp.float32)
    return inp


def reference(x, edge_index, edge_attr, W0, b0, W1, b1, W2, b2, bn_g0, bn_b0, bn_g1, bn_b1, bn_g2, bn_b2, C1, c1, C2, c2, C3, c3):
    src = edge_index[0]
    dst = edge_index[1]

    def gcn(h, W, b):
        # GCNConv with normalize=False, add_self_loops=False:
        # out[i] = sum_{(j->i) in E} edge_weight[e] * (h[j] @ W) + b
        hh = h @ W
        msg = hh[src] * edge_attr[:, None]
        return jax.ops.segment_sum(msg, dst, num_segments=N) + b

    def bn(h, g, b):
        # BatchNorm1d in inference mode: running_mean=0, running_var=1, eps=1e-5
        return h / jnp.sqrt(1.0 + 1e-5) * g + b

    h = x
    for (W, b, g, be) in ((W0, b0, bn_g0, bn_b0), (W1, b1, bn_g1, bn_b1), (W2, b2, bn_g2, bn_b2)):
        h = gcn(h, W, b)
        h = jax.nn.relu(h)
        # dropout is identity in eval mode
        h = bn(h, g, be)
    h = jax.nn.gelu(h @ C1 + c1, approximate=False)
    h = jax.nn.gelu(h @ C2 + c2, approximate=False)
    return h @ C3 + c3

if __name__ == "__main__":
    import jax
    _d = setup_inputs()
    print(jax.jit(kernel)(*tuple(_d.values())))

</pallas_src>

<mosaic_0001>
#map = affine_map<(d0, d1) -> (0)>
module attributes {stable_mosaic.version = 14 : i64} {
  func.func @_sc_edge_body(%arg0: i32, %arg1: i32, %arg2: memref<640000xf32, #tpu.memory_space<hbm>>, %arg3: memref<320000xi32, #tpu.memory_space<hbm>>, %arg4: memref<320000xi32, #tpu.memory_space<hbm>>, %arg5: memref<320000xf32, #tpu.memory_space<hbm>>, %arg6: memref<1280000xf32, #tpu.memory_space<hbm>>, %arg7: memref<40000xf32, #tpu.memory_space<vmem>>, %arg8: memref<40000xf32, #tpu.memory_space<vmem>>, %arg9: memref<2000xi32, #tpu.memory_space<vmem>>, %arg10: memref<2000xi32, #tpu.memory_space<vmem>>, %arg11: memref<2000xf32, #tpu.memory_space<vmem>>, %arg12: memref<2000xi32, #tpu.memory_space<vmem>>, %arg13: memref<2000xi32, #tpu.memory_space<vmem>>, %arg14: memref<2000xf32, #tpu.memory_space<vmem>>, %arg15: memref<!tpu.dma_semaphore, #tpu.memory_space<semaphore_mem>>, %arg16: memref<!tpu.dma_semaphore, #tpu.memory_space<semaphore_mem>>) attributes {dimension_semantics = [#tpu.dimension_semantics<core_parallel>, #tpu.dimension_semantics<subcore_parallel>], iteration_bounds = array<i64: 2, 16>, scalar_prefetch = 0 : i64, scratch_operands = 10 : i64, tpu.core_type = #tpu.core_type<sc_vector_subcore>, window_params = [{transform_indices = #map}, {transform_indices = #map}, {transform_indices = #map}, {transform_indices = #map}, {transform_indices = #map}]} {
    %mul3A = arith.constant 160000 : i32
    %mul3A_0 = arith.muli %arg0, %mul3A : i32
    %add3A = arith.constant 0 : i32
    %add3A_1 = arith.addi %mul3A_0, %add3A : i32
    %dma_start3A = tpu.memref_slice %arg3[%add3A_1] : memref<320000xi32, #tpu.memory_space<hbm>> -> memref<2000xi32, #tpu.memory_space<hbm>>
    %dma_start3A_2 = tpu.memref_slice %arg3[%add3A_1] : memref<320000xi32, #tpu.memory_space<hbm>> -> memref<2000xi32, #tpu.memory_space<hbm>>
    tpu.enqueue_dma source(%dma_start3A_2 : memref<2000xi32, #tpu.memory_space<hbm>>) target(%arg9 : memref<2000xi32, #tpu.memory_space<vmem>>) target_semaphore(%arg15 : memref<!tpu.dma_semaphore, #tpu.memory_space<semaphore_mem>>)
    %dma_start3A_3 = tpu.memref_slice %arg4[%add3A_1] : memref<320000xi32, #tpu.memory_space<hbm>> -> memref<2000xi32, #tpu.memory_space<hbm>>
    %dma_start3A_4 = tpu.memref_slice %arg4[%add3A_1] : memref<320000xi32, #tpu.memory_space<hbm>> -> memref<2000xi32, #tpu.memory_space<hbm>>
    tpu.enqueue_dma source(%dma_start3A_4 : memref<2000xi32, #tpu.memory_space<hbm>>) target(%arg10 : memref<2000xi32, #tpu.memory_space<vmem>>) target_semaphore(%arg15 : memref<!tpu.dma_semaphore, #tpu.memory_space<semaphore_mem>>)
    %dma_start3A_5 = tpu.memref_slice %arg5[%add3A_1] : memref<320000xf32, #tpu.memory_space<hbm>> -> memref<2000xf32, #tpu.memory_space<hbm>>
    %dma_start3A_6 = tpu.memref_slice %arg5[%add3A_1] : memref<320000xf32, #tpu.memory_space<hbm>> -> memref<2000xf32, #tpu.memory_space<hbm>>
    tpu.enqueue_dma source(%dma_start3A_6 : memref<2000xf32, #tpu.memory_space<hbm>>) target(%arg11 : memref<2000xf32, #tpu.memory_space<vmem>>) target_semaphore(%arg15 : memref<!tpu.dma_semaphore, #tpu.memory_space<semaphore_mem>>)
    %mul3A_7 = arith.constant 160000 : i32
    %mul3A_8 = arith.muli %arg0, %mul3A_7 : i32
    %add3A_9 = arith.constant 2000 : i32
    %add3A_10 = arith.addi %mul3A_8, %add3A_9 : i32
    %dma_start3A_11 = tpu.memref_slice %arg3[%add3A_10] : memref<320000xi32, #tpu.memory_space<hbm>> -> memref<2000xi32, #tpu.memory_space<hbm>>
    %dma_start3A_12 = tpu.memref_slice %arg3[%add3A_10] : memref<320000xi32, #tpu.memory_space<hbm>> -> memref<2000xi32, #tpu.memory_space<hbm>>
    tpu.enqueue_dma source(%dma_start3A_12 : memref<2000xi32, #tpu.memory_space<hbm>>) target(%arg12 : memref<2000xi32, #tpu.memory_space<vmem>>) target_semaphore(%arg16 : memref<!tpu.dma_semaphore, #tpu.memory_space<semaphore_mem>>)
    %dma_start3A_13 = tpu.memref_slice %arg4[%add3A_10] : memref<320000xi32, #tpu.memory_space<hbm>> -> memref<2000xi32, #tpu.memory_space<hbm>>
    %dma_start3A_14 = tpu.memref_slice %arg4[%add3A_10] : memref<320000xi32, #tpu.memory_space<hbm>> -> memref<2000xi32, #tpu.memory_space<hbm>>
    tpu.enqueue_dma source(%dma_start3A_14 : memref<2000xi32, #tpu.memory_space<hbm>>) target(%arg13 : memref<2000xi32, #tpu.memory_space<vmem>>) target_semaphore(%arg16 : memref<!tpu.dma_semaphore, #tpu.memory_space<semaphore_mem>>)
    %dma_start3A_15 = tpu.memref_slice %arg5[%add3A_10] : memref<320000xf32, #tpu.memory_space<hbm>> -> memref<2000xf32, #tpu.memory_space<hbm>>
    %dma_start3A_16 = tpu.memref_slice %arg5[%add3A_10] : memref<320000xf32, #tpu.memory_space<hbm>> -> memref<2000xf32, #tpu.memory_space<hbm>>
    tpu.enqueue_dma source(%dma_start3A_16 : memref<2000xf32, #tpu.memory_space<hbm>>) target(%arg14 : memref<2000xf32, #tpu.memory_space<vmem>>) target_semaphore(%arg16 : memref<!tpu.dma_semaphore, #tpu.memory_space<semaphore_mem>>)
    %mul3A_17 = arith.constant 40000 : i32
    %mul3A_18 = arith.muli %arg1, %mul3A_17 : i32
    "tpu.region"() ({
      %run_scoped3A = tpu.sem_alloc : memref<!tpu.dma_semaphore, #tpu.memory_space<semaphore_mem>>
      %dma_start3A_32 = tpu.memref_slice %arg2[%mul3A_18] : memref<640000xf32, #tpu.memory_space<hbm>> -> memref<40000xf32, #tpu.memory_space<hbm>>
      %dma_start3A_33 = tpu.memref_slice %arg2[%mul3A_18] : memref<640000xf32, #tpu.memory_space<hbm>> -> memref<40000xf32, #tpu.memory_space<hbm>>
      tpu.enqueue_dma source(%dma_start3A_33 : memref<40000xf32, #tpu.memory_space<hbm>>) target(%arg7 : memref<40000xf32, #tpu.memory_space<vmem>>) target_semaphore(%run_scoped3A : memref<!tpu.dma_semaphore, #tpu.memory_space<semaphore_mem>>)
      %dma_wait3A = tpu.memref_slice %arg2[%mul3A_18] : memref<640000xf32, #tpu.memory_space<hbm>> -> memref<40000xf32, #tpu.memory_space<hbm>>
      %dma_wait3A_34 = tpu.memref_slice %arg2[%mul3A_18] : memref<640000xf32, #tpu.memory_space<hbm>> -> memref<40000xf32, #tpu.memory_space<hbm>>
      tpu.wait_dma2 semaphore(%run_scoped3A : memref<!tpu.dma_semaphore, #tpu.memory_space<semaphore_mem>>) src(%dma_wait3A_34 : memref<40000xf32, #tpu.memory_space<hbm>>) dst(%arg7 : memref<40000xf32, #tpu.memory_space<vmem>>)
      tpu.yield
    }) : () -> ()
    %broadcast_in_dim3A = arith.constant 0.000000e+00 : f32
    %broadcast_in_dim3A_19 = vector.broadcast %broadcast_in_dim3A : f32 to vector<16xf32>
    %parallel_loop3A = arith.constant 0 : i32
    %parallel_loop3A_20 = arith.constant 2500 : i32
    %parallel_loop3A_21 = arith.constant 1 : i32
    scf.for %parallel_loop3A_32 = %parallel_loop3A to %parallel_loop3A_20 step %parallel_loop3A_21  : i32 {
      %parallel_loop3A_33 = arith.constant 16 : i32
      %parallel_loop3A_34 = arith.muli %parallel_loop3A_32, %parallel_loop3A_33 : i32
      %parallel_loop3A_35 = arith.index_cast %parallel_loop3A_34 : i32 to index
      %parallel_loop3A_36 = tpu.vector_load %arg8[%parallel_loop3A_35] {strides = array<i32>} : memref<40000xf32, #tpu.memory_space<vmem>>, vector<16xf32>,
      tpu.vector_store %arg8[%parallel_loop3A_35], %broadcast_in_dim3A_19 {strides = array<i32>} : memref<40000xf32, #tpu.memory_space<vmem>>, vector<16xf32>,
    } {sc.loop_unroll_factor = 8 : i64, sc.parallel_access}
    %scan3A = arith.constant 0 : i32
    %scan3A_22 = arith.constant 0 : i32
    %scan3A_23 = arith.constant 40 : i32
    %scan3A_24 = arith.addi %scan3A_22, %scan3A_23 : i32
    %scan3A_25 = arith.constant 1 : i32
    scf.for %scan3A_32 = %scan3A_22 to %scan3A_24 step %scan3A_25  : i32 {
      %mul3A_33 = arith.constant 2 : i32
      %mul3A_34 = arith.muli %mul3A_33, %scan3A_32 : i32
      %add3A_35 = arith.constant 0 : i32
      %add3A_36 = arith.addi %mul3A_34, %add3A_35 : i32
      %mul3A_37 = arith.constant 160000 : i32
      %mul3A_38 = arith.muli %arg0, %mul3A_37 : i32
      %mul3A_39 = arith.constant 2000 : i32
      %mul3A_40 = arith.muli %add3A_36, %mul3A_39 : i32
      %add3A_41 = arith.addi %mul3A_38, %mul3A_40 : i32
      %dma_wait3A = tpu.memref_slice %arg3[%add3A_41] : memref<320000xi32, #tpu.memory_space<hbm>> -> memref<2000xi32, #tpu.memory_space<hbm>>
      %dma_wait3A_42 = tpu.memref_slice %arg3[%add3A_41] : memref<320000xi32, #tpu.memory_space<hbm>> -> memref<2000xi32, #tpu.memory_space<hbm>>
      tpu.wait_dma2 semaphore(%arg15 : memref<!tpu.dma_semaphore, #tpu.memory_space<semaphore_mem>>) src(%dma_wait3A_42 : memref<2000xi32, #tpu.memory_space<hbm>>) dst(%arg9 : memref<2000xi32, #tpu.memory_space<vmem>>)
      %dma_wait3A_43 = tpu.memref_slice %arg4[%add3A_41] : memref<320000xi32, #tpu.memory_space<hbm>> -> memref<2000xi32, #tpu.memory_space<hbm>>
      %dma_wait3A_44 = tpu.memref_slice %arg4[%add3A_41] : memref<320000xi32, #tpu.memory_space<hbm>> -> memref<2000xi32, #tpu.memory_space<hbm>>
      tpu.wait_dma2 semaphore(%arg15 : memref<!tpu.dma_semaphore, #tpu.memory_space<semaphore_mem>>) src(%dma_wait3A_44 : memref<2000xi32, #tpu.memory_space<hbm>>) dst(%arg10 : memref<2000xi32, #tpu.memory_space<vmem>>)
      %dma_wait3A_45 = tpu.memref_slice %arg5[%add3A_41] : memref<320000xf32, #tpu.memory_space<hbm>> -> memref<2000xf32, #tpu.memory_space<hbm>>
      %dma_wait3A_46 = tpu.memref_slice %arg5[%add3A_41] : memref<320000xf32, #tpu.memory_space<hbm>> -> memref<2000xf32, #tpu.memory_space<hbm>>
      tpu.wait_dma2 semaphore(%arg15 : memref<!tpu.dma_semaphore, #tpu.memory_space<semaphore_mem>>) src(%dma_wait3A_46 : memref<2000xf32, #tpu.memory_space<hbm>>) dst(%arg11 : memref<2000xf32, #tpu.memory_space<vmem>>)
      %parallel_loop3A_47 = arith.constant 0 : i32
      %parallel_loop3A_48 = arith.constant 2000 : i32
      %parallel_loop3A_49 = arith.constant 16 : i32
      scf.for %parallel_loop3A_79 = %parallel_loop3A_47 to %parallel_loop3A_48 step %parallel_loop3A_49  : i32 {
        %parallel_loop3A_80 = arith.index_cast %parallel_loop3A_79 : i32 to index
        %parallel_loop3A_81 = tpu.vector_load %arg9[%parallel_loop3A_80] {strides = array<i32>} : memref<2000xi32, #tpu.memory_space<vmem>>, vector<16xi32>,
        %parallel_loop3A_82 = arith.index_cast %parallel_loop3A_79 : i32 to index
        %parallel_loop3A_83 = tpu.vector_load %arg10[%parallel_loop3A_82] {strides = array<i32>} : memref<2000xi32, #tpu.memory_space<vmem>>, vector<16xi32>,
        %parallel_loop3A_84 = arith.index_cast %parallel_loop3A_79 : i32 to index
        %parallel_loop3A_85 = tpu.vector_load %arg11[%parallel_loop3A_84] {strides = array<i32>} : memref<2000xf32, #tpu.memory_space<vmem>>, vector<16xf32>,
        %parallel_loop3A_86 = arith.constant 0 : i32
        %parallel_loop3A_87 = tpu.memref_slice %arg7[%parallel_loop3A_86] : memref<40000xf32, #tpu.memory_space<vmem>> -> memref<10000xf32, #tpu.memory_space<vmem>>
        %parallel_loop3A_88 = tpu.vector_load_idx %parallel_loop3A_87[%parallel_loop3A_81] : memref<10000xf32, #tpu.memory_space<vmem>>[vector<16xi32>], vector<16xf32>,
        %parallel_loop3A_89 = arith.mulf %parallel_loop3A_88, %parallel_loop3A_85 : vector<16xf32>
        %parallel_loop3A_90 = arith.constant 0 : i32
        %parallel_loop3A_91 = tpu.memref_slice %arg8[%parallel_loop3A_90] : memref<40000xf32, #tpu.memory_space<vmem>> -> memref<10000xf32, #tpu.memory_space<vmem>>
        tpu.vector_store_idx %parallel_loop3A_91[%parallel_loop3A_83], %parallel_loop3A_89 {add = true} : memref<10000xf32, #tpu.memory_space<vmem>>[vector<16xi32>], vector<16xf32>,
        %parallel_loop3A_92 = arith.constant 10000 : i32
        %parallel_loop3A_93 = tpu.memref_slice %arg7[%parallel_loop3A_92] : memref<40000xf32, #tpu.memory_space<vmem>> -> memref<10000xf32, #tpu.memory_space<vmem>>
        %parallel_loop3A_94 = tpu.vector_load_idx %parallel_loop3A_93[%parallel_loop3A_81] : memref<10000xf32, #tpu.memory_space<vmem>>[vector<16xi32>], vector<16xf32>,
        %parallel_loop3A_95 = arith.mulf %parallel_loop3A_94, %parallel_loop3A_85 : vector<16xf32>
        %parallel_loop3A_96 = arith.constant 10000 : i32
        %parallel_loop3A_97 = tpu.memref_slice %arg8[%parallel_loop3A_96] : memref<40000xf32, #tpu.memory_space<vmem>> -> memref<10000xf32, #tpu.memory_space<vmem>>
        tpu.vector_store_idx %parallel_loop3A_97[%parallel_loop3A_83], %parallel_loop3A_95 {add = true} : memref<10000xf32, #tpu.memory_space<vmem>>[vector<16xi32>], vector<16xf32>,
        %parallel_loop3A_98 = arith.constant 20000 : i32
        %parallel_loop3A_99 = tpu.memref_slice %arg7[%parallel_loop3A_98] : memref<40000xf32, #tpu.memory_space<vmem>> -> memref<10000xf32, #tpu.memory_space<vmem>>
        %parallel_loop3A_100 = tpu.vector_load_idx %parallel_loop3A_99[%parallel_loop3A_81] : memref<10000xf32, #tpu.memory_space<vmem>>[vector<16xi32>], vector<16xf32>,
        %parallel_loop3A_101 = arith.mulf %parallel_loop3A_100, %parallel_loop3A_85 : vector<16xf32>
        %parallel_loop3A_102 = arith.constant 20000 : i32
        %parallel_loop3A_103 = tpu.memref_slice %arg8[%parallel_loop3A_102] : memref<40000xf32, #tpu.memory_space<vmem>> -> memref<10000xf32, #tpu.memory_space<vmem>>
        tpu.vector_store_idx %parallel_loop3A_103[%parallel_loop3A_83], %parallel_loop3A_101 {add = true} : memref<10000xf32, #tpu.memory_space<vmem>>[vector<16xi32>], vector<16xf32>,
        %parallel_loop3A_104 = arith.constant 30000 : i32
        %parallel_loop3A_105 = tpu.memref_slice %arg7[%parallel_loop3A_104] : memref<40000xf32, #tpu.memory_space<vmem>> -> memref<10000xf32, #tpu.memory_space<vmem>>
        %parallel_loop3A_106 = tpu.vector_load_idx %parallel_loop3A_105[%parallel_loop3A_81] : memref<10000xf32, #tpu.memory_space<vmem>>[vector<16xi32>], vector<16xf32>,
        %parallel_loop3A_107 = arith.mulf %parallel_loop3A_106, %parallel_loop3A_85 : vector<16xf32>
        %parallel_loop3A_108 = arith.constant 30000 : i32
        %parallel_loop3A_109 = tpu.memref_slice %arg8[%parallel_loop3A_108] : memref<40000xf32, #tpu.memory_space<vmem>> -> memref<10000xf32, #tpu.memory_space<vmem>>
        tpu.vector_store_idx %parallel_loop3A_109[%parallel_loop3A_83], %parallel_loop3A_107 {add = true} : memref<10000xf32, #tpu.memory_space<vmem>>[vector<16xi32>], vector<16xf32>,
      } {sc.loop_unroll_factor = 2 : i64, sc.parallel_access}
      %add3A_50 = arith.constant 2 : i32
      %add3A_51 = arith.addi %add3A_36, %add3A_50 : i32
      %lt3A = arith.constant 80 : i32
      %lt3A_52 = arith.cmpi slt, %add3A_51, %lt3A : i32
      %convert_element_type3A = arith.extui %lt3A_52 : i1 to i32
      %cond3A = arith.constant 0 : i32
      %cond3A_53 = arith.cmpi ne, %convert_element_type3A, %cond3A : i32
      scf.if %cond3A_53 {
        %add3A_79 = arith.constant 2 : i32
        %add3A_80 = arith.addi %add3A_36, %add3A_79 : i32
        %mul3A_81 = arith.constant 160000 : i32
        %mul3A_82 = arith.muli %arg0, %mul3A_81 : i32
        %mul3A_83 = arith.constant 2000 : i32
        %mul3A_84 = arith.muli %add3A_80, %mul3A_83 : i32
        %add3A_85 = arith.addi %mul3A_82, %mul3A_84 : i32
        %dma_start3A_86 = tpu.memref_slice %arg3[%add3A_85] : memref<320000xi32, #tpu.memory_space<hbm>> -> memref<2000xi32, #tpu.memory_space<hbm>>
        %dma_start3A_87 = tpu.memref_slice %arg3[%add3A_85] : memref<320000xi32, #tpu.memory_space<hbm>> -> memref<2000xi32, #tpu.memory_space<hbm>>
        tpu.enqueue_dma source(%dma_start3A_87 : memref<2000xi32, #tpu.memory_space<hbm>>) target(%arg9 : memref<2000xi32, #tpu.memory_space<vmem>>) target_semaphore(%arg15 : memref<!tpu.dma_semaphore, #tpu.memory_space<semaphore_mem>>)
        %dma_start3A_88 = tpu.memref_slice %arg4[%add3A_85] : memref<320000xi32, #tpu.memory_space<hbm>> -> memref<2000xi32, #tpu.memory_space<hbm>>
        %dma_start3A_89 = tpu.memref_slice %arg4[%add3A_85] : memref<320000xi32, #tpu.memory_space<hbm>> -> memref<2000xi32, #tpu.memory_space<hbm>>
        tpu.enqueue_dma source(%dma_start3A_89 : memref<2000xi32, #tpu.memory_space<hbm>>) target(%arg10 : memref<2000xi32, #tpu.memory_space<vmem>>) target_semaphore(%arg15 : memref<!tpu.dma_semaphore, #tpu.memory_space<semaphore_mem>>)
        %dma_start3A_90 = tpu.memref_slice %arg5[%add3A_85] : memref<320000xf32, #tpu.memory_space<hbm>> -> memref<2000xf32, #tpu.memory_space<hbm>>
        %dma_start3A_91 = tpu.memref_slice %arg5[%add3A_85] : memref<320000xf32, #tpu.memory_space<hbm>> -> memref<2000xf32, #tpu.memory_space<hbm>>
        tpu.enqueue_dma source(%dma_start3A_91 : memref<2000xf32, #tpu.memory_space<hbm>>) target(%arg11 : memref<2000xf32, #tpu.memory_space<vmem>>) target_semaphore(%arg15 : memref<!tpu.dma_semaphore, #tpu.memory_space<semaphore_mem>>)
      } else {
      }
      %mul3A_54 = arith.constant 2 : i32
      %mul3A_55 = arith.muli %mul3A_54, %scan3A_32 : i32
      %add3A_56 = arith.constant 1 : i32
      %add3A_57 = arith.addi %mul3A_55, %add3A_56 : i32
      %mul3A_58 = arith.constant 160000 : i32
      %mul3A_59 = arith.muli %arg0, %mul3A_58 : i32
      %mul3A_60 = arith.constant 2000 : i32
      %mul3A_61 = arith.muli %add3A_57, %mul3A_60 : i32
      %add3A_62 = arith.addi %mul3A_59, %mul3A_61 : i32
      %dma_wait3A_63 = tpu.memref_slice %arg3[%add3A_62] : memref<320000xi32, #tpu.memory_space<hbm>> -> memref<2000xi32, #tpu.memory_space<hbm>>
      %dma_wait3A_64 = tpu.memref_slice %arg3[%add3A_62] : memref<320000xi32, #tpu.memory_space<hbm>> -> memref<2000xi32, #tpu.memory_space<hbm>>
      tpu.wait_dma2 semaphore(%arg16 : memref<!tpu.dma_semaphore, #tpu.memory_space<semaphore_mem>>) src(%dma_wait3A_64 : memref<2000xi32, #tpu.memory_space<hbm>>) dst(%arg12 : memref<2000xi32, #tpu.memory_space<vmem>>)
      %dma_wait3A_65 = tpu.memref_slice %arg4[%add3A_62] : memref<320000xi32, #tpu.memory_space<hbm>> -> memref<2000xi32, #tpu.memory_space<hbm>>
      %dma_wait3A_66 = tpu.memref_slice %arg4[%add3A_62] : memref<320000xi32, #tpu.memory_space<hbm>> -> memref<2000xi32, #tpu.memory_space<hbm>>
      tpu.wait_dma2 semaphore(%arg16 : memref<!tpu.dma_semaphore, #tpu.memory_space<semaphore_mem>>) src(%dma_wait3A_66 : memref<2000xi32, #tpu.memory_space<hbm>>) dst(%arg13 : memref<2000xi32, #tpu.memory_space<vmem>>)
      %dma_wait3A_67 = tpu.memref_slice %arg5[%add3A_62] : memref<320000xf32, #tpu.memory_space<hbm>> -> memref<2000xf32, #tpu.memory_space<hbm>>
      %dma_wait3A_68 = tpu.memref_slice %arg5[%add3A_62] : memref<320000xf32, #tpu.memory_space<hbm>> -> memref<2000xf32, #tpu.memory_space<hbm>>
      tpu.wait_dma2 semaphore(%arg16 : memref<!tpu.dma_semaphore, #tpu.memory_space<semaphore_mem>>) src(%dma_wait3A_68 : memref<2000xf32, #tpu.memory_space<hbm>>) dst(%arg14 : memref<2000xf32, #tpu.memory_space<vmem>>)
      %parallel_loop3A_69 = arith.constant 0 : i32
      %parallel_loop3A_70 = arith.constant 2000 : i32
      %parallel_loop3A_71 = arith.constant 16 : i32
      scf.for %parallel_loop3A_79 = %parallel_loop3A_69 to %parallel_loop3A_70 step %parallel_loop3A_71  : i32 {
        %parallel_loop3A_80 = arith.index_cast %parallel_loop3A_79 : i32 to index
        %parallel_loop3A_81 = tpu.vector_load %arg12[%parallel_loop3A_80] {strides = array<i32>} : memref<2000xi32, #tpu.memory_space<vmem>>, vector<16xi32>,
        %parallel_loop3A_82 = arith.index_cast %parallel_loop3A_79 : i32 to index
        %parallel_loop3A_83 = tpu.vector_load %arg13[%parallel_loop3A_82] {strides = array<i32>} : memref<2000xi32, #tpu.memory_space<vmem>>, vector<16xi32>,
        %parallel_loop3A_84 = arith.index_cast %parallel_loop3A_79 : i32 to index
        %parallel_loop3A_85 = tpu.vector_load %arg14[%parallel_loop3A_84] {strides = array<i32>} : memref<2000xf32, #tpu.memory_space<vmem>>, vector<16xf32>,
        %parallel_loop3A_86 = arith.constant 0 : i32
        %parallel_loop3A_87 = tpu.memref_slice %arg7[%parallel_loop3A_86] : memref<40000xf32, #tpu.memory_space<vmem>> -> memref<10000xf32, #tpu.memory_space<vmem>>
        %parallel_loop3A_88 = tpu.vector_load_idx %parallel_loop3A_87[%parallel_loop3A_81] : memref<10000xf32, #tpu.memory_space<vmem>>[vector<16xi32>], vector<16xf32>,
        %parallel_loop3A_89 = arith.mulf %parallel_loop3A_88, %parallel_loop3A_85 : vector<16xf32>
        %parallel_loop3A_90 = arith.constant 0 : i32
        %parallel_loop3A_91 = tpu.memref_slice %arg8[%parallel_loop3A_90] : memref<40000xf32, #tpu.memory_space<vmem>> -> memref<10000xf32, #tpu.memory_space<vmem>>
        tpu.vector_store_idx %parallel_loop3A_91[%parallel_loop3A_83], %parallel_loop3A_89 {add = true} : memref<10000xf32, #tpu.memory_space<vmem>>[vector<16xi32>], vector<16xf32>,
        %parallel_loop3A_92 = arith.constant 10000 : i32
        %parallel_loop3A_93 = tpu.memref_slice %arg7[%parallel_loop3A_92] : memref<40000xf32, #tpu.memory_space<vmem>> -> memref<10000xf32, #tpu.memory_space<vmem>>
        %parallel_loop3A_94 = tpu.vector_load_idx %parallel_loop3A_93[%parallel_loop3A_81] : memref<10000xf32, #tpu.memory_space<vmem>>[vector<16xi32>], vector<16xf32>,
        %parallel_loop3A_95 = arith.mulf %parallel_loop3A_94, %parallel_loop3A_85 : vector<16xf32>
        %parallel_loop3A_96 = arith.constant 10000 : i32
        %parallel_loop3A_97 = tpu.memref_slice %arg8[%parallel_loop3A_96] : memref<40000xf32, #tpu.memory_space<vmem>> -> memref<10000xf32, #tpu.memory_space<vmem>>
        tpu.vector_store_idx %parallel_loop3A_97[%parallel_loop3A_83], %parallel_loop3A_95 {add = true} : memref<10000xf32, #tpu.memory_space<vmem>>[vector<16xi32>], vector<16xf32>,
        %parallel_loop3A_98 = arith.constant 20000 : i32
        %parallel_loop3A_99 = tpu.memref_slice %arg7[%parallel_loop3A_98] : memref<40000xf32, #tpu.memory_space<vmem>> -> memref<10000xf32, #tpu.memory_space<vmem>>
        %parallel_loop3A_100 = tpu.vector_load_idx %parallel_loop3A_99[%parallel_loop3A_81] : memref<10000xf32, #tpu.memory_space<vmem>>[vector<16xi32>], vector<16xf32>,
        %parallel_loop3A_101 = arith.mulf %parallel_loop3A_100, %parallel_loop3A_85 : vector<16xf32>
        %parallel_loop3A_102 = arith.constant 20000 : i32
        %parallel_loop3A_103 = tpu.memref_slice %arg8[%parallel_loop3A_102] : memref<40000xf32, #tpu.memory_space<vmem>> -> memref<10000xf32, #tpu.memory_space<vmem>>
        tpu.vector_store_idx %parallel_loop3A_103[%parallel_loop3A_83], %parallel_loop3A_101 {add = true} : memref<10000xf32, #tpu.memory_space<vmem>>[vector<16xi32>], vector<16xf32>,
        %parallel_loop3A_104 = arith.constant 30000 : i32
        %parallel_loop3A_105 = tpu.memref_slice %arg7[%parallel_loop3A_104] : memref<40000xf32, #tpu.memory_space<vmem>> -> memref<10000xf32, #tpu.memory_space<vmem>>
        %parallel_loop3A_106 = tpu.vector_load_idx %parallel_loop3A_105[%parallel_loop3A_81] : memref<10000xf32, #tpu.memory_space<vmem>>[vector<16xi32>], vector<16xf32>,
        %parallel_loop3A_107 = arith.mulf %parallel_loop3A_106, %parallel_loop3A_85 : vector<16xf32>
        %parallel_loop3A_108 = arith.constant 30000 : i32
        %parallel_loop3A_109 = tpu.memref_slice %arg8[%parallel_loop3A_108] : memref<40000xf32, #tpu.memory_space<vmem>> -> memref<10000xf32, #tpu.memory_space<vmem>>
        tpu.vector_store_idx %parallel_loop3A_109[%parallel_loop3A_83], %parallel_loop3A_107 {add = true} : memref<10000xf32, #tpu.memory_space<vmem>>[vector<16xi32>], vector<16xf32>,
      } {sc.loop_unroll_factor = 2 : i64, sc.parallel_access}
      %add3A_72 = arith.constant 2 : i32
      %add3A_73 = arith.addi %add3A_57, %add3A_72 : i32
      %lt3A_74 = arith.constant 80 : i32
      %lt3A_75 = arith.cmpi slt, %add3A_73, %lt3A_74 : i32
      %convert_element_type3A_76 = arith.extui %lt3A_75 : i1 to i32
      %cond3A_77 = arith.constant 0 : i32
      %cond3A_78 = arith.cmpi ne, %convert_element_type3A_76, %cond3A_77 : i32
      scf.if %cond3A_78 {
        %add3A_79 = arith.constant 2 : i32
        %add3A_80 = arith.addi %add3A_57, %add3A_79 : i32
        %mul3A_81 = arith.constant 160000 : i32
        %mul3A_82 = arith.muli %arg0, %mul3A_81 : i32
        %mul3A_83 = arith.constant 2000 : i32
        %mul3A_84 = arith.muli %add3A_80, %mul3A_83 : i32
        %add3A_85 = arith.addi %mul3A_82, %mul3A_84 : i32
        %dma_start3A_86 = tpu.memref_slice %arg3[%add3A_85] : memref<320000xi32, #tpu.memory_space<hbm>> -> memref<2000xi32, #tpu.memory_space<hbm>>
        %dma_start3A_87 = tpu.memref_slice %arg3[%add3A_85] : memref<320000xi32, #tpu.memory_space<hbm>> -> memref<2000xi32, #tpu.memory_space<hbm>>
        tpu.enqueue_dma source(%dma_start3A_87 : memref<2000xi32, #tpu.memory_space<hbm>>) target(%arg12 : memref<2000xi32, #tpu.memory_space<vmem>>) target_semaphore(%arg16 : memref<!tpu.dma_semaphore, #tpu.memory_space<semaphore_mem>>)
        %dma_start3A_88 = tpu.memref_slice %arg4[%add3A_85] : memref<320000xi32, #tpu.memory_space<hbm>> -> memref<2000xi32, #tpu.memory_space<hbm>>
        %dma_start3A_89 = tpu.memref_slice %arg4[%add3A_85] : memref<320000xi32, #tpu.memory_space<hbm>> -> memref<2000xi32, #tpu.memory_space<hbm>>
        tpu.enqueue_dma source(%dma_start3A_89 : memref<2000xi32, #tpu.memory_space<hbm>>) target(%arg13 : memref<2000xi32, #tpu.memory_space<vmem>>) target_semaphore(%arg16 : memref<!tpu.dma_semaphore, #tpu.memory_space<semaphore_mem>>)
        %dma_start3A_90 = tpu.memref_slice %arg5[%add3A_85] : memref<320000xf32, #tpu.memory_space<hbm>> -> memref<2000xf32, #tpu.memory_space<hbm>>
        %dma_start3A_91 = tpu.memref_slice %arg5[%add3A_85] : memref<320000xf32, #tpu.memory_space<hbm>> -> memref<2000xf32, #tpu.memory_space<hbm>>
        tpu.enqueue_dma source(%dma_start3A_91 : memref<2000xf32, #tpu.memory_space<hbm>>) target(%arg14 : memref<2000xf32, #tpu.memory_space<vmem>>) target_semaphore(%arg16 : memref<!tpu.dma_semaphore, #tpu.memory_space<semaphore_mem>>)
      } else {
      }
    }
    %scan3A_26 = arith.constant 40 : i32
    %mul3A_27 = arith.constant 16 : i32
    %mul3A_28 = arith.muli %arg0, %mul3A_27 : i32
    %add3A_29 = arith.addi %mul3A_28, %arg1 : i32
    %mul3A_30 = arith.constant 40000 : i32
    %mul3A_31 = arith.muli %add3A_29, %mul3A_30 : i32
    "tpu.region"() ({
      %run_scoped3A = tpu.sem_alloc : memref<!tpu.dma_semaphore, #tpu.memory_space<semaphore_mem>>
      %dma_start3A_32 = tpu.memref_slice %arg6[%mul3A_31] : memref<1280000xf32, #tpu.memory_space<hbm>> -> memref<40000xf32, #tpu.memory_space<hbm>>
      %dma_start3A_33 = tpu.memref_slice %arg6[%mul3A_31] : memref<1280000xf32, #tpu.memory_space<hbm>> -> memref<40000xf32, #tpu.memory_space<hbm>>
      tpu.enqueue_dma source(%arg8 : memref<40000xf32, #tpu.memory_space<vmem>>) target(%dma_start3A_33 : memref<40000xf32, #tpu.memory_space<hbm>>) target_semaphore(%run_scoped3A : memref<!tpu.dma_semaphore, #tpu.memory_space<semaphore_mem>>)
      %dma_wait3A = tpu.memref_slice %arg6[%mul3A_31] : memref<1280000xf32, #tpu.memory_space<hbm>> -> memref<40000xf32, #tpu.memory_space<hbm>>
      %dma_wait3A_34 = tpu.memref_slice %arg6[%mul3A_31] : memref<1280000xf32, #tpu.memory_space<hbm>> -> memref<40000xf32, #tpu.memory_space<hbm>>
      tpu.wait_dma2 semaphore(%run_scoped3A : memref<!tpu.dma_semaphore, #tpu.memory_space<semaphore_mem>>) src(%arg8 : memref<40000xf32, #tpu.memory_space<vmem>>) dst(%dma_wait3A_34 : memref<40000xf32, #tpu.memory_space<hbm>>)
      tpu.yield
    }) : () -> ()
    return
  }
}

#map = affine_map<(d0, d1) -> (0)>
module attributes {stable_mosaic.version = 14 : i64} {
  func.func @_sc_edge_body(%arg0: i32, %arg1: i32, %arg2: memref<640000xf32, #tpu.memory_space<hbm>>, %arg3: memref<320000xi32, #tpu.memory_space<hbm>>, %arg4: memref<320000xi32, #tpu.memory_space<hbm>>, %arg5: memref<320000xf32, #tpu.memory_space<hbm>>, %arg6: memref<1280000xf32, #tpu.memory_space<hbm>>, %arg7: memref<40000xf32, #tpu.memory_space<vmem>>, %arg8: memref<40000xf32, #tpu.memory_space<vmem>>, %arg9: memref<2000xi32, #tpu.memory_space<vmem>>, %arg10: memref<2000xi32, #tpu.memory_space<vmem>>, %arg11: memref<2000xf32, #tpu.memory_space<vmem>>, %arg12: memref<2000xi32, #tpu.memory_space<vmem>>, %arg13: memref<2000xi32, #tpu.memory_space<vmem>>, %arg14: memref<2000xf32, #tpu.memory_space<vmem>>, %arg15: memref<!tpu.dma_semaphore, #tpu.memory_space<semaphore_mem>>, %arg16: memref<!tpu.dma_semaphore, #tpu.memory_space<semaphore_mem>>) attributes {dimension_semantics = [#tpu.dimension_semantics<core_parallel>, #tpu.dimension_semantics<subcore_parallel>], iteration_bounds = array<i64: 2, 16>, scalar_prefetch = 0 : i64, scratch_operands = 10 : i64, tpu.core_type = #tpu.core_type<sc_vector_subcore>, window_params = [{transform_indices = #map}, {transform_indices = #map}, {transform_indices = #map}, {transform_indices = #map}, {transform_indices = #map}]} {
    %mul3A = arith.constant 160000 : i32
    %mul3A_0 = arith.muli %arg0, %mul3A : i32
    %add3A = arith.constant 0 : i32
    %add3A_1 = arith.addi %mul3A_0, %add3A : i32
    %dma_start3A = tpu.memref_slice %arg3[%add3A_1] : memref<320000xi32, #tpu.memory_space<hbm>> -> memref<2000xi32, #tpu.memory_space<hbm>>
    %dma_start3A_2 = tpu.memref_slice %arg3[%add3A_1] : memref<320000xi32, #tpu.memory_space<hbm>> -> memref<2000xi32, #tpu.memory_space<hbm>>
    tpu.enqueue_dma source(%dma_start3A_2 : memref<2000xi32, #tpu.memory_space<hbm>>) target(%arg9 : memref<2000xi32, #tpu.memory_space<vmem>>) target_semaphore(%arg15 : memref<!tpu.dma_semaphore, #tpu.memory_space<semaphore_mem>>)
    %dma_start3A_3 = tpu.memref_slice %arg4[%add3A_1] : memref<320000xi32, #tpu.memory_space<hbm>> -> memref<2000xi32, #tpu.memory_space<hbm>>
    %dma_start3A_4 = tpu.memref_slice %arg4[%add3A_1] : memref<320000xi32, #tpu.memory_space<hbm>> -> memref<2000xi32, #tpu.memory_space<hbm>>
    tpu.enqueue_dma source(%dma_start3A_4 : memref<2000xi32, #tpu.memory_space<hbm>>) target(%arg10 : memref<2000xi32, #tpu.memory_space<vmem>>) target_semaphore(%arg15 : memref<!tpu.dma_semaphore, #tpu.memory_space<semaphore_mem>>)
    %dma_start3A_5 = tpu.memref_slice %arg5[%add3A_1] : memref<320000xf32, #tpu.memory_space<hbm>> -> memref<2000xf32, #tpu.memory_space<hbm>>
    %dma_start3A_6 = tpu.memref_slice %arg5[%add3A_1] : memref<320000xf32, #tpu.memory_space<hbm>> -> memref<2000xf32, #tpu.memory_space<hbm>>
    tpu.enqueue_dma source(%dma_start3A_6 : memref<2000xf32, #tpu.memory_space<hbm>>) target(%arg11 : memref<2000xf32, #tpu.memory_space<vmem>>) target_semaphore(%arg15 : memref<!tpu.dma_semaphore, #tpu.memory_space<semaphore_mem>>)
    %mul3A_7 = arith.constant 160000 : i32
    %mul3A_8 = arith.muli %arg0, %mul3A_7 : i32
    %add3A_9 = arith.constant 2000 : i32
    %add3A_10 = arith.addi %mul3A_8, %add3A_9 : i32
    %dma_start3A_11 = tpu.memref_slice %arg3[%add3A_10] : memref<320000xi32, #tpu.memory_space<hbm>> -> memref<2000xi32, #tpu.memory_space<hbm>>
    %dma_start3A_12 = tpu.memref_slice %arg3[%add3A_10] : memref<320000xi32, #tpu.memory_space<hbm>> -> memref<2000xi32, #tpu.memory_space<hbm>>
    tpu.enqueue_dma source(%dma_start3A_12 : memref<2000xi32, #tpu.memory_space<hbm>>) target(%arg12 : memref<2000xi32, #tpu.memory_space<vmem>>) target_semaphore(%arg16 : memref<!tpu.dma_semaphore, #tpu.memory_space<semaphore_mem>>)
    %dma_start3A_13 = tpu.memref_slice %arg4[%add3A_10] : memref<320000xi32, #tpu.memory_space<hbm>> -> memref<2000xi32, #tpu.memory_space<hbm>>
    %dma_start3A_14 = tpu.memref_slice %arg4[%add3A_10] : memref<320000xi32, #tpu.memory_space<hbm>> -> memref<2000xi32, #tpu.memory_space<hbm>>
    tpu.enqueue_dma source(%dma_start3A_14 : memref<2000xi32, #tpu.memory_space<hbm>>) target(%arg13 : memref<2000xi32, #tpu.memory_space<vmem>>) target_semaphore(%arg16 : memref<!tpu.dma_semaphore, #tpu.memory_space<semaphore_mem>>)
    %dma_start3A_15 = tpu.memref_slice %arg5[%add3A_10] : memref<320000xf32, #tpu.memory_space<hbm>> -> memref<2000xf32, #tpu.memory_space<hbm>>
    %dma_start3A_16 = tpu.memref_slice %arg5[%add3A_10] : memref<320000xf32, #tpu.memory_space<hbm>> -> memref<2000xf32, #tpu.memory_space<hbm>>
    tpu.enqueue_dma source(%dma_start3A_16 : memref<2000xf32, #tpu.memory_space<hbm>>) target(%arg14 : memref<2000xf32, #tpu.memory_space<vmem>>) target_semaphore(%arg16 : memref<!tpu.dma_semaphore, #tpu.memory_space<semaphore_mem>>)
    %mul3A_17 = arith.constant 40000 : i32
    %mul3A_18 = arith.muli %arg1, %mul3A_17 : i32
    "tpu.region"() ({
      %run_scoped3A = tpu.sem_alloc : memref<!tpu.dma_semaphore, #tpu.memory_space<semaphore_mem>>
      %dma_start3A_32 = tpu.memref_slice %arg2[%mul3A_18] : memref<640000xf32, #tpu.memory_space<hbm>> -> memref<40000xf32, #tpu.memory_space<hbm>>
      %dma_start3A_33 = tpu.memref_slice %arg2[%mul3A_18] : memref<640000xf32, #tpu.memory_space<hbm>> -> memref<40000xf32, #tpu.memory_space<hbm>>
      tpu.enqueue_dma source(%dma_start3A_33 : memref<40000xf32, #tpu.memory_space<hbm>>) target(%arg7 : memref<40000xf32, #tpu.memory_space<vmem>>) target_semaphore(%run_scoped3A : memref<!tpu.dma_semaphore, #tpu.memory_space<semaphore_mem>>)
      %dma_wait3A = tpu.memref_slice %arg2[%mul3A_18] : memref<640000xf32, #tpu.memory_space<hbm>> -> memref<40000xf32, #tpu.memory_space<hbm>>
      %dma_wait3A_34 = tpu.memref_slice %arg2[%mul3A_18] : memref<640000xf32, #tpu.memory_space<hbm>> -> memref<40000xf32, #tpu.memory_space<hbm>>
      tpu.wait_dma2 semaphore(%run_scoped3A : memref<!tpu.dma_semaphore, #tpu.memory_space<semaphore_mem>>) src(%dma_wait3A_34 : memref<40000xf32, #tpu.memory_space<hbm>>) dst(%arg7 : memref<40000xf32, #tpu.memory_space<vmem>>)
      tpu.yield
    }) : () -> ()
    %broadcast_in_dim3A = arith.constant 0.000000e+00 : f32
    %broadcast_in_dim3A_19 = vector.broadcast %broadcast_in_dim3A : f32 to vector<16xf32>
    %parallel_loop3A = arith.constant 0 : i32
    %parallel_loop3A_20 = arith.constant 2500 : i32
    %parallel_loop3A_21 = arith.constant 1 : i32
    scf.for %parallel_loop3A_32 = %parallel_loop3A to %parallel_loop3A_20 step %parallel_loop3A_21  : i32 {
      %parallel_loop3A_33 = arith.constant 16 : i32
      %parallel_loop3A_34 = arith.muli %parallel_loop3A_32, %parallel_loop3A_33 : i32
      %parallel_loop3A_35 = arith.index_cast %parallel_loop3A_34 : i32 to index
      %parallel_loop3A_36 = tpu.vector_load %arg8[%parallel_loop3A_35] {strides = array<i32>} : memref<40000xf32, #tpu.memory_space<vmem>>, vector<16xf32>,
      tpu.vector_store %arg8[%parallel_loop3A_35], %broadcast_in_dim3A_19 {strides = array<i32>} : memref<40000xf32, #tpu.memory_space<vmem>>, vector<16xf32>,
    } {sc.loop_unroll_factor = 8 : i64, sc.parallel_access}
    %scan3A = arith.constant 0 : i32
    %scan3A_22 = arith.constant 0 : i32
    %scan3A_23 = arith.constant 40 : i32
    %scan3A_24 = arith.addi %scan3A_22, %scan3A_23 : i32
    %scan3A_25 = arith.constant 1 : i32
    scf.for %scan3A_32 = %scan3A_22 to %scan3A_24 step %scan3A_25  : i32 {
      %mul3A_33 = arith.constant 2 : i32
      %mul3A_34 = arith.muli %mul3A_33, %scan3A_32 : i32
      %add3A_35 = arith.constant 0 : i32
      %add3A_36 = arith.addi %mul3A_34, %add3A_35 : i32
      %mul3A_37 = arith.constant 160000 : i32
      %mul3A_38 = arith.muli %arg0, %mul3A_37 : i32
      %mul3A_39 = arith.constant 2000 : i32
      %mul3A_40 = arith.muli %add3A_36, %mul3A_39 : i32
      %add3A_41 = arith.addi %mul3A_38, %mul3A_40 : i32
      %dma_wait3A = tpu.memref_slice %arg3[%add3A_41] : memref<320000xi32, #tpu.memory_space<hbm>> -> memref<2000xi32, #tpu.memory_space<hbm>>
      %dma_wait3A_42 = tpu.memref_slice %arg3[%add3A_41] : memref<320000xi32, #tpu.memory_space<hbm>> -> memref<2000xi32, #tpu.memory_space<hbm>>
      tpu.wait_dma2 semaphore(%arg15 : memref<!tpu.dma_semaphore, #tpu.memory_space<semaphore_mem>>) src(%dma_wait3A_42 : memref<2000xi32, #tpu.memory_space<hbm>>) dst(%arg9 : memref<2000xi32, #tpu.memory_space<vmem>>)
      %dma_wait3A_43 = tpu.memref_slice %arg4[%add3A_41] : memref<320000xi32, #tpu.memory_space<hbm>> -> memref<2000xi32, #tpu.memory_space<hbm>>
      %dma_wait3A_44 = tpu.memref_slice %arg4[%add3A_41] : memref<320000xi32, #tpu.memory_space<hbm>> -> memref<2000xi32, #tpu.memory_space<hbm>>
      tpu.wait_dma2 semaphore(%arg15 : memref<!tpu.dma_semaphore, #tpu.memory_space<semaphore_mem>>) src(%dma_wait3A_44 : memref<2000xi32, #tpu.memory_space<hbm>>) dst(%arg10 : memref<2000xi32, #tpu.memory_space<vmem>>)
      %dma_wait3A_45 = tpu.memref_slice %arg5[%add3A_41] : memref<320000xf32, #tpu.memory_space<hbm>> -> memref<2000xf32, #tpu.memory_space<hbm>>
      %dma_wait3A_46 = tpu.memref_slice %arg5[%add3A_41] : memref<320000xf32, #tpu.memory_space<hbm>> -> memref<2000xf32, #tpu.memory_space<hbm>>
      tpu.wait_dma2 semaphore(%arg15 : memref<!tpu.dma_semaphore, #tpu.memory_space<semaphore_mem>>) src(%dma_wait3A_46 : memref<2000xf32, #tpu.memory_space<hbm>>) dst(%arg11 : memref<2000xf32, #tpu.memory_space<vmem>>)
      %parallel_loop3A_47 = arith.constant 0 : i32
      %parallel_loop3A_48 = arith.constant 2000 : i32
      %parallel_loop3A_49 = arith.constant 16 : i32
      scf.for %parallel_loop3A_79 = %parallel_loop3A_47 to %parallel_loop3A_48 step %parallel_loop3A_49  : i32 {
        %parallel_loop3A_80 = arith.index_cast %parallel_loop3A_79 : i32 to index
        %parallel_loop3A_81 = tpu.vector_load %arg9[%parallel_loop3A_80] {strides = array<i32>} : memref<2000xi32, #tpu.memory_space<vmem>>, vector<16xi32>,
        %parallel_loop3A_82 = arith.index_cast %parallel_loop3A_79 : i32 to index
        %parallel_loop3A_83 = tpu.vector_load %arg10[%parallel_loop3A_82] {strides = array<i32>} : memref<2000xi32, #tpu.memory_space<vmem>>, vector<16xi32>,
        %parallel_loop3A_84 = arith.index_cast %parallel_loop3A_79 : i32 to index
        %parallel_loop3A_85 = tpu.vector_load %arg11[%parallel_loop3A_84] {strides = array<i32>} : memref<2000xf32, #tpu.memory_space<vmem>>, vector<16xf32>,
        %parallel_loop3A_86 = arith.constant 0 : i32
        %parallel_loop3A_87 = tpu.memref_slice %arg7[%parallel_loop3A_86] : memref<40000xf32, #tpu.memory_space<vmem>> -> memref<10000xf32, #tpu.memory_space<vmem>>
        %parallel_loop3A_88 = tpu.vector_load_idx %parallel_loop3A_87[%parallel_loop3A_81] : memref<10000xf32, #tpu.memory_space<vmem>>[vector<16xi32>], vector<16xf32>,
        %parallel_loop3A_89 = arith.mulf %parallel_loop3A_88, %parallel_loop3A_85 : vector<16xf32>
        %parallel_loop3A_90 = arith.constant 0 : i32
        %parallel_loop3A_91 = tpu.memref_slice %arg8[%parallel_loop3A_90] : memref<40000xf32, #tpu.memory_space<vmem>> -> memref<10000xf32, #tpu.memory_space<vmem>>
        tpu.vector_store_idx %parallel_loop3A_91[%parallel_loop3A_83], %parallel_loop3A_89 {add = true} : memref<10000xf32, #tpu.memory_space<vmem>>[vector<16xi32>], vector<16xf32>,
        %parallel_loop3A_92 = arith.constant 10000 : i32
        %parallel_loop3A_93 = tpu.memref_slice %arg7[%parallel_loop3A_92] : memref<40000xf32, #tpu.memory_space<vmem>> -> memref<10000xf32, #tpu.memory_space<vmem>>
        %parallel_loop3A_94 = tpu.vector_load_idx %parallel_loop3A_93[%parallel_loop3A_81] : memref<10000xf32, #tpu.memory_space<vmem>>[vector<16xi32>], vector<16xf32>,
        %parallel_loop3A_95 = arith.mulf %parallel_loop3A_94, %parallel_loop3A_85 : vector<16xf32>
        %parallel_loop3A_96 = arith.constant 10000 : i32
        %parallel_loop3A_97 = tpu.memref_slice %arg8[%parallel_loop3A_96] : memref<40000xf32, #tpu.memory_space<vmem>> -> memref<10000xf32, #tpu.memory_space<vmem>>
        tpu.vector_store_idx %parallel_loop3A_97[%parallel_loop3A_83], %parallel_loop3A_95 {add = true} : memref<10000xf32, #tpu.memory_space<vmem>>[vector<16xi32>], vector<16xf32>,
        %parallel_loop3A_98 = arith.constant 20000 : i32
        %parallel_loop3A_99 = tpu.memref_slice %arg7[%parallel_loop3A_98] : memref<40000xf32, #tpu.memory_space<vmem>> -> memref<10000xf32, #tpu.memory_space<vmem>>
        %parallel_loop3A_100 = tpu.vector_load_idx %parallel_loop3A_99[%parallel_loop3A_81] : memref<10000xf32, #tpu.memory_space<vmem>>[vector<16xi32>], vector<16xf32>,
        %parallel_loop3A_101 = arith.mulf %parallel_loop3A_100, %parallel_loop3A_85 : vector<16xf32>
        %parallel_loop3A_102 = arith.constant 20000 : i32
        %parallel_loop3A_103 = tpu.memref_slice %arg8[%parallel_loop3A_102] : memref<40000xf32, #tpu.memory_space<vmem>> -> memref<10000xf32, #tpu.memory_space<vmem>>
        tpu.vector_store_idx %parallel_loop3A_103[%parallel_loop3A_83], %parallel_loop3A_101 {add = true} : memref<10000xf32, #tpu.memory_space<vmem>>[vector<16xi32>], vector<16xf32>,
        %parallel_loop3A_104 = arith.constant 30000 : i32
        %parallel_loop3A_105 = tpu.memref_slice %arg7[%parallel_loop3A_104] : memref<40000xf32, #tpu.memory_space<vmem>> -> memref<10000xf32, #tpu.memory_space<vmem>>
        %parallel_loop3A_106 = tpu.vector_load_idx %parallel_loop3A_105[%parallel_loop3A_81] : memref<10000xf32, #tpu.memory_space<vmem>>[vector<16xi32>], vector<16xf32>,
        %parallel_loop3A_107 = arith.mulf %parallel_loop3A_106, %parallel_loop3A_85 : vector<16xf32>
        %parallel_loop3A_108 = arith.constant 30000 : i32
        %parallel_loop3A_109 = tpu.memref_slice %arg8[%parallel_loop3A_108] : memref<40000xf32, #tpu.memory_space<vmem>> -> memref<10000xf32, #tpu.memory_space<vmem>>
        tpu.vector_store_idx %parallel_loop3A_109[%parallel_loop3A_83], %parallel_loop3A_107 {add = true} : memref<10000xf32, #tpu.memory_space<vmem>>[vector<16xi32>], vector<16xf32>,
      } {sc.loop_unroll_factor = 2 : i64, sc.parallel_access}
      %add3A_50 = arith.constant 2 : i32
      %add3A_51 = arith.addi %add3A_36, %add3A_50 : i32
      %lt3A = arith.constant 80 : i32
      %lt3A_52 = arith.cmpi slt, %add3A_51, %lt3A : i32
      %convert_element_type3A = arith.extui %lt3A_52 : i1 to i32
      %cond3A = arith.constant 0 : i32
      %cond3A_53 = arith.cmpi ne, %convert_element_type3A, %cond3A : i32
      scf.if %cond3A_53 {
        %add3A_79 = arith.constant 2 : i32
        %add3A_80 = arith.addi %add3A_36, %add3A_79 : i32
        %mul3A_81 = arith.constant 160000 : i32
        %mul3A_82 = arith.muli %arg0, %mul3A_81 : i32
        %mul3A_83 = arith.constant 2000 : i32
        %mul3A_84 = arith.muli %add3A_80, %mul3A_83 : i32
        %add3A_85 = arith.addi %mul3A_82, %mul3A_84 : i32
        %dma_start3A_86 = tpu.memref_slice %arg3[%add3A_85] : memref<320000xi32, #tpu.memory_space<hbm>> -> memref<2000xi32, #tpu.memory_space<hbm>>
        %dma_start3A_87 = tpu.memref_slice %arg3[%add3A_85] : memref<320000xi32, #tpu.memory_space<hbm>> -> memref<2000xi32, #tpu.memory_space<hbm>>
        tpu.enqueue_dma source(%dma_start3A_87 : memref<2000xi32, #tpu.memory_space<hbm>>) target(%arg9 : memref<2000xi32, #tpu.memory_space<vmem>>) target_semaphore(%arg15 : memref<!tpu.dma_semaphore, #tpu.memory_space<semaphore_mem>>)
        %dma_start3A_88 = tpu.memref_slice %arg4[%add3A_85] : memref<320000xi32, #tpu.memory_space<hbm>> -> memref<2000xi32, #tpu.memory_space<hbm>>
        %dma_start3A_89 = tpu.memref_slice %arg4[%add3A_85] : memref<320000xi32, #tpu.memory_space<hbm>> -> memref<2000xi32, #tpu.memory_space<hbm>>
        tpu.enqueue_dma source(%dma_start3A_89 : memref<2000xi32, #tpu.memory_space<hbm>>) target(%arg10 : memref<2000xi32, #tpu.memory_space<vmem>>) target_semaphore(%arg15 : memref<!tpu.dma_semaphore, #tpu.memory_space<semaphore_mem>>)
        %dma_start3A_90 = tpu.memref_slice %arg5[%add3A_85] : memref<320000xf32, #tpu.memory_space<hbm>> -> memref<2000xf32, #tpu.memory_space<hbm>>
        %dma_start3A_91 = tpu.memref_slice %arg5[%add3A_85] : memref<320000xf32, #tpu.memory_space<hbm>> -> memref<2000xf32, #tpu.memory_space<hbm>>
        tpu.enqueue_dma source(%dma_start3A_91 : memref<2000xf32, #tpu.memory_space<hbm>>) target(%arg11 : memref<2000xf32, #tpu.memory_space<vmem>>) target_semaphore(%arg15 : memref<!tpu.dma_semaphore, #tpu.memory_space<semaphore_mem>>)
      } else {
      }
      %mul3A_54 = arith.constant 2 : i32
      %mul3A_55 = arith.muli %mul3A_54, %scan3A_32 : i32
      %add3A_56 = arith.constant 1 : i32
      %add3A_57 = arith.addi %mul3A_55, %add3A_56 : i32
      %mul3A_58 = arith.constant 160000 : i32
      %mul3A_59 = arith.muli %arg0, %mul3A_58 : i32
      %mul3A_60 = arith.constant 2000 : i32
      %mul3A_61 = arith.muli %add3A_57, %mul3A_60 : i32
      %add3A_62 = arith.addi %mul3A_59, %mul3A_61 : i32
      %dma_wait3A_63 = tpu.memref_slice %arg3[%add3A_62] : memref<320000xi32, #tpu.memory_space<hbm>> -> memref<2000xi32, #tpu.memory_space<hbm>>
      %dma_wait3A_64 = tpu.memref_slice %arg3[%add3A_62] : memref<320000xi32, #tpu.memory_space<hbm>> -> memref<2000xi32, #tpu.memory_space<hbm>>
      tpu.wait_dma2 semaphore(%arg16 : memref<!tpu.dma_semaphore, #tpu.memory_space<semaphore_mem>>) src(%dma_wait3A_64 : memref<2000xi32, #tpu.memory_space<hbm>>) dst(%arg12 : memref<2000xi32, #tpu.memory_space<vmem>>)
      %dma_wait3A_65 = tpu.memref_slice %arg4[%add3A_62] : memref<320000xi32, #tpu.memory_space<hbm>> -> memref<2000xi32, #tpu.memory_space<hbm>>
      %dma_wait3A_66 = tpu.memref_slice %arg4[%add3A_62] : memref<320000xi32, #tpu.memory_space<hbm>> -> memref<2000xi32, #tpu.memory_space<hbm>>
      tpu.wait_dma2 semaphore(%arg16 : memref<!tpu.dma_semaphore, #tpu.memory_space<semaphore_mem>>) src(%dma_wait3A_66 : memref<2000xi32, #tpu.memory_space<hbm>>) dst(%arg13 : memref<2000xi32, #tpu.memory_space<vmem>>)
      %dma_wait3A_67 = tpu.memref_slice %arg5[%add3A_62] : memref<320000xf32, #tpu.memory_space<hbm>> -> memref<2000xf32, #tpu.memory_space<hbm>>
      %dma_wait3A_68 = tpu.memref_slice %arg5[%add3A_62] : memref<320000xf32, #tpu.memory_space<hbm>> -> memref<2000xf32, #tpu.memory_space<hbm>>
      tpu.wait_dma2 semaphore(%arg16 : memref<!tpu.dma_semaphore, #tpu.memory_space<semaphore_mem>>) src(%dma_wait3A_68 : memref<2000xf32, #tpu.memory_space<hbm>>) dst(%arg14 : memref<2000xf32, #tpu.memory_space<vmem>>)
      %parallel_loop3A_69 = arith.constant 0 : i32
      %parallel_loop3A_70 = arith.constant 2000 : i32
      %parallel_loop3A_71 = arith.constant 16 : i32
      scf.for %parallel_loop3A_79 = %parallel_loop3A_69 to %parallel_loop3A_70 step %parallel_loop3A_71  : i32 {
        %parallel_loop3A_80 = arith.index_cast %parallel_loop3A_79 : i32 to index
        %parallel_loop3A_81 = tpu.vector_load %arg12[%parallel_loop3A_80] {strides = array<i32>} : memref<2000xi32, #tpu.memory_space<vmem>>, vector<16xi32>,
        %parallel_loop3A_82 = arith.index_cast %parallel_loop3A_79 : i32 to index
        %parallel_loop3A_83 = tpu.vector_load %arg13[%parallel_loop3A_82] {strides = array<i32>} : memref<2000xi32, #tpu.memory_space<vmem>>, vector<16xi32>,
        %parallel_loop3A_84 = arith.index_cast %parallel_loop3A_79 : i32 to index
        %parallel_loop3A_85 = tpu.vector_load %arg14[%parallel_loop3A_84] {strides = array<i32>} : memref<2000xf32, #tpu.memory_space<vmem>>, vector<16xf32>,
        %parallel_loop3A_86 = arith.constant 0 : i32
        %parallel_loop3A_87 = tpu.memref_slice %arg7[%parallel_loop3A_86] : memref<40000xf32, #tpu.memory_space<vmem>> -> memref<10000xf32, #tpu.memory_space<vmem>>
        %parallel_loop3A_88 = tpu.vector_load_idx %parallel_loop3A_87[%parallel_loop3A_81] : memref<10000xf32, #tpu.memory_space<vmem>>[vector<16xi32>], vector<16xf32>,
        %parallel_loop3A_89 = arith.mulf %parallel_loop3A_88, %parallel_loop3A_85 : vector<16xf32>
        %parallel_loop3A_90 = arith.constant 0 : i32
        %parallel_loop3A_91 = tpu.memref_slice %arg8[%parallel_loop3A_90] : memref<40000xf32, #tpu.memory_space<vmem>> -> memref<10000xf32, #tpu.memory_space<vmem>>
        tpu.vector_store_idx %parallel_loop3A_91[%parallel_loop3A_83], %parallel_loop3A_89 {add = true} : memref<10000xf32, #tpu.memory_space<vmem>>[vector<16xi32>], vector<16xf32>,
        %parallel_loop3A_92 = arith.constant 10000 : i32
        %parallel_loop3A_93 = tpu.memref_slice %arg7[%parallel_loop3A_92] : memref<40000xf32, #tpu.memory_space<vmem>> -> memref<10000xf32, #tpu.memory_space<vmem>>
        %parallel_loop3A_94 = tpu.vector_load_idx %parallel_loop3A_93[%parallel_loop3A_81] : memref<10000xf32, #tpu.memory_space<vmem>>[vector<16xi32>], vector<16xf32>,
        %parallel_loop3A_95 = arith.mulf %parallel_loop3A_94, %parallel_loop3A_85 : vector<16xf32>
        %parallel_loop3A_96 = arith.constant 10000 : i32
        %parallel_loop3A_97 = tpu.memref_slice %arg8[%parallel_loop3A_96] : memref<40000xf32, #tpu.memory_space<vmem>> -> memref<10000xf32, #tpu.memory_space<vmem>>
        tpu.vector_store_idx %parallel_loop3A_97[%parallel_loop3A_83], %parallel_loop3A_95 {add = true} : memref<10000xf32, #tpu.memory_space<vmem>>[vector<16xi32>], vector<16xf32>,
        %parallel_loop3A_98 = arith.constant 20000 : i32
        %parallel_loop3A_99 = tpu.memref_slice %arg7[%parallel_loop3A_98] : memref<40000xf32, #tpu.memory_space<vmem>> -> memref<10000xf32, #tpu.memory_space<vmem>>
        %parallel_loop3A_100 = tpu.vector_load_idx %parallel_loop3A_99[%parallel_loop3A_81] : memref<10000xf32, #tpu.memory_space<vmem>>[vector<16xi32>], vector<16xf32>,
        %parallel_loop3A_101 = arith.mulf %parallel_loop3A_100, %parallel_loop3A_85 : vector<16xf32>
        %parallel_loop3A_102 = arith.constant 20000 : i32
        %parallel_loop3A_103 = tpu.memref_slice %arg8[%parallel_loop3A_102] : memref<40000xf32, #tpu.memory_space<vmem>> -> memref<10000xf32, #tpu.memory_space<vmem>>
        tpu.vector_store_idx %parallel_loop3A_103[%parallel_loop3A_83], %parallel_loop3A_101 {add = true} : memref<10000xf32, #tpu.memory_space<vmem>>[vector<16xi32>], vector<16xf32>,
        %parallel_loop3A_104 = arith.constant 30000 : i32
        %parallel_loop3A_105 = tpu.memref_slice %arg7[%parallel_loop3A_104] : memref<40000xf32, #tpu.memory_space<vmem>> -> memref<10000xf32, #tpu.memory_space<vmem>>
        %parallel_loop3A_106 = tpu.vector_load_idx %parallel_loop3A_105[%parallel_loop3A_81] : memref<10000xf32, #tpu.memory_space<vmem>>[vector<16xi32>], vector<16xf32>,
        %parallel_loop3A_107 = arith.mulf %parallel_loop3A_106, %parallel_loop3A_85 : vector<16xf32>
        %parallel_loop3A_108 = arith.constant 30000 : i32
        %parallel_loop3A_109 = tpu.memref_slice %arg8[%parallel_loop3A_108] : memref<40000xf32, #tpu.memory_space<vmem>> -> memref<10000xf32, #tpu.memory_space<vmem>>
        tpu.vector_store_idx %parallel_loop3A_109[%parallel_loop3A_83], %parallel_loop3A_107 {add = true} : memref<10000xf32, #tpu.memory_space<vmem>>[vector<16xi32>], vector<16xf32>,
      } {sc.loop_unroll_factor = 2 : i64, sc.parallel_access}
      %add3A_72 = arith.constant 2 : i32
      %add3A_73 = arith.addi %add3A_57, %add3A_72 : i32
      %lt3A_74 = arith.constant 80 : i32
      %lt3A_75 = arith.cmpi slt, %add3A_73, %lt3A_74 : i32
      %convert_element_type3A_76 = arith.extui %lt3A_75 : i1 to i32
      %cond3A_77 = arith.constant 0 : i32
      %cond3A_78 = arith.cmpi ne, %convert_element_type3A_76, %cond3A_77 : i32
      scf.if %cond3A_78 {
        %add3A_79 = arith.constant 2 : i32
        %add3A_80 = arith.addi %add3A_57, %add3A_79 : i32
        %mul3A_81 = arith.constant 160000 : i32
        %mul3A_82 = arith.muli %arg0, %mul3A_81 : i32
        %mul3A_83 = arith.constant 2000 : i32
        %mul3A_84 = arith.muli %add3A_80, %mul3A_83 : i32
        %add3A_85 = arith.addi %mul3A_82, %mul3A_84 : i32
        %dma_start3A_86 = tpu.memref_slice %arg3[%add3A_85] : memref<320000xi32, #tpu.memory_space<hbm>> -> memref<2000xi32, #tpu.memory_space<hbm>>
        %dma_start3A_87 = tpu.memref_slice %arg3[%add3A_85] : memref<320000xi32, #tpu.memory_space<hbm>> -> memref<2000xi32, #tpu.memory_space<hbm>>
        tpu.enqueue_dma source(%dma_start3A_87 : memref<2000xi32, #tpu.memory_space<hbm>>) target(%arg12 : memref<2000xi32, #tpu.memory_space<vmem>>) target_semaphore(%arg16 : memref<!tpu.dma_semaphore, #tpu.memory_space<semaphore_mem>>)
        %dma_start3A_88 = tpu.memref_slice %arg4[%add3A_85] : memref<320000xi32, #tpu.memory_space<hbm>> -> memref<2000xi32, #tpu.memory_space<hbm>>
        %dma_start3A_89 = tpu.memref_slice %arg4[%add3A_85] : memref<320000xi32, #tpu.memory_space<hbm>> -> memref<2000xi32, #tpu.memory_space<hbm>>
        tpu.enqueue_dma source(%dma_start3A_89 : memref<2000xi32, #tpu.memory_space<hbm>>) target(%arg13 : memref<2000xi32, #tpu.memory_space<vmem>>) target_semaphore(%arg16 : memref<!tpu.dma_semaphore, #tpu.memory_space<semaphore_mem>>)
        %dma_start3A_90 = tpu.memref_slice %arg5[%add3A_85] : memref<320000xf32, #tpu.memory_space<hbm>> -> memref<2000xf32, #tpu.memory_space<hbm>>
        %dma_start3A_91 = tpu.memref_slice %arg5[%add3A_85] : memref<320000xf32, #tpu.memory_space<hbm>> -> memref<2000xf32, #tpu.memory_space<hbm>>
        tpu.enqueue_dma source(%dma_start3A_91 : memref<2000xf32, #tpu.memory_space<hbm>>) target(%arg14 : memref<2000xf32, #tpu.memory_space<vmem>>) target_semaphore(%arg16 : memref<!tpu.dma_semaphore, #tpu.memory_space<semaphore_mem>>)
      } else {
      }
    }
    %scan3A_26 = arith.constant 40 : i32
    %mul3A_27 = arith.constant 16 : i32
    %mul3A_28 = arith.muli %arg0, %mul3A_27 : i32
    %add3A_29 = arith.addi %mul3A_28, %arg1 : i32
    %mul3A_30 = arith.constant 40000 : i32
    %mul3A_31 = arith.muli %add3A_29, %mul3A_30 : i32
    "tpu.region"() ({
      %run_scoped3A = tpu.sem_alloc : memref<!tpu.dma_semaphore, #tpu.memory_space<semaphore_mem>>
      %dma_start3A_32 = tpu.memref_slice %arg6[%mul3A_31] : memref<1280000xf32, #tpu.memory_space<hbm>> -> memref<40000xf32, #tpu.memory_space<hbm>>
      %dma_start3A_33 = tpu.memref_slice %arg6[%mul3A_31] : memref<1280000xf32, #tpu.memory_space<hbm>> -> memref<40000xf32, #tpu.memory_space<hbm>>
      tpu.enqueue_dma source(%arg8 : memref<40000xf32, #tpu.memory_space<vmem>>) target(%dma_start3A_33 : memref<40000xf32, #tpu.memory_space<hbm>>) target_semaphore(%run_scoped3A : memref<!tpu.dma_semaphore, #tpu.memory_space<semaphore_mem>>)
      %dma_wait3A = tpu.memref_slice %arg6[%mul3A_31] : memref<1280000xf32, #tpu.memory_space<hbm>> -> memref<40000xf32, #tpu.memory_space<hbm>>
      %dma_wait3A_34 = tpu.memref_slice %arg6[%mul3A_31] : memref<1280000xf32, #tpu.memory_space<hbm>> -> memref<40000xf32, #tpu.memory_space<hbm>>
      tpu.wait_dma2 semaphore(%run_scoped3A : memref<!tpu.dma_semaphore, #tpu.memory_space<semaphore_mem>>) src(%arg8 : memref<40000xf32, #tpu.memory_space<vmem>>) dst(%dma_wait3A_34 : memref<40000xf32, #tpu.memory_space<hbm>>)
      tpu.yield
    }) : () -> ()
    return
  }
}

#map = affine_map<(d0, d1) -> (0)>
module attributes {stable_mosaic.version = 14 : i64} {
  func.func @_sc_edge_body(%arg0: i32, %arg1: i32, %arg2: memref<640000xf32, #tpu.memory_space<hbm>>, %arg3: memref<320000xi32, #tpu.memory_space<hbm>>, %arg4: memref<320000xi32, #tpu.memory_space<hbm>>, %arg5: memref<320000xf32, #tpu.memory_space<hbm>>, %arg6: memref<1280000xf32, #tpu.memory_space<hbm>>, %arg7: memref<40000xf32, #tpu.memory_space<vmem>>, %arg8: memref<40000xf32, #tpu.memory_space<vmem>>, %arg9: memref<2000xi32, #tpu.memory_space<vmem>>, %arg10: memref<2000xi32, #tpu.memory_space<vmem>>, %arg11: memref<2000xf32, #tpu.memory_space<vmem>>, %arg12: memref<2000xi32, #tpu.memory_space<vmem>>, %arg13: memref<2000xi32, #tpu.memory_space<vmem>>, %arg14: memref<2000xf32, #tpu.memory_space<vmem>>, %arg15: memref<!tpu.dma_semaphore, #tpu.memory_space<semaphore_mem>>, %arg16: memref<!tpu.dma_semaphore, #tpu.memory_space<semaphore_mem>>) attributes {dimension_semantics = [#tpu.dimension_semantics<core_parallel>, #tpu.dimension_semantics<subcore_parallel>], iteration_bounds = array<i64: 2, 16>, scalar_prefetch = 0 : i64, scratch_operands = 10 : i64, tpu.core_type = #tpu.core_type<sc_vector_subcore>, window_params = [{transform_indices = #map}, {transform_indices = #map}, {transform_indices = #map}, {transform_indices = #map}, {transform_indices = #map}]} {
    %mul3A = arith.constant 160000 : i32
    %mul3A_0 = arith.muli %arg0, %mul3A : i32
    %add3A = arith.constant 0 : i32
    %add3A_1 = arith.addi %mul3A_0, %add3A : i32
    %dma_start3A = tpu.memref_slice %arg3[%add3A_1] : memref<320000xi32, #tpu.memory_space<hbm>> -> memref<2000xi32, #tpu.memory_space<hbm>>
    %dma_start3A_2 = tpu.memref_slice %arg3[%add3A_1] : memref<320000xi32, #tpu.memory_space<hbm>> -> memref<2000xi32, #tpu.memory_space<hbm>>
    tpu.enqueue_dma source(%dma_start3A_2 : memref<2000xi32, #tpu.memory_space<hbm>>) target(%arg9 : memref<2000xi32, #tpu.memory_space<vmem>>) target_semaphore(%arg15 : memref<!tpu.dma_semaphore, #tpu.memory_space<semaphore_mem>>)
    %dma_start3A_3 = tpu.memref_slice %arg4[%add3A_1] : memref<320000xi32, #tpu.memory_space<hbm>> -> memref<2000xi32, #tpu.memory_space<hbm>>
    %dma_start3A_4 = tpu.memref_slice %arg4[%add3A_1] : memref<320000xi32, #tpu.memory_space<hbm>> -> memref<2000xi32, #tpu.memory_space<hbm>>
    tpu.enqueue_dma source(%dma_start3A_4 : memref<2000xi32, #tpu.memory_space<hbm>>) target(%arg10 : memref<2000xi32, #tpu.memory_space<vmem>>) target_semaphore(%arg15 : memref<!tpu.dma_semaphore, #tpu.memory_space<semaphore_mem>>)
    %dma_start3A_5 = tpu.memref_slice %arg5[%add3A_1] : memref<320000xf32, #tpu.memory_space<hbm>> -> memref<2000xf32, #tpu.memory_space<hbm>>
    %dma_start3A_6 = tpu.memref_slice %arg5[%add3A_1] : memref<320000xf32, #tpu.memory_space<hbm>> -> memref<2000xf32, #tpu.memory_space<hbm>>
    tpu.enqueue_dma source(%dma_start3A_6 : memref<2000xf32, #tpu.memory_space<hbm>>) target(%arg11 : memref<2000xf32, #tpu.memory_space<vmem>>) target_semaphore(%arg15 : memref<!tpu.dma_semaphore, #tpu.memory_space<semaphore_mem>>)
    %mul3A_7 = arith.constant 160000 : i32
    %mul3A_8 = arith.muli %arg0, %mul3A_7 : i32
    %add3A_9 = arith.constant 2000 : i32
    %add3A_10 = arith.addi %mul3A_8, %add3A_9 : i32
    %dma_start3A_11 = tpu.memref_slice %arg3[%add3A_10] : memref<320000xi32, #tpu.memory_space<hbm>> -> memref<2000xi32, #tpu.memory_space<hbm>>
    %dma_start3A_12 = tpu.memref_slice %arg3[%add3A_10] : memref<320000xi32, #tpu.memory_space<hbm>> -> memref<2000xi32, #tpu.memory_space<hbm>>
    tpu.enqueue_dma source(%dma_start3A_12 : memref<2000xi32, #tpu.memory_space<hbm>>) target(%arg12 : memref<2000xi32, #tpu.memory_space<vmem>>) target_semaphore(%arg16 : memref<!tpu.dma_semaphore, #tpu.memory_space<semaphore_mem>>)
    %dma_start3A_13 = tpu.memref_slice %arg4[%add3A_10] : memref<320000xi32, #tpu.memory_space<hbm>> -> memref<2000xi32, #tpu.memory_space<hbm>>
    %dma_start3A_14 = tpu.memref_slice %arg4[%add3A_10] : memref<320000xi32, #tpu.memory_space<hbm>> -> memref<2000xi32, #tpu.memory_space<hbm>>
    tpu.enqueue_dma source(%dma_start3A_14 : memref<2000xi32, #tpu.memory_space<hbm>>) target(%arg13 : memref<2000xi32, #tpu.memory_space<vmem>>) target_semaphore(%arg16 : memref<!tpu.dma_semaphore, #tpu.memory_space<semaphore_mem>>)
    %dma_start3A_15 = tpu.memref_slice %arg5[%add3A_10] : memref<320000xf32, #tpu.memory_space<hbm>> -> memref<2000xf32, #tpu.memory_space<hbm>>
    %dma_start3A_16 = tpu.memref_slice %arg5[%add3A_10] : memref<320000xf32, #tpu.memory_space<hbm>> -> memref<2000xf32, #tpu.memory_space<hbm>>
    tpu.enqueue_dma source(%dma_start3A_16 : memref<2000xf32, #tpu.memory_space<hbm>>) target(%arg14 : memref<2000xf32, #tpu.memory_space<vmem>>) target_semaphore(%arg16 : memref<!tpu.dma_semaphore, #tpu.memory_space<semaphore_mem>>)
    %mul3A_17 = arith.constant 40000 : i32
    %mul3A_18 = arith.muli %arg1, %mul3A_17 : i32
    "tpu.region"() ({
      %run_scoped3A = tpu.sem_alloc : memref<!tpu.dma_semaphore, #tpu.memory_space<semaphore_mem>>
      %dma_start3A_32 = tpu.memref_slice %arg2[%mul3A_18] : memref<640000xf32, #tpu.memory_space<hbm>> -> memref<40000xf32, #tpu.memory_space<hbm>>
      %dma_start3A_33 = tpu.memref_slice %arg2[%mul3A_18] : memref<640000xf32, #tpu.memory_space<hbm>> -> memref<40000xf32, #tpu.memory_space<hbm>>
      tpu.enqueue_dma source(%dma_start3A_33 : memref<40000xf32, #tpu.memory_space<hbm>>) target(%arg7 : memref<40000xf32, #tpu.memory_space<vmem>>) target_semaphore(%run_scoped3A : memref<!tpu.dma_semaphore, #tpu.memory_space<semaphore_mem>>)
      %dma_wait3A = tpu.memref_slice %arg2[%mul3A_18] : memref<640000xf32, #tpu.memory_space<hbm>> -> memref<40000xf32, #tpu.memory_space<hbm>>
      %dma_wait3A_34 = tpu.memref_slice %arg2[%mul3A_18] : memref<640000xf32, #tpu.memory_space<hbm>> -> memref<40000xf32, #tpu.memory_space<hbm>>
      tpu.wait_dma2 semaphore(%run_scoped3A : memref<!tpu.dma_semaphore, #tpu.memory_space<semaphore_mem>>) src(%dma_wait3A_34 : memref<40000xf32, #tpu.memory_space<hbm>>) dst(%arg7 : memref<40000xf32, #tpu.memory_space<vmem>>)
      tpu.yield
    }) : () -> ()
    %broadcast_in_dim3A = arith.constant 0.000000e+00 : f32
    %broadcast_in_dim3A_19 = vector.broadcast %broadcast_in_dim3A : f32 to vector<16xf32>
    %parallel_loop3A = arith.constant 0 : i32
    %parallel_loop3A_20 = arith.constant 2500 : i32
    %parallel_loop3A_21 = arith.constant 1 : i32
    scf.for %parallel_loop3A_32 = %parallel_loop3A to %parallel_loop3A_20 step %parallel_loop3A_21  : i32 {
      %parallel_loop3A_33 = arith.constant 16 : i32
      %parallel_loop3A_34 = arith.muli %parallel_loop3A_32, %parallel_loop3A_33 : i32
      %parallel_loop3A_35 = arith.index_cast %parallel_loop3A_34 : i32 to index
      %parallel_loop3A_36 = tpu.vector_load %arg8[%parallel_loop3A_35] {strides = array<i32>} : memref<40000xf32, #tpu.memory_space<vmem>>, vector<16xf32>,
      tpu.vector_store %arg8[%parallel_loop3A_35], %broadcast_in_dim3A_19 {strides = array<i32>} : memref<40000xf32, #tpu.memory_space<vmem>>, vector<16xf32>,
    } {sc.loop_unroll_factor = 8 : i64, sc.parallel_access}
    %scan3A = arith.constant 0 : i32
    %scan3A_22 = arith.constant 0 : i32
    %scan3A_23 = arith.constant 40 : i32
    %scan3A_24 = arith.addi %scan3A_22, %scan3A_23 : i32
    %scan3A_25 = arith.constant 1 : i32
    scf.for %scan3A_32 = %scan3A_22 to %scan3A_24 step %scan3A_25  : i32 {
      %mul3A_33 = arith.constant 2 : i32
      %mul3A_34 = arith.muli %mul3A_33, %scan3A_32 : i32
      %add3A_35 = arith.constant 0 : i32
      %add3A_36 = arith.addi %mul3A_34, %add3A_35 : i32
      %mul3A_37 = arith.constant 160000 : i32
      %mul3A_38 = arith.muli %arg0, %mul3A_37 : i32
      %mul3A_39 = arith.constant 2000 : i32
      %mul3A_40 = arith.muli %add3A_36, %mul3A_39 : i32
      %add3A_41 = arith.addi %mul3A_38, %mul3A_40 : i32
      %dma_wait3A = tpu.memref_slice %arg3[%add3A_41] : memref<320000xi32, #tpu.memory_space<hbm>> -> memref<2000xi32, #tpu.memory_space<hbm>>
      %dma_wait3A_42 = tpu.memref_slice %arg3[%add3A_41] : memref<320000xi32, #tpu.memory_space<hbm>> -> memref<2000xi32, #tpu.memory_space<hbm>>
      tpu.wait_dma2 semaphore(%arg15 : memref<!tpu.dma_semaphore, #tpu.memory_space<semaphore_mem>>) src(%dma_wait3A_42 : memref<2000xi32, #tpu.memory_space<hbm>>) dst(%arg9 : memref<2000xi32, #tpu.memory_space<vmem>>)
      %dma_wait3A_43 = tpu.memref_slice %arg4[%add3A_41] : memref<320000xi32, #tpu.memory_space<hbm>> -> memref<2000xi32, #tpu.memory_space<hbm>>
      %dma_wait3A_44 = tpu.memref_slice %arg4[%add3A_41] : memref<320000xi32, #tpu.memory_space<hbm>> -> memref<2000xi32, #tpu.memory_space<hbm>>
      tpu.wait_dma2 semaphore(%arg15 : memref<!tpu.dma_semaphore, #tpu.memory_space<semaphore_mem>>) src(%dma_wait3A_44 : memref<2000xi32, #tpu.memory_space<hbm>>) dst(%arg10 : memref<2000xi32, #tpu.memory_space<vmem>>)
      %dma_wait3A_45 = tpu.memref_slice %arg5[%add3A_41] : memref<320000xf32, #tpu.memory_space<hbm>> -> memref<2000xf32, #tpu.memory_space<hbm>>
      %dma_wait3A_46 = tpu.memref_slice %arg5[%add3A_41] : memref<320000xf32, #tpu.memory_space<hbm>> -> memref<2000xf32, #tpu.memory_space<hbm>>
      tpu.wait_dma2 semaphore(%arg15 : memref<!tpu.dma_semaphore, #tpu.memory_space<semaphore_mem>>) src(%dma_wait3A_46 : memref<2000xf32, #tpu.memory_space<hbm>>) dst(%arg11 : memref<2000xf32, #tpu.memory_space<vmem>>)
      %parallel_loop3A_47 = arith.constant 0 : i32
      %parallel_loop3A_48 = arith.constant 2000 : i32
      %parallel_loop3A_49 = arith.constant 16 : i32
      scf.for %parallel_loop3A_79 = %parallel_loop3A_47 to %parallel_loop3A_48 step %parallel_loop3A_49  : i32 {
        %parallel_loop3A_80 = arith.index_cast %parallel_loop3A_79 : i32 to index
        %parallel_loop3A_81 = tpu.vector_load %arg9[%parallel_loop3A_80] {strides = array<i32>} : memref<2000xi32, #tpu.memory_space<vmem>>, vector<16xi32>,
        %parallel_loop3A_82 = arith.index_cast %parallel_loop3A_79 : i32 to index
        %parallel_loop3A_83 = tpu.vector_load %arg10[%parallel_loop3A_82] {strides = array<i32>} : memref<2000xi32, #tpu.memory_space<vmem>>, vector<16xi32>,
        %parallel_loop3A_84 = arith.index_cast %parallel_loop3A_79 : i32 to index
        %parallel_loop3A_85 = tpu.vector_load %arg11[%parallel_loop3A_84] {strides = array<i32>} : memref<2000xf32, #tpu.memory_space<vmem>>, vector<16xf32>,
        %parallel_loop3A_86 = arith.constant 0 : i32
        %parallel_loop3A_87 = tpu.memref_slice %arg7[%parallel_loop3A_86] : memref<40000xf32, #tpu.memory_space<vmem>> -> memref<10000xf32, #tpu.memory_space<vmem>>
        %parallel_loop3A_88 = tpu.vector_load_idx %parallel_loop3A_87[%parallel_loop3A_81] : memref<10000xf32, #tpu.memory_space<vmem>>[vector<16xi32>], vector<16xf32>,
        %parallel_loop3A_89 = arith.mulf %parallel_loop3A_88, %parallel_loop3A_85 : vector<16xf32>
        %parallel_loop3A_90 = arith.constant 0 : i32
        %parallel_loop3A_91 = tpu.memref_slice %arg8[%parallel_loop3A_90] : memref<40000xf32, #tpu.memory_space<vmem>> -> memref<10000xf32, #tpu.memory_space<vmem>>
        tpu.vector_store_idx %parallel_loop3A_91[%parallel_loop3A_83], %parallel_loop3A_89 {add = true} : memref<10000xf32, #tpu.memory_space<vmem>>[vector<16xi32>], vector<16xf32>,
        %parallel_loop3A_92 = arith.constant 10000 : i32
        %parallel_loop3A_93 = tpu.memref_slice %arg7[%parallel_loop3A_92] : memref<40000xf32, #tpu.memory_space<vmem>> -> memref<10000xf32, #tpu.memory_space<vmem>>
        %parallel_loop3A_94 = tpu.vector_load_idx %parallel_loop3A_93[%parallel_loop3A_81] : memref<10000xf32, #tpu.memory_space<vmem>>[vector<16xi32>], vector<16xf32>,
        %parallel_loop3A_95 = arith.mulf %parallel_loop3A_94, %parallel_loop3A_85 : vector<16xf32>
        %parallel_loop3A_96 = arith.constant 10000 : i32
        %parallel_loop3A_97 = tpu.memref_slice %arg8[%parallel_loop3A_96] : memref<40000xf32, #tpu.memory_space<vmem>> -> memref<10000xf32, #tpu.memory_space<vmem>>
        tpu.vector_store_idx %parallel_loop3A_97[%parallel_loop3A_83], %parallel_loop3A_95 {add = true} : memref<10000xf32, #tpu.memory_space<vmem>>[vector<16xi32>], vector<16xf32>,
        %parallel_loop3A_98 = arith.constant 20000 : i32
        %parallel_loop3A_99 = tpu.memref_slice %arg7[%parallel_loop3A_98] : memref<40000xf32, #tpu.memory_space<vmem>> -> memref<10000xf32, #tpu.memory_space<vmem>>
        %parallel_loop3A_100 = tpu.vector_load_idx %parallel_loop3A_99[%parallel_loop3A_81] : memref<10000xf32, #tpu.memory_space<vmem>>[vector<16xi32>], vector<16xf32>,
        %parallel_loop3A_101 = arith.mulf %parallel_loop3A_100, %parallel_loop3A_85 : vector<16xf32>
        %parallel_loop3A_102 = arith.constant 20000 : i32
        %parallel_loop3A_103 = tpu.memref_slice %arg8[%parallel_loop3A_102] : memref<40000xf32, #tpu.memory_space<vmem>> -> memref<10000xf32, #tpu.memory_space<vmem>>
        tpu.vector_store_idx %parallel_loop3A_103[%parallel_loop3A_83], %parallel_loop3A_101 {add = true} : memref<10000xf32, #tpu.memory_space<vmem>>[vector<16xi32>], vector<16xf32>,
        %parallel_loop3A_104 = arith.constant 30000 : i32
        %parallel_loop3A_105 = tpu.memref_slice %arg7[%parallel_loop3A_104] : memref<40000xf32, #tpu.memory_space<vmem>> -> memref<10000xf32, #tpu.memory_space<vmem>>
        %parallel_loop3A_106 = tpu.vector_load_idx %parallel_loop3A_105[%parallel_loop3A_81] : memref<10000xf32, #tpu.memory_space<vmem>>[vector<16xi32>], vector<16xf32>,
        %parallel_loop3A_107 = arith.mulf %parallel_loop3A_106, %parallel_loop3A_85 : vector<16xf32>
        %parallel_loop3A_108 = arith.constant 30000 : i32
        %parallel_loop3A_109 = tpu.memref_slice %arg8[%parallel_loop3A_108] : memref<40000xf32, #tpu.memory_space<vmem>> -> memref<10000xf32, #tpu.memory_space<vmem>>
        tpu.vector_store_idx %parallel_loop3A_109[%parallel_loop3A_83], %parallel_loop3A_107 {add = true} : memref<10000xf32, #tpu.memory_space<vmem>>[vector<16xi32>], vector<16xf32>,
      } {sc.loop_unroll_factor = 2 : i64, sc.parallel_access}
      %add3A_50 = arith.constant 2 : i32
      %add3A_51 = arith.addi %add3A_36, %add3A_50 : i32
      %lt3A = arith.constant 80 : i32
      %lt3A_52 = arith.cmpi slt, %add3A_51, %lt3A : i32
      %convert_element_type3A = arith.extui %lt3A_52 : i1 to i32
      %cond3A = arith.constant 0 : i32
      %cond3A_53 = arith.cmpi ne, %convert_element_type3A, %cond3A : i32
      scf.if %cond3A_53 {
        %add3A_79 = arith.constant 2 : i32
        %add3A_80 = arith.addi %add3A_36, %add3A_79 : i32
        %mul3A_81 = arith.constant 160000 : i32
        %mul3A_82 = arith.muli %arg0, %mul3A_81 : i32
        %mul3A_83 = arith.constant 2000 : i32
        %mul3A_84 = arith.muli %add3A_80, %mul3A_83 : i32
        %add3A_85 = arith.addi %mul3A_82, %mul3A_84 : i32
        %dma_start3A_86 = tpu.memref_slice %arg3[%add3A_85] : memref<320000xi32, #tpu.memory_space<hbm>> -> memref<2000xi32, #tpu.memory_space<hbm>>
        %dma_start3A_87 = tpu.memref_slice %arg3[%add3A_85] : memref<320000xi32, #tpu.memory_space<hbm>> -> memref<2000xi32, #tpu.memory_space<hbm>>
        tpu.enqueue_dma source(%dma_start3A_87 : memref<2000xi32, #tpu.memory_space<hbm>>) target(%arg9 : memref<2000xi32, #tpu.memory_space<vmem>>) target_semaphore(%arg15 : memref<!tpu.dma_semaphore, #tpu.memory_space<semaphore_mem>>)
        %dma_start3A_88 = tpu.memref_slice %arg4[%add3A_85] : memref<320000xi32, #tpu.memory_space<hbm>> -> memref<2000xi32, #tpu.memory_space<hbm>>
        %dma_start3A_89 = tpu.memref_slice %arg4[%add3A_85] : memref<320000xi32, #tpu.memory_space<hbm>> -> memref<2000xi32, #tpu.memory_space<hbm>>
        tpu.enqueue_dma source(%dma_start3A_89 : memref<2000xi32, #tpu.memory_space<hbm>>) target(%arg10 : memref<2000xi32, #tpu.memory_space<vmem>>) target_semaphore(%arg15 : memref<!tpu.dma_semaphore, #tpu.memory_space<semaphore_mem>>)
        %dma_start3A_90 = tpu.memref_slice %arg5[%add3A_85] : memref<320000xf32, #tpu.memory_space<hbm>> -> memref<2000xf32, #tpu.memory_space<hbm>>
        %dma_start3A_91 = tpu.memref_slice %arg5[%add3A_85] : memref<320000xf32, #tpu.memory_space<hbm>> -> memref<2000xf32, #tpu.memory_space<hbm>>
        tpu.enqueue_dma source(%dma_start3A_91 : memref<2000xf32, #tpu.memory_space<hbm>>) target(%arg11 : memref<2000xf32, #tpu.memory_space<vmem>>) target_semaphore(%arg15 : memref<!tpu.dma_semaphore, #tpu.memory_space<semaphore_mem>>)
      } else {
      }
      %mul3A_54 = arith.constant 2 : i32
      %mul3A_55 = arith.muli %mul3A_54, %scan3A_32 : i32
      %add3A_56 = arith.constant 1 : i32
      %add3A_57 = arith.addi %mul3A_55, %add3A_56 : i32
      %mul3A_58 = arith.constant 160000 : i32
      %mul3A_59 = arith.muli %arg0, %mul3A_58 : i32
      %mul3A_60 = arith.constant 2000 : i32
      %mul3A_61 = arith.muli %add3A_57, %mul3A_60 : i32
      %add3A_62 = arith.addi %mul3A_59, %mul3A_61 : i32
      %dma_wait3A_63 = tpu.memref_slice %arg3[%add3A_62] : memref<320000xi32, #tpu.memory_space<hbm>> -> memref<2000xi32, #tpu.memory_space<hbm>>
      %dma_wait3A_64 = tpu.memref_slice %arg3[%add3A_62] : memref<320000xi32, #tpu.memory_space<hbm>> -> memref<2000xi32, #tpu.memory_space<hbm>>
      tpu.wait_dma2 semaphore(%arg16 : memref<!tpu.dma_semaphore, #tpu.memory_space<semaphore_mem>>) src(%dma_wait3A_64 : memref<2000xi32, #tpu.memory_space<hbm>>) dst(%arg12 : memref<2000xi32, #tpu.memory_space<vmem>>)
      %dma_wait3A_65 = tpu.memref_slice %arg4[%add3A_62] : memref<320000xi32, #tpu.memory_space<hbm>> -> memref<2000xi32, #tpu.memory_space<hbm>>
      %dma_wait3A_66 = tpu.memref_slice %arg4[%add3A_62] : memref<320000xi32, #tpu.memory_space<hbm>> -> memref<2000xi32, #tpu.memory_space<hbm>>
      tpu.wait_dma2 semaphore(%arg16 : memref<!tpu.dma_semaphore, #tpu.memory_space<semaphore_mem>>) src(%dma_wait3A_66 : memref<2000xi32, #tpu.memory_space<hbm>>) dst(%arg13 : memref<2000xi32, #tpu.memory_space<vmem>>)
      %dma_wait3A_67 = tpu.memref_slice %arg5[%add3A_62] : memref<320000xf32, #tpu.memory_space<hbm>> -> memref<2000xf32, #tpu.memory_space<hbm>>
      %dma_wait3A_68 = tpu.memref_slice %arg5[%add3A_62] : memref<320000xf32, #tpu.memory_space<hbm>> -> memref<2000xf32, #tpu.memory_space<hbm>>
      tpu.wait_dma2 semaphore(%arg16 : memref<!tpu.dma_semaphore, #tpu.memory_space<semaphore_mem>>) src(%dma_wait3A_68 : memref<2000xf32, #tpu.memory_space<hbm>>) dst(%arg14 : memref<2000xf32, #tpu.memory_space<vmem>>)
      %parallel_loop3A_69 = arith.constant 0 : i32
      %parallel_loop3A_70 = arith.constant 2000 : i32
      %parallel_loop3A_71 = arith.constant 16 : i32
      scf.for %parallel_loop3A_79 = %parallel_loop3A_69 to %parallel_loop3A_70 step %parallel_loop3A_71  : i32 {
        %parallel_loop3A_80 = arith.index_cast %parallel_loop3A_79 : i32 to index
        %parallel_loop3A_81 = tpu.vector_load %arg12[%parallel_loop3A_80] {strides = array<i32>} : memref<2000xi32, #tpu.memory_space<vmem>>, vector<16xi32>,
        %parallel_loop3A_82 = arith.index_cast %parallel_loop3A_79 : i32 to index
        %parallel_loop3A_83 = tpu.vector_load %arg13[%parallel_loop3A_82] {strides = array<i32>} : memref<2000xi32, #tpu.memory_space<vmem>>, vector<16xi32>,
        %parallel_loop3A_84 = arith.index_cast %parallel_loop3A_79 : i32 to index
        %parallel_loop3A_85 = tpu.vector_load %arg14[%parallel_loop3A_84] {strides = array<i32>} : memref<2000xf32, #tpu.memory_space<vmem>>, vector<16xf32>,
        %parallel_loop3A_86 = arith.constant 0 : i32
        %parallel_loop3A_87 = tpu.memref_slice %arg7[%parallel_loop3A_86] : memref<40000xf32, #tpu.memory_space<vmem>> -> memref<10000xf32, #tpu.memory_space<vmem>>
        %parallel_loop3A_88 = tpu.vector_load_idx %parallel_loop3A_87[%parallel_loop3A_81] : memref<10000xf32, #tpu.memory_space<vmem>>[vector<16xi32>], vector<16xf32>,
        %parallel_loop3A_89 = arith.mulf %parallel_loop3A_88, %parallel_loop3A_85 : vector<16xf32>
        %parallel_loop3A_90 = arith.constant 0 : i32
        %parallel_loop3A_91 = tpu.memref_slice %arg8[%parallel_loop3A_90] : memref<40000xf32, #tpu.memory_space<vmem>> -> memref<10000xf32, #tpu.memory_space<vmem>>
        tpu.vector_store_idx %parallel_loop3A_91[%parallel_loop3A_83], %parallel_loop3A_89 {add = true} : memref<10000xf32, #tpu.memory_space<vmem>>[vector<16xi32>], vector<16xf32>,
        %parallel_loop3A_92 = arith.constant 10000 : i32
        %parallel_loop3A_93 = tpu.memref_slice %arg7[%parallel_loop3A_92] : memref<40000xf32, #tpu.memory_space<vmem>> -> memref<10000xf32, #tpu.memory_space<vmem>>
        %parallel_loop3A_94 = tpu.vector_load_idx %parallel_loop3A_93[%parallel_loop3A_81] : memref<10000xf32, #tpu.memory_space<vmem>>[vector<16xi32>], vector<16xf32>,
        %parallel_loop3A_95 = arith.mulf %parallel_loop3A_94, %parallel_loop3A_85 : vector<16xf32>
        %parallel_loop3A_96 = arith.constant 10000 : i32
        %parallel_loop3A_97 = tpu.memref_slice %arg8[%parallel_loop3A_96] : memref<40000xf32, #tpu.memory_space<vmem>> -> memref<10000xf32, #tpu.memory_space<vmem>>
        tpu.vector_store_idx %parallel_loop3A_97[%parallel_loop3A_83], %parallel_loop3A_95 {add = true} : memref<10000xf32, #tpu.memory_space<vmem>>[vector<16xi32>], vector<16xf32>,
        %parallel_loop3A_98 = arith.constant 20000 : i32
        %parallel_loop3A_99 = tpu.memref_slice %arg7[%parallel_loop3A_98] : memref<40000xf32, #tpu.memory_space<vmem>> -> memref<10000xf32, #tpu.memory_space<vmem>>
        %parallel_loop3A_100 = tpu.vector_load_idx %parallel_loop3A_99[%parallel_loop3A_81] : memref<10000xf32, #tpu.memory_space<vmem>>[vector<16xi32>], vector<16xf32>,
        %parallel_loop3A_101 = arith.mulf %parallel_loop3A_100, %parallel_loop3A_85 : vector<16xf32>
        %parallel_loop3A_102 = arith.constant 20000 : i32
        %parallel_loop3A_103 = tpu.memref_slice %arg8[%parallel_loop3A_102] : memref<40000xf32, #tpu.memory_space<vmem>> -> memref<10000xf32, #tpu.memory_space<vmem>>
        tpu.vector_store_idx %parallel_loop3A_103[%parallel_loop3A_83], %parallel_loop3A_101 {add = true} : memref<10000xf32, #tpu.memory_space<vmem>>[vector<16xi32>], vector<16xf32>,
        %parallel_loop3A_104 = arith.constant 30000 : i32
        %parallel_loop3A_105 = tpu.memref_slice %arg7[%parallel_loop3A_104] : memref<40000xf32, #tpu.memory_space<vmem>> -> memref<10000xf32, #tpu.memory_space<vmem>>
        %parallel_loop3A_106 = tpu.vector_load_idx %parallel_loop3A_105[%parallel_loop3A_81] : memref<10000xf32, #tpu.memory_space<vmem>>[vector<16xi32>], vector<16xf32>,
        %parallel_loop3A_107 = arith.mulf %parallel_loop3A_106, %parallel_loop3A_85 : vector<16xf32>
        %parallel_loop3A_108 = arith.constant 30000 : i32
        %parallel_loop3A_109 = tpu.memref_slice %arg8[%parallel_loop3A_108] : memref<40000xf32, #tpu.memory_space<vmem>> -> memref<10000xf32, #tpu.memory_space<vmem>>
        tpu.vector_store_idx %parallel_loop3A_109[%parallel_loop3A_83], %parallel_loop3A_107 {add = true} : memref<10000xf32, #tpu.memory_space<vmem>>[vector<16xi32>], vector<16xf32>,
      } {sc.loop_unroll_factor = 2 : i64, sc.parallel_access}
      %add3A_72 = arith.constant 2 : i32
      %add3A_73 = arith.addi %add3A_57, %add3A_72 : i32
      %lt3A_74 = arith.constant 80 : i32
      %lt3A_75 = arith.cmpi slt, %add3A_73, %lt3A_74 : i32
      %convert_element_type3A_76 = arith.extui %lt3A_75 : i1 to i32
      %cond3A_77 = arith.constant 0 : i32
      %cond3A_78 = arith.cmpi ne, %convert_element_type3A_76, %cond3A_77 : i32
      scf.if %cond3A_78 {
        %add3A_79 = arith.constant 2 : i32
        %add3A_80 = arith.addi %add3A_57, %add3A_79 : i32
        %mul3A_81 = arith.constant 160000 : i32
        %mul3A_82 = arith.muli %arg0, %mul3A_81 : i32
        %mul3A_83 = arith.constant 2000 : i32
        %mul3A_84 = arith.muli %add3A_80, %mul3A_83 : i32
        %add3A_85 = arith.addi %mul3A_82, %mul3A_84 : i32
        %dma_start3A_86 = tpu.memref_slice %arg3[%add3A_85] : memref<320000xi32, #tpu.memory_space<hbm>> -> memref<2000xi32, #tpu.memory_space<hbm>>
        %dma_start3A_87 = tpu.memref_slice %arg3[%add3A_85] : memref<320000xi32, #tpu.memory_space<hbm>> -> memref<2000xi32, #tpu.memory_space<hbm>>
        tpu.enqueue_dma source(%dma_start3A_87 : memref<2000xi32, #tpu.memory_space<hbm>>) target(%arg12 : memref<2000xi32, #tpu.memory_space<vmem>>) target_semaphore(%arg16 : memref<!tpu.dma_semaphore, #tpu.memory_space<semaphore_mem>>)
        %dma_start3A_88 = tpu.memref_slice %arg4[%add3A_85] : memref<320000xi32, #tpu.memory_space<hbm>> -> memref<2000xi32, #tpu.memory_space<hbm>>
        %dma_start3A_89 = tpu.memref_slice %arg4[%add3A_85] : memref<320000xi32, #tpu.memory_space<hbm>> -> memref<2000xi32, #tpu.memory_space<hbm>>
        tpu.enqueue_dma source(%dma_start3A_89 : memref<2000xi32, #tpu.memory_space<hbm>>) target(%arg13 : memref<2000xi32, #tpu.memory_space<vmem>>) target_semaphore(%arg16 : memref<!tpu.dma_semaphore, #tpu.memory_space<semaphore_mem>>)
        %dma_start3A_90 = tpu.memref_slice %arg5[%add3A_85] : memref<320000xf32, #tpu.memory_space<hbm>> -> memref<2000xf32, #tpu.memory_space<hbm>>
        %dma_start3A_91 = tpu.memref_slice %arg5[%add3A_85] : memref<320000xf32, #tpu.memory_space<hbm>> -> memref<2000xf32, #tpu.memory_space<hbm>>
        tpu.enqueue_dma source(%dma_start3A_91 : memref<2000xf32, #tpu.memory_space<hbm>>) target(%arg14 : memref<2000xf32, #tpu.memory_space<vmem>>) target_semaphore(%arg16 : memref<!tpu.dma_semaphore, #tpu.memory_space<semaphore_mem>>)
      } else {
      }
    }
    %scan3A_26 = arith.constant 40 : i32
    %mul3A_27 = arith.constant 16 : i32
    %mul3A_28 = arith.muli %arg0, %mul3A_27 : i32
    %add3A_29 = arith.addi %mul3A_28, %arg1 : i32
    %mul3A_30 = arith.constant 40000 : i32
    %mul3A_31 = arith.muli %add3A_29, %mul3A_30 : i32
    "tpu.region"() ({
      %run_scoped3A = tpu.sem_alloc : memref<!tpu.dma_semaphore, #tpu.memory_space<semaphore_mem>>
      %dma_start3A_32 = tpu.memref_slice %arg6[%mul3A_31] : memref<1280000xf32, #tpu.memory_space<hbm>> -> memref<40000xf32, #tpu.memory_space<hbm>>
      %dma_start3A_33 = tpu.memref_slice %arg6[%mul3A_31] : memref<1280000xf32, #tpu.memory_space<hbm>> -> memref<40000xf32, #tpu.memory_space<hbm>>
      tpu.enqueue_dma source(%arg8 : memref<40000xf32, #tpu.memory_space<vmem>>) target(%dma_start3A_33 : memref<40000xf32, #tpu.memory_space<hbm>>) target_semaphore(%run_scoped3A : memref<!tpu.dma_semaphore, #tpu.memory_space<semaphore_mem>>)
      %dma_wait3A = tpu.memref_slice %arg6[%mul3A_31] : memref<1280000xf32, #tpu.memory_space<hbm>> -> memref<40000xf32, #tpu.memory_space<hbm>>
      %dma_wait3A_34 = tpu.memref_slice %arg6[%mul3A_31] : memref<1280000xf32, #tpu.memory_space<hbm>> -> memref<40000xf32, #tpu.memory_space<hbm>>
      tpu.wait_dma2 semaphore(%run_scoped3A : memref<!tpu.dma_semaphore, #tpu.memory_space<semaphore_mem>>) src(%arg8 : memref<40000xf32, #tpu.memory_space<vmem>>) dst(%dma_wait3A_34 : memref<40000xf32, #tpu.memory_space<hbm>>)
      tpu.yield
    }) : () -> ()
    return
  }
}

module attributes {stable_mosaic.version = 14 : i64} {
  func.func @_tc_in_body(%arg0: memref<10000x128xf32, #tpu.memory_space<vmem>>, %arg1: memref<128x64xf32, #tpu.memory_space<vmem>>, %arg2: memref<64x10000xf32, #tpu.memory_space<vmem>>) attributes {dimension_semantics = [], scalar_prefetch = 0 : i64, scratch_operands = 0 : i64, tpu.core_type = #tpu.core_type<tc>} {
    %get3A = arith.constant 0 : index
    %get3A_0 = arith.constant 0 : index
    %get3A_1 = vector.load %arg1[%get3A, %get3A_0] : memref<128x64xf32, #tpu.memory_space<vmem>>, vector<128x64xf32>
    %get3A_2 = arith.constant 0 : index
    %get3A_3 = arith.constant 0 : index
    %get3A_4 = vector.load %arg0[%get3A_2, %get3A_3] : memref<10000x128xf32, #tpu.memory_space<vmem>>, vector<10000x128xf32>
    %dot_general3A = arith.constant dense<0.000000e+00> : vector<64x10000xf32>
    %dot_general3A_5 = tpu.matmul %get3A_1, %get3A_4, %dot_general3A {dimension_numbers = #tpu.dot_dimension_numbers<[0], [1], [1], [0], [0, 1, 1, 0], [], []>, transpose_lhs_hint = false} : vector<128x64xf32>, vector<10000x128xf32>, vector<64x10000xf32> -> vector<64x10000xf32>
    %swap3A = arith.constant 0 : index
    %swap3A_6 = arith.constant 0 : index
    %swap3A_7 = vector.load %arg2[%swap3A, %swap3A_6] : memref<64x10000xf32, #tpu.memory_space<vmem>>, vector<64x10000xf32>
    tpu.vector_store %arg2[%swap3A, %swap3A_6], %dot_general3A_5 {strides = array<i32>} : memref<64x10000xf32, #tpu.memory_space<vmem>>, vector<64x10000xf32>,
    return
  }
}

module attributes {stable_mosaic.version = 14 : i64} {
  func.func @_tc_mid_body(%arg0: memref<2x64x10000xf32, #tpu.memory_space<vmem>>, %arg1: memref<64x1xf32, #tpu.memory_space<vmem>>, %arg2: memref<64x1xf32, #tpu.memory_space<vmem>>, %arg3: memref<64x1xf32, #tpu.memory_space<vmem>>, %arg4: memref<64x64xf32, #tpu.memory_space<vmem>>, %arg5: memref<64x10000xf32, #tpu.memory_space<vmem>>) attributes {dimension_semantics = [], scalar_prefetch = 0 : i64, scratch_operands = 0 : i64, tpu.core_type = #tpu.core_type<tc>} {
    %get3A = arith.constant 0 : index
    %get3A_0 = arith.constant 0 : index
    %get3A_1 = arith.constant 0 : index
    %get3A_2 = vector.load %arg0[%get3A, %get3A_0, %get3A_1] : memref<2x64x10000xf32, #tpu.memory_space<vmem>>, vector<1x64x10000xf32>
    %get3A_3 = vector.shape_cast %get3A_2 : vector<1x64x10000xf32> to vector<64x10000xf32>
    %get3A_4 = arith.constant 1 : index
    %get3A_5 = arith.constant 0 : index
    %get3A_6 = arith.constant 0 : index
    %get3A_7 = vector.load %arg0[%get3A_4, %get3A_5, %get3A_6] : memref<2x64x10000xf32, #tpu.memory_space<vmem>>, vector<1x64x10000xf32>
    %get3A_8 = vector.shape_cast %get3A_7 : vector<1x64x10000xf32> to vector<64x10000xf32>
    %add3A = arith.addf %get3A_3, %get3A_8 : vector<64x10000xf32>
    %get3A_9 = arith.constant 0 : index
    %get3A_10 = arith.constant 0 : index
    %get3A_11 = vector.load %arg1[%get3A_9, %get3A_10] : memref<64x1xf32, #tpu.memory_space<vmem>>, vector<64x1xf32>
    %add3A_12 = vector.broadcast %get3A_11 : vector<64x1xf32> to vector<64x10000xf32>
    %add3A_13 = arith.addf %add3A, %add3A_12 : vector<64x10000xf32>
    %max3A = arith.constant 0.000000e+00 : f32
    %max3A_14 = vector.broadcast %max3A : f32 to vector<64x10000xf32>
    %max3A_15 = arith.maximumf %add3A_13, %max3A_14 : vector<64x10000xf32>
    %get3A_16 = arith.constant 0 : index
    %get3A_17 = arith.constant 0 : index
    %get3A_18 = vector.load %arg2[%get3A_16, %get3A_17] : memref<64x1xf32, #tpu.memory_space<vmem>>, vector<64x1xf32>
    %mul3A = arith.constant 0.999994993 : f32
    %mul3A_19 = vector.broadcast %mul3A : f32 to vector<64x1xf32>
    %mul3A_20 = arith.mulf %get3A_18, %mul3A_19 : vector<64x1xf32>
    %mul3A_21 = vector.broadcast %mul3A_20 : vector<64x1xf32> to vector<64x10000xf32>
    %mul3A_22 = arith.mulf %max3A_15, %mul3A_21 : vector<64x10000xf32>
    %get3A_23 = arith.constant 0 : index
    %get3A_24 = arith.constant 0 : index
    %get3A_25 = vector.load %arg3[%get3A_23, %get3A_24] : memref<64x1xf32, #tpu.memory_space<vmem>>, vector<64x1xf32>
    %add3A_26 = vector.broadcast %get3A_25 : vector<64x1xf32> to vector<64x10000xf32>
    %add3A_27 = arith.addf %mul3A_22, %add3A_26 : vector<64x10000xf32>
    %get3A_28 = arith.constant 0 : index
    %get3A_29 = arith.constant 0 : index
    %get3A_30 = vector.load %arg4[%get3A_28, %get3A_29] : memref<64x64xf32, #tpu.memory_space<vmem>>, vector<64x64xf32>
    %dot_general3A = arith.constant dense<0.000000e+00> : vector<64x10000xf32>
    %dot_general3A_31 = tpu.matmul %get3A_30, %add3A_27, %dot_general3A {dimension_numbers = #tpu.dot_dimension_numbers<[0], [0], [1], [1], [0, 1, 1, 1], [], []>, transpose_lhs_hint = false} : vector<64x64xf32>, vector<64x10000xf32>, vector<64x10000xf32> -> vector<64x10000xf32>
    %swap3A = arith.constant 0 : index
    %swap3A_32 = arith.constant 0 : index
    %swap3A_33 = vector.load %arg5[%swap3A, %swap3A_32] : memref<64x10000xf32, #tpu.memory_space<vmem>>, vector<64x10000xf32>
    tpu.vector_store %arg5[%swap3A, %swap3A_32], %dot_general3A_31 {strides = array<i32>} : memref<64x10000xf32, #tpu.memory_space<vmem>>, vector<64x10000xf32>,
    return
  }
}

module attributes {stable_mosaic.version = 14 : i64} {
  func.func @_tc_out_body(%arg0: memref<2x64x10000xf32, #tpu.memory_space<vmem>>, %arg1: memref<64x1xf32, #tpu.memory_space<vmem>>, %arg2: memref<64x1xf32, #tpu.memory_space<vmem>>, %arg3: memref<64x1xf32, #tpu.memory_space<vmem>>, %arg4: memref<64x128xf32, #tpu.memory_space<vmem>>, %arg5: memref<128x1xf32, #tpu.memory_space<vmem>>, %arg6: memref<128x64xf32, #tpu.memory_space<vmem>>, %arg7: memref<64x1xf32, #tpu.memory_space<vmem>>, %arg8: memref<64x8xf32, #tpu.memory_space<vmem>>, %arg9: memref<8x1xf32, #tpu.memory_space<vmem>>, %arg10: memref<8x10000xf32, #tpu.memory_space<vmem>>) attributes {dimension_semantics = [], scalar_prefetch = 0 : i64, scratch_operands = 0 : i64, tpu.core_type = #tpu.core_type<tc>} {
    %get3A = arith.constant 0 : index
    %get3A_0 = arith.constant 0 : index
    %get3A_1 = arith.constant 0 : index
    %get3A_2 = vector.load %arg0[%get3A, %get3A_0, %get3A_1] : memref<2x64x10000xf32, #tpu.memory_space<vmem>>, vector<1x64x10000xf32>
    %get3A_3 = vector.shape_cast %get3A_2 : vector<1x64x10000xf32> to vector<64x10000xf32>
    %get3A_4 = arith.constant 1 : index
    %get3A_5 = arith.constant 0 : index
    %get3A_6 = arith.constant 0 : index
    %get3A_7 = vector.load %arg0[%get3A_4, %get3A_5, %get3A_6] : memref<2x64x10000xf32, #tpu.memory_space<vmem>>, vector<1x64x10000xf32>
    %get3A_8 = vector.shape_cast %get3A_7 : vector<1x64x10000xf32> to vector<64x10000xf32>
    %add3A = arith.addf %get3A_3, %get3A_8 : vector<64x10000xf32>
    %get3A_9 = arith.constant 0 : index
    %get3A_10 = arith.constant 0 : index
    %get3A_11 = vector.load %arg1[%get3A_9, %get3A_10] : memref<64x1xf32, #tpu.memory_space<vmem>>, vector<64x1xf32>
    %add3A_12 = vector.broadcast %get3A_11 : vector<64x1xf32> to vector<64x10000xf32>
    %add3A_13 = arith.addf %add3A, %add3A_12 : vector<64x10000xf32>
    %max3A = arith.constant 0.000000e+00 : f32
    %max3A_14 = vector.broadcast %max3A : f32 to vector<64x10000xf32>
    %max3A_15 = arith.maximumf %add3A_13, %max3A_14 : vector<64x10000xf32>
    %get3A_16 = arith.constant 0 : index
    %get3A_17 = arith.constant 0 : index
    %get3A_18 = vector.load %arg2[%get3A_16, %get3A_17] : memref<64x1xf32, #tpu.memory_space<vmem>>, vector<64x1xf32>
    %mul3A = arith.constant 0.999994993 : f32
    %mul3A_19 = vector.broadcast %mul3A : f32 to vector<64x1xf32>
    %mul3A_20 = arith.mulf %get3A_18, %mul3A_19 : vector<64x1xf32>
    %mul3A_21 = vector.broadcast %mul3A_20 : vector<64x1xf32> to vector<64x10000xf32>
    %mul3A_22 = arith.mulf %max3A_15, %mul3A_21 : vector<64x10000xf32>
    %get3A_23 = arith.constant 0 : index
    %get3A_24 = arith.constant 0 : index
    %get3A_25 = vector.load %arg3[%get3A_23, %get3A_24] : memref<64x1xf32, #tpu.memory_space<vmem>>, vector<64x1xf32>
    %add3A_26 = vector.broadcast %get3A_25 : vector<64x1xf32> to vector<64x10000xf32>
    %add3A_27 = arith.addf %mul3A_22, %add3A_26 : vector<64x10000xf32>
    %get3A_28 = arith.constant 0 : index
    %get3A_29 = arith.constant 0 : index
    %get3A_30 = vector.load %arg4[%get3A_28, %get3A_29] : memref<64x128xf32, #tpu.memory_space<vmem>>, vector<64x128xf32>
    %dot_general3A = arith.constant dense<0.000000e+00> : vector<128x10000xf32>
    %dot_general3A_31 = tpu.matmul %get3A_30, %add3A_27, %dot_general3A {dimension_numbers = #tpu.dot_dimension_numbers<[0], [0], [1], [1], [0, 1, 1, 1], [], []>, transpose_lhs_hint = false} : vector<64x128xf32>, vector<64x10000xf32>, vector<128x10000xf32> -> vector<128x10000xf32>
    %get3A_32 = arith.constant 0 : index
    %get3A_33 = arith.constant 0 : index
    %get3A_34 = vector.load %arg5[%get3A_32, %get3A_33] : memref<128x1xf32, #tpu.memory_space<vmem>>, vector<128x1xf32>
    %add3A_35 = vector.broadcast %get3A_34 : vector<128x1xf32> to vector<128x10000xf32>
    %add3A_36 = arith.addf %dot_general3A_31, %add3A_35 : vector<128x10000xf32>
    %mul3A_37 = arith.constant 5.000000e-01 : f32
    %mul3A_38 = vector.broadcast %mul3A_37 : f32 to vector<128x10000xf32>
    %mul3A_39 = arith.mulf %mul3A_38, %add3A_36 : vector<128x10000xf32>
    %mul3A_40 = arith.constant 0.707106769 : f32
    %mul3A_41 = vector.broadcast %mul3A_40 : f32 to vector<128x10000xf32>
    %mul3A_42 = arith.mulf %add3A_36, %mul3A_41 : vector<128x10000xf32>
    %erf3A = math.erf %mul3A_42 : vector<128x10000xf32>
    %add3A_43 = arith.constant 1.000000e+00 : f32
    %add3A_44 = vector.broadcast %add3A_43 : f32 to vector<128x10000xf32>
    %add3A_45 = arith.addf %add3A_44, %erf3A : vector<128x10000xf32>
    %mul3A_46 = arith.mulf %mul3A_39, %add3A_45 : vector<128x10000xf32>
    %get3A_47 = arith.constant 0 : index
    %get3A_48 = arith.constant 0 : index
    %get3A_49 = vector.load %arg6[%get3A_47, %get3A_48] : memref<128x64xf32, #tpu.memory_space<vmem>>, vector<128x64xf32>
    %dot_general3A_50 = arith.constant dense<0.000000e+00> : vector<64x10000xf32>
    %dot_general3A_51 = tpu.matmul %get3A_49, %mul3A_46, %dot_general3A_50 {dimension_numbers = #tpu.dot_dimension_numbers<[0], [0], [1], [1], [0, 1, 1, 1], [], []>, transpose_lhs_hint = false} : vector<128x64xf32>, vector<128x10000xf32>, vector<64x10000xf32> -> vector<64x10000xf32>
    %get3A_52 = arith.constant 0 : index
    %get3A_53 = arith.constant 0 : index
    %get3A_54 = vector.load %arg7[%get3A_52, %get3A_53] : memref<64x1xf32, #tpu.memory_space<vmem>>, vector<64x1xf32>
    %add3A_55 = vector.broadcast %get3A_54 : vector<64x1xf32> to vector<64x10000xf32>
    %add3A_56 = arith.addf %dot_general3A_51, %add3A_55 : vector<64x10000xf32>
    %mul3A_57 = arith.constant 5.000000e-01 : f32
    %mul3A_58 = vector.broadcast %mul3A_57 : f32 to vector<64x10000xf32>
    %mul3A_59 = arith.mulf %mul3A_58, %add3A_56 : vector<64x10000xf32>
    %mul3A_60 = arith.constant 0.707106769 : f32
    %mul3A_61 = vector.broadcast %mul3A_60 : f32 to vector<64x10000xf32>
    %mul3A_62 = arith.mulf %add3A_56, %mul3A_61 : vector<64x10000xf32>
    %erf3A_63 = math.erf %mul3A_62 : vector<64x10000xf32>
    %add3A_64 = arith.constant 1.000000e+00 : f32
    %add3A_65 = vector.broadcast %add3A_64 : f32 to vector<64x10000xf32>
    %add3A_66 = arith.addf %add3A_65, %erf3A_63 : vector<64x10000xf32>
    %mul3A_67 = arith.mulf %mul3A_59, %add3A_66 : vector<64x10000xf32>
    %get3A_68 = arith.constant 0 : index
    %get3A_69 = arith.constant 0 : index
    %get3A_70 = vector.load %arg8[%get3A_68, %get3A_69] : memref<64x8xf32, #tpu.memory_space<vmem>>, vector<64x8xf32>
    %dot_general3A_71 = arith.constant dense<0.000000e+00> : vector<8x10000xf32>
    %dot_general3A_72 = tpu.matmul %get3A_70, %mul3A_67, %dot_general3A_71 {dimension_numbers = #tpu.dot_dimension_numbers<[0], [0], [1], [1], [0, 1, 1, 1], [], []>, transpose_lhs_hint = false} : vector<64x8xf32>, vector<64x10000xf32>, vector<8x10000xf32> -> vector<8x10000xf32>
    %get3A_73 = arith.constant 0 : index
    %get3A_74 = arith.constant 0 : index
    %get3A_75 = vector.load %arg9[%get3A_73, %get3A_74] : memref<8x1xf32, #tpu.memory_space<vmem>>, vector<8x1xf32>
    %add3A_76 = vector.broadcast %get3A_75 : vector<8x1xf32> to vector<8x10000xf32>
    %add3A_77 = arith.addf %dot_general3A_72, %add3A_76 : vector<8x10000xf32>
    %swap3A = arith.constant 0 : index
    %swap3A_78 = arith.constant 0 : index
    %swap3A_79 = vector.load %arg10[%swap3A, %swap3A_78] : memref<8x10000xf32, #tpu.memory_space<vmem>>, vector<8x10000xf32>
    tpu.vector_store %arg10[%swap3A, %swap3A_78], %add3A_77 {strides = array<i32>} : memref<8x10000xf32, #tpu.memory_space<vmem>>, vector<8x10000xf32>,
    return
  }
}

</mosaic_0001>

<sc_bundles>
// kernel: kernel.12.cloned.1.call-start
scs
__scs_entry_jumppad:
0x0: {  	(pc) =	sbr.rel $0x88, $3  }
0x1: {  	(tag) =	ssettag $0x0;
	lr =	simm.s32 $0x1  }
0x2: {  	[smem:$0x3F8C] =	sst lr;
	_ =	strace $0xD0000000  }
0x3: {  	_ = 	snop  }
0x4: {  	_ = 	snop  }
0x5: {  	_ = 	snop  }
0x6: {  	_ = 	snop  }
0x7: {  	_ = 	snop  }
__scs_overlays_trampoline_lowered:
0x8: {  	[smem:$0x3F9B] =	sst s0  }
0x9: {  	[smem:$0x3F9C] =	sst s1  }
0xa: {  	[smem:$0x3F9D] =	sst s2  }
0xb: {  	[smem:$0x3F9E] =	sst s3  }
0xc: {  	[smem:$0x3F9F] =	sst s4  }
0xd: {  	[smem:$0x3FA0] =	sst s5  }
0xe: {  	[smem:$0x3FA1] =	sst s6  }
0xf: {  	[smem:$0x3FA2] =	sst s7  }
0x10: {  	[smem:$0x3FA3] =	sst s8  }
0x11: {  	[smem:$0x3FA4] =	sst s9;
	s0 =	simm.s32 @!p0 $0x0  }
0x12: {  	s1 =	sld [smem:$0x3F8A];
	s0 =	simm.s32 @p0 $0x1  }
0x13: {  	[smem:$0x3FA5] =	sst s0;
	s0 =	simm.s32 @!p1 $0x0  }
0x14: {  	s2 =	sld [smem:$0x3F89];
	s0 =	simm.s32 @p1 $0x1  }
0x15: {  	[smem:$0x3FA6] =	sst s0;
	s0 =	simm.s32 @!p2 $0x0  }
0x16: {  	s3 =	sld [smem:$0x3FDB];
	s0 =	simm.s32 @p2 $0x1  }
0x17: {  	s4 =	simm.s32 $0x1BF5;
	[smem:$0x3FA8] =	sst s0  }
0x18: {  	s0 =	sld [smem:$0x3F8B];
	_ =	swait.ge [sflag:s4], $0x0  }
0x19: {  	s7 =	sld [smem:$0x3F8C]  }
0x1a: {  	s8 =	sadd.s32 $0xFFFFE003, lr  }
0x1b: {  	s9 =	sadd.s32 $0xFFFFFEF7, lr;
	s5 =	simm.s32 $0xFFFFFFFF;
	p2 =	slt.u32 s8, $0xFFFFF086  }
0x1c: {  	p1 =	slt.u32 s9, $0xF7A;
	s5 =	simm.s32 @!p2 $0x0  }
0x1d: {  	s5 =	simm.s32 @p1 $0x1;
	p0 =	seq.s32 s7, s2  }
0x1e: {  	s7 =	smul.u32 @!p0 $0xF7A, s2;
	p2 =	seq.s32 @!p0 s5, $0x0  }
0x1f: {  	s9 =	smul.u32 $0xF7A, s1;
	s8 =	simm.s32 @!p0 $0x1BF5;
	p2 =	por !p2, p0  }
0x20: {  	[sflag:s8] =	ssyncset.s32 @!p0 $0xFFFFF086;
	s6 =	sadd.s32 @!p0 s3, s7;
	s7 =	simm.s32 @!p0 $0x108  }
0x21: {  	s3 =	sadd.s32 s3, s9;
	s6 =	sadd.s32 @!p0 $0x88, s6;
	s7 =	simm.s32 @p2 $0x1082  }
0x22: {  	[simem:s7], [sflag:s8] =	dma.local @!p0 [hbm:s6], $0xF7A  }
0x23: {  	s9 =	sor.u32 $0xD0000000, s2;
	s6 =	simm.s32 $0x108;
	_ =	swait.ge @!p0 [sflag:s8], $0x0  }
0x24: {  	s3 =	sadd.s32 $0x88, s3;
	s6 =	simm.s32 @!p1 $0x1082;
	[sflag:s4] =	ssyncset.s32 $0xFFFFF086  }
0x25: {  	[simem:s6], [sflag:s4] =	dma.local [hbm:s3], $0xF7A  }
0x26: {  	[smem:$0x3F8C] =	sst s1;
	(tag) =	ssettag s2;
	_ =	strace s9  }
0x27: {  	s1 =	sld [smem:$0x3F9C]  }
0x28: {  	s2 =	sld [smem:$0x3F9D]  }
0x29: {  	s4 =	sld [smem:$0x3F9F]  }
0x2a: {  	p0 =	seq.s32 s5, $0x0;
	s5 =	sld [smem:$0x3FA0]  }
0x2b: {  	s6 =	sld [smem:$0x3FA1]  }
0x2c: {  	s7 =	sld [smem:$0x3FA2]  }
0x2d: {  	s3 =	simm.s32 $0x108;
	s8 =	sld [smem:$0x3FA3]  }
0x2e: {  	s3 =	simm.s32 @!p0 $0x1082;
	s9 =	sld [smem:$0x3FA4]  }
0x2f: {  	lr =	sadd.s32 s0, s3;
	s0 =	sld [smem:$0x3F9B]  }
0x30: {  	s3 =	sld [smem:$0x3F9E]  }
0x31: {  	[smem:$0x3FA7] =	sst s10  }
0x32: {  	s10 =	sld [smem:$0x3FA5];
	_ =	sdelay $0x3  }
0x33: {  	p0 =	seq.s32 s10, $0x1;
	s10 =	sld [smem:$0x3FA7];
	_ =	sdelay $0x3  }
0x34: {  	[smem:$0x3FA7] =	sst s10  }
0x35: {  	s10 =	sld [smem:$0x3FA6];
	_ =	sdelay $0x3  }
0x36: {  	p1 =	seq.s32 s10, $0x1;
	s10 =	sld [smem:$0x3FA7];
	_ =	sdelay $0x3  }
0x37: {  	[smem:$0x3FA7] =	sst s10  }
0x38: {  	s10 =	sld [smem:$0x3FA8]  }
0x39: {  	_ = 	snop;
	(pc) =	sbr.ind lr, $3  }
0x3a: {  	_ = 	snop  }
0x3b: {  	_ = 	snop  }
0x3c: {  	p2 =	seq.s32 s10, $0x1;
	s10 =	sld [smem:$0x3FA7]  }
0x3d: {  	_ =	shalt  }
0x3e: {  	_ =	shalt  }
0x3f: {  	_ =	shalt  }
0x40: {  	_ =	shalt  }
0x41: {  	_ =	shalt  }
0x42: {  	_ =	shalt  }
0x43: {  	_ =	shalt  }
0x44: {  	_ =	shalt  }
0x45: {  	_ =	shalt  }
0x46: {  	_ =	shalt  }
0x47: {  	_ =	shalt  }
0x48: {  	_ =	shalt  }
0x49: {  	_ =	shalt  }
0x4a: {  	_ =	shalt  }
0x4b: {  	_ =	shalt  }
0x4c: {  	_ =	shalt  }
0x4d: {  	_ =	shalt  }
0x4e: {  	_ =	shalt  }
0x4f: {  	_ =	shalt  }
0x50: {  	_ =	shalt  }
0x51: {  	_ =	shalt  }
0x52: {  	_ =	shalt  }
0x53: {  	_ =	shalt  }
0x54: {  	_ =	shalt  }
0x55: {  	_ =	shalt  }
0x56: {  	_ =	shalt  }
0x57: {  	_ =	shalt  }
0x58: {  	_ =	shalt  }
0x59: {  	_ =	shalt  }
0x5a: {  	_ =	shalt  }
0x5b: {  	_ =	shalt  }
0x5c: {  	_ =	shalt  }
0x5d: {  	_ =	shalt  }
0x5e: {  	_ =	shalt  }
0x5f: {  	_ =	shalt  }
0x60: {  	_ =	shalt  }
0x61: {  	_ =	shalt  }
0x62: {  	_ =	shalt  }
0x63: {  	_ =	shalt  }
0x64: {  	_ =	shalt  }
0x65: {  	_ =	shalt  }
0x66: {  	_ =	shalt  }
0x67: {  	_ =	shalt  }
0x68: {  	_ =	shalt  }
0x69: {  	_ =	shalt  }
0x6a: {  	_ =	shalt  }
0x6b: {  	_ =	shalt  }
0x6c: {  	_ =	shalt  }
0x6d: {  	_ =	shalt  }
0x6e: {  	_ =	shalt  }
0x6f: {  	_ =	shalt  }
0x70: {  	_ =	shalt  }
0x71: {  	_ =	shalt  }
0x72: {  	_ =	shalt  }
0x73: {  	_ =	shalt  }
0x74: {  	_ =	shalt  }
0x75: {  	_ =	shalt  }
0x76: {  	_ =	shalt  }
0x77: {  	_ =	shalt  }
0x78: {  	_ =	shalt  }
0x79: {  	_ =	shalt  }
0x7a: {  	_ =	shalt  }
0x7b: {  	_ =	shalt  }
0x7c: {  	_ =	shalt  }
0x7d: {  	_ =	shalt  }
0x7e: {  	_ =	shalt  }
0x7f: {  	_ =	shalt  }
0x80: {  	_ =	shalt  }
0x81: {  	_ =	shalt  }
0x82: {  	_ =	shalt  }
0x83: {  	_ =	shalt  }
0x84: {  	_ =	shalt  }
0x85: {  	_ =	shalt  }
0x86: {  	_ =	shalt  }
0x87: {  	_ =	shalt  }
.Lfunc_end0:
.L_simem_size_0:
called_computation.1_lowered:
.L_overlay_start_0:
0x88: {  	s2 =	sld [smem:$0x3FD9]  }
0x89: {  	s3 =	sld [smem:$0x3FFE];
	_ =	sdelay $0x1  }
0x8a: {  	s1 =	srdreg.scid  }
0x8b: {  	s0 =	sand.u32 $0x1, s1  }
0x8c: {  	s17 =	sshll.u32 s0, $0xA;
	s2 =	sadd.s32 s3, s2  }
0x8d: {  	s2 =	sadd.s32 s2, s17  }
0x8e: {  	[smem:$0x3FB3] =	sst s2  }
0x8f: {  	_ = 	snop  }
0x90: {  	s2 =	sld [smem:$0x3FC7];
	(tm) =	ssettm $0x1  }
0x91: {  	s18 =	sld [smem:$0x3FFB];
	_ =	sdelay $0x3  }
0x92: {  	_ =	strace s18  }
0x93: {  	s3 =	sld [smem:$0x3FFC];
	_ =	sdelay $0x3  }
0x94: {  	_ =	strace s3  }
0x95: {  	s3 =	sld [smem:$0x3FFD];
	_ =	sdelay $0x3  }
0x96: {  	_ =	strace s3  }
0x97: {  	_ =	strace $0x8FFFFFFF  }
0x98: {  	s19 =	sld [smem:$0x3FDB];
	_ =	sdelay $0x1  }
0x99: {  	s4 =	simm.s32 $_scs_section_size  }
0x9a: {  	s5 =	simm.s32 $_size__tile_overlayer_lowered;
	s6 =	simm.s32 $_tile_overlayer_lowered  }
0x9b: {  	s22 =	simm.s32 $0x1BFF;
	s21 =	sshll.u32 s6, $0x1;
	s3 =	sadd.s32 s4, s19  }
0x9c: {  	s7 =	simm.s32 $0x0;
	s20 =	sshll.u32 s5, $0x1;
	s5 =	sadd.s32 s21, s3  }
0x9d: {  	[timem:s7], [sflag:s22] =	dma.local [hbm:s5], s20  }
0x9e: {  	_ =	swait.ge [sflag:s22], s20  }
0x9f: {  	s4 =	ssub.s32 $0x0, s20;
	[sflag:s22] =	ssyncset.done $0x0  }
0xa0: {  	[sflag:s22] =	ssyncadd.s32 s4;
	_ =	sdelay $0x1  }
0xa1: {  	s23 =	simm.s32 $0x1B8B  }
0xa2: {  	_ =	swait.ge [sflag:s23], $0x1  }
0xa3: {  	[sflag:s23] =	ssyncset.done $0x0  }
0xa4: {  	s25 =	simm.s32 $0x1B8E;
	s24 =	sld [smem:$0x3FFE];
	[sflag:s23] =	ssyncadd.s32 $0xFFFFFFFF  }
0xa5: {  	s26 =	simm.s32 $execute0_lowered;
	[smem:$0x3FD2] =	sst s25  }
0xa6: {  	s5 =	sshll.u32 s26, $0x1;
	_ =	strace $0x80000049;
	[dreg:$0x1] =	wrdreg $0xFFFFFFFF  }
0xa7: {  	s28 =	simm.s32 $_size_execute0_lowered;
	s3 =	sadd.s32 s3, s5;
	[dreg:$0x0] =	wrdreg $0x0  }
0xa8: {  	s5 =	sshll.u32 s28, $0x1;
	[dreg:$0x2] =	wrdreg s3  }
0xa9: {  	[dreg:$0x3] =	wrdreg s5  }
0xaa: {  	[dreg:$0x4] =	wrdreg $0xC0  }
0xab: {  	_ =	task [dreg:s7], $0x5FFFF  }
0xac: {  	[dreg:$0x1] =	wrdreg $0xFFFFFFFF  }
0xad: {  	[dreg:$0x0] =	wrdreg $0x60  }
0xae: {  	[dreg:$0x2] =	wrdreg s24  }
0xaf: {  	[dreg:$0x3] =	wrdreg s2  }
0xb0: {  	[dreg:$0x4] =	wrdreg $0x9  }
0xb1: {  	_ =	task.clear_ibuf [dreg:s7], $0x5FFFF;
	_ =	strace $0x90000049  }
0xb2: {  	s29 =	simm.s32 $0x9;
	_ =	strace $0x8000004B  }
0xb3: {  	_ =	swait.ge [sflag:s29], $0x1  }
0xb4: {  	[sflag:s29] =	ssyncadd.s32 $0xFFFFFFFF  }
0xb5: {  	_ =	strace $0x9000004B  }
0xb6: {  	_ =	sfence  }
0xb7: {  	s30 =	sld [smem:$0x0];
	_ =	sdelay $0x2  }
0xb8: {  	s31 =	sshll.u32 s1, $0xD;
	s1 =	sshrl.u32 s1, $0x2  }
0xb9: {  	s3 =	sand.u32 $0x4000, s31;
	s1 =	sadd.s32 s1, s30  }
0xba: {  	s0 =	sor.u32 s3, s0;
	s1 =	sshll.u32 s1, $0x11  }
0xbb: {  	s0 =	sor.u32 s1, s0  }
0xbc: {  	s0 =	sadd.s32 $0x8F2B, s0  }
0xbd: {  	[sflag:s0] =	ssyncadd.remote.s32 $0x1  }
0xbe: {  	_ =	sfence.sel $0xFFFF  }
0xbf: {  	[dreg:$0x0] =	wrdreg $0xFFFFFFFF;
	(pc) =	sbr.abs _section_cstart, $3  }
0xc0: {  	[dreg:$0x1] =	wrdreg $0xFFFFFFFF  }
0xc1: {  	_ =	task.clear_ibuf [dreg:s7], $0x2FFFF;
	_ =	strace $0x9FFFFFFF  }
0xc2: {  	(tm) =	ssettm $0x7FFFFFFF  }
0xc3: {  	_ =	shalt  }
tec
execute0_lowered:
.L_overlay_start_1:
0x0: {  	(tag) =	ssettag $0x1  }
0x1: {  	s0 =	rddreg [dreg:$0x0];
	s1 =	srdreg.scid  }
0x2: {  	s2 =	rddreg [dreg:$0x1];
	s6 =	stileid.u32;
	s3 =	simm.s32 $0x0  }
0x3: {  	s20 =	simm.s32 $0x14FF0;
	s21 =	simm.s32 $0x157C0;
	s22 =	simm.s32 $0x15F90  }
0x4: {  	s23 =	simm.s32 $0x3;
	s28 =	simm.s32 $0xC350;
	s29 =	simm.s32 $0x4E20  }
0x5: {  	s30 =	simm.s32 $0xEA60;
	s31 =	simm.s32 $0x7530;
	s17 =	simm.s32 $0x0  }
0x6: {  	s1 =	sand.u32 $0x1, s1;
	s5 =	smul.u32 $0x1388, s6;
	[smem:$0x7FF] =	sst s3  }
0x7: {  	s4 =	sshll.u32 s1, $0x4;
	_ =	strace $0x8000004A;
	s8 =	smul.u32 $0x27100, s1  }
0x8: {  	s1 =	ssub.s32 $0x2, s1;
	s4 =	sor.u32 s6, s4;
	s7 =	sadd.s32 s5, s0  }
0x9: {  	s5 =	sadd.s32 $0x2800, s0;
	s24 =	sshrl.u32 s1, $0x1;
	s6 =	smul.u32 $0x1388, s4  }
0xa: {  	s4 =	sadd.s32 $0xC600, s0;
	s9 =	sshrl.u32 s8, $0x3;
	s1 =	ssub.s32 s1, s24  }
0xb: {  	s12 =	sadd.s32 $0x16400, s7;
	s13 =	sadd.s32 $0xFA0, s8;
	s14 =	sadd.s32 $0x1770, s8  }
0xc: {  	s24 =	simm.s32 $0x1;
	s25 =	sadd.s32 s4, s9;
	s26 =	sadd.s32 $0xFA, s9  }
0xd: {  	s10 =	sadd.s32 s5, s9;
	s9 =	sadd.s32 s2, s9;
	[dreg:$0x3] =	wrdreg s25  }
0xe: {  	s16 =	smax.u32 s1, $0x1;
	s1 =	simm.s32 $0x2;
	[dreg:$0x4] =	wrdreg s10  }
0xf: {  	s0 =	sadd.s32 s6, s0;
	[dreg:$0x5] =	wrdreg s9;
	s9 =	sadd.s32 s4, s26  }
0x10: {  	s10 =	sadd.s32 s5, s26;
	s11 =	sadd.s32 s2, s26;
	s25 =	simm.s32 $0x9C40  }
0x11: {  	v0 =	vimm.f32 $0.0e+00;
	s26 =	simm.s32 $0x2710;
	s15 =	sadd.s32 $0x29E00, s0;
	s0 =	simm.s32 $0x11170  }
.LBB2_1:
0x12: {  	s6 =	rddreg [dreg:$0x3];
	s7 =	simm.s32 $0x13880  }
0x13: {  	[tilespmem:s7], [sflag:$0x1] =	stream.linear.gather [hbm4b:s6+s3], $0x7D0, $0x38;
	[tilespmem:$0x16760] =	vst v63  }
0x14: {  	s8 =	simm.s32 $0x14050;
	s7 =	rddreg [dreg:$0x4]  }
0x15: {  	[tilespmem:s8], [sflag:$0x1] =	stream.linear.gather [hbm4b:s7+s3], $0x7D0, $0x38;
	[tilespmem:$0x16760] =	vst v63  }
0x16: {  	s18 =	rddreg [dreg:$0x5];
	s19 =	simm.s32 $0x14820  }
0x17: {  	[tilespmem:s19], [sflag:$0x1] =	stream.linear.gather [hbm4b:s18+s3], $0x7D0, $0x38;
	[tilespmem:$0x16760] =	vst v63  }
0x18: {  	_ = 	snop  }
0x19: {  	[tilespmem:s20], [sflag:$0x2] =	stream.linear.gather [hbm4b:s9+s3], $0x7D0, $0x38;
	[tilespmem:$0x16760] =	vst v63  }
0x1a: {  	_ = 	snop  }
0x1b: {  	[tilespmem:s21], [sflag:$0x2] =	stream.linear.gather [hbm4b:s10+s3], $0x7D0, $0x38;
	[tilespmem:$0x16760] =	vst v63  }
0x1c: {  	_ = 	snop  }
0x1d: {  	[tilespmem:s22], [sflag:$0x2] =	stream.linear.gather [hbm4b:s11+s3], $0x7D0, $0x38;
	[tilespmem:$0x16760] =	vst v63  }
0x1e: {  	_ = 	snop  }
0x1f: {  	[tilespmem:s3], [sflag:$0x3] =	stream.linear.gather [hbm4b:s12+s3], $0x9C40, $0x38;
	[tilespmem:$0x16760] =	vst v63  }
0x20: {  	_ =	swait.ge [sflag:s23], $0x9C40  }
0x21: {  	[sflag:s23] =	ssyncset.done $0x0  }
0x22: {  	s6 =	simm.s32 $0x9C80;
	[sflag:s23] =	ssyncadd.s32 $0xFFFF63C0  }
0x23: {  	[tilespmem:s6+$0xFFFFFFC0] =	vst v0  }
0x24: {  	[tilespmem:s6+$0x30] =	vst v0  }
0x25: {  	[tilespmem:s6+$0x20] =	vst v0  }
0x26: {  	[tilespmem:s6+$0x10] =	vst v0  }
0x27: {  	[tilespmem:s6+$0x0] =	vst v0  }
0x28: {  	[tilespmem:s6+$0xFFFFFFF0] =	vst v0  }
0x29: {  	s7 =	simm.s32 $0x0;
	[tilespmem:s6+$0xFFFFFFE0] =	vst v0  }
.LBB2_2:
0x2a: {  	s7 =	sadd.s32 $0x8, s7;
	[tilespmem:s6+$0xFFFFFFD0] =	vst v0;
	s6 =	sadd.s32 $0x80, s6  }
0x2b: {  	[tilespmem:s6+$0xFFFFFFC0] =	vst v0;
	p0 =	slt.u32 s7, $0x9B8  }
0x2c: {  	[tilespmem:s6+$0x30] =	vst v0  }
.Ltmp0:
0x2d: {  	[tilespmem:s6+$0x20] =	vst v0;
	(pc) =	sbr.rel @p0 .LBB2_2-.Ltmp0, $4  }
0x2e: {  	[tilespmem:s6+$0x10] =	vst v0  }
0x2f: {  	[tilespmem:s6+$0x0] =	vst v0  }
0x30: {  	[tilespmem:s6+$0xFFFFFFF0] =	vst v0  }
0x31: {  	[tilespmem:s6+$0xFFFFFFE0] =	vst v0  }
0x32: {  	[tilespmem:s6+$0xFFFFFFD0] =	vst v0;
	s18 =	simm.s32 $0x0;
	s6 =	simm.s32 $0x0  }
.LBB2_4:
0x33: {  	p0 =	sne.s32 s6, $0xC0  }
.Ltmp1:
0x34: {  	_ = 	snop;
	(pc) =	sbr.rel @p0 .LBB2_4-.Ltmp1, $3  }
0x35: {  	_ =	sdelay $0x1  }
0x36: {  	s7 =	sshra.s32 s6, $0x2  }
0x37: {  	s6 =	sadd.s32 $0x40, s6;
	[tilespmem:s7+$0x13840] =	vst v0  }
.Ltmp2:
0x38: {  	_ = 	snop;
	(pc) =	sbr.rel .LBB2_5-.Ltmp2, $1  }
0x39: {  	_ =	sdelay $0x3  }
.LBB2_10:
0x3a: {  	s6 =	smul.u32 $0xFA0, s18;
	_ =	sdelay $0x1  }
0x3b: {  	s6 =	sadd.s32 s6, s14  }
0x3c: {  	s6 =	sshrl.u32 s6, $0x3  }
0x3d: {  	s7 =	sadd.s32 s4, s6  }
0x3e: {  	[tilespmem:s20], [sflag:$0x2] =	stream.linear.gather [hbm4b:s7+s3], $0x7D0, $0x38;
	[tilespmem:$0x16760] =	vst v63  }
0x3f: {  	s19 =	sadd.s32 s5, s6  }
0x40: {  	[tilespmem:s21], [sflag:$0x2] =	stream.linear.gather [hbm4b:s19+s3], $0x7D0, $0x38;
	[tilespmem:$0x16760] =	vst v63  }
0x41: {  	s18 =	sadd.s32 $0x1, s18;
	s6 =	sadd.s32 s2, s6  }
0x42: {  	[tilespmem:s22], [sflag:$0x2] =	stream.linear.gather [hbm4b:s6+s3], $0x7D0, $0x38;
	[tilespmem:$0x16760] =	vst v63  }
.LBB2_5:
0x43: {  	_ =	swait.ge [sflag:s24], $0x7D0  }
0x44: {  	[sflag:s24] =	ssyncset.done $0x0  }
0x45: {  	[sflag:s24] =	ssyncadd.s32 $0xFFFFF830  }
0x46: {  	_ =	swait.ge [sflag:s24], $0x7D0  }
0x47: {  	[sflag:s24] =	ssyncset.done $0x0  }
0x48: {  	[sflag:s24] =	ssyncadd.s32 $0xFFFFF830  }
0x49: {  	_ =	swait.ge [sflag:s24], $0x7D0  }
0x4a: {  	[sflag:s24] =	ssyncset.done $0x0  }
0x4b: {  	s6 =	simm.s32 $0x13890;
	[sflag:s24] =	ssyncadd.s32 $0xFFFFF830  }
0x4c: {  	v4 =	vld [tilespmem:s6+$0x0];
	_ =	sdelay $0x4  }
0x4d: {  	s7 =	simm.s32 $0x14060  }
0x4e: {  	s19 =	simm.s32 $0x14830;
	v6 =	vld [tilespmem:s7+$0x0]  }
0x4f: {  	v7 =	vld [tilespmem:s19+$0x0]  }
0x50: {  	v1 =	vld.idx.msk [tilespmem:v4+s3+$0x0], $0xffff;
	_ =	sdelay $0x1  }
0x51: {  	v9 =	vld [tilespmem:s6+$0xFFFFFFF0]  }
0x52: {  	s8 =	simm.s32 $0x138B0  }
0x53: {  	v10 =	vld [tilespmem:s8+$0x0]  }
0x54: {  	v1 =	vmul.f32 v1, v7  }
0x55: {  	v2 =	vld [tilespmem:s19+$0xFFFFFFF0]  }
0x56: {  	[tilespmem:v6+s25+$0x0] =	vst.idx.add.f32.msk $0xffff, v1  }
0x57: {  	s19 =	simm.s32 $0x14080;
	v3 =	vld.idx.msk [tilespmem:v4+s26+$0x0], $0xffff  }
0x58: {  	v18 =	vld [tilespmem:s19+$0x0]  }
0x59: {  	v5 =	vld.idx.msk [tilespmem:v9+s3+$0x0], $0xffff  }
0x5a: {  	v1 =	vld [tilespmem:s7+$0xFFFFFFF0]  }
0x5b: {  	v11 =	vld.idx.msk [tilespmem:v10+s3+$0x0], $0xffff  }
0x5c: {  	v8 =	vmul.f32 v3, v7;
	v3 =	vld [tilespmem:s8+$0xFFFFFFF0];
	s8 =	simm.s32 $0x14850  }
0x5d: {  	v13 =	vld [tilespmem:s8+$0x0]  }
0x5e: {  	[tilespmem:v6+s28+$0x0] =	vst.idx.add.f32.msk $0xffff, v8  }
0x5f: {  	v8 =	vld.idx.msk [tilespmem:v4+s29+$0x0], $0xffff  }
0x60: {  	v5 =	vmul.f32 v5, v2;
	_ =	sdelay $0x1  }
0x61: {  	[tilespmem:v1+s25+$0x0] =	vst.idx.add.f32.msk $0xffff, v5;
	v11 =	vmul.f32 v11, v13  }
0x62: {  	v12 =	vld.idx.msk [tilespmem:v9+s26+$0x0], $0xffff  }
0x63: {  	v5 =	vmul.f32 v8, v7;
	[tilespmem:v18+s25+$0x0] =	vst.idx.add.f32.msk $0xffff, v11  }
0x64: {  	v11 =	vld.idx.msk [tilespmem:v10+s26+$0x0], $0xffff  }
0x65: {  	[tilespmem:v6+s30+$0x0] =	vst.idx.add.f32.msk $0xffff, v5  }
0x66: {  	v14 =	vld.idx.msk [tilespmem:v4+s31+$0x0], $0xffff  }
0x67: {  	v8 =	vld.idx.msk [tilespmem:v3+s3+$0x0], $0xffff  }
0x68: {  	v12 =	vmul.f32 v12, v2;
	v5 =	vld [tilespmem:s8+$0xFFFFFFF0]  }
0x69: {  	v4 =	vld [tilespmem:s19+$0xFFFFFFF0]  }
0x6a: {  	[tilespmem:v1+s28+$0x0] =	vst.idx.add.f32.msk $0xffff, v12;
	v11 =	vmul.f32 v11, v13  }
0x6b: {  	v12 =	vld.idx.msk [tilespmem:v9+s29+$0x0], $0xffff;
	v7 =	vmul.f32 v14, v7  }
0x6c: {  	[tilespmem:v18+s28+$0x0] =	vst.idx.add.f32.msk $0xffff, v11  }
0x6d: {  	s19 =	simm.s32 $0x138D0;
	[tilespmem:v6+s0+$0x0] =	vst.idx.add.f32.msk $0xffff, v7  }
0x6e: {  	v7 =	vld [tilespmem:s19+$0x0]  }
0x6f: {  	v8 =	vmul.f32 v8, v5;
	v11 =	vld.idx.msk [tilespmem:v10+s29+$0x0], $0xffff  }
0x70: {  	v6 =	vld [tilespmem:s19+$0xFFFFFFF0]  }
0x71: {  	s19 =	simm.s32 $0x140A0;
	[tilespmem:v4+s25+$0x0] =	vst.idx.add.f32.msk $0xffff, v8  }
0x72: {  	v8 =	vmul.f32 v12, v2;
	v12 =	vld [tilespmem:s19+$0x0]  }
0x73: {  	v14 =	vld.idx.msk [tilespmem:v3+s26+$0x0], $0xffff  }
0x74: {  	s6 =	simm.s32 $0x14870;
	[tilespmem:v1+s30+$0x0] =	vst.idx.add.f32.msk $0xffff, v8  }
0x75: {  	v8 =	vld [tilespmem:s6+$0x0];
	v16 =	vmul.f32 v11, v13  }
0x76: {  	v15 =	vld.idx.msk [tilespmem:v7+s3+$0x0], $0xffff  }
0x77: {  	[tilespmem:v18+s30+$0x0] =	vst.idx.add.f32.msk $0xffff, v16  }
0x78: {  	v10 =	vld.idx.msk [tilespmem:v10+s31+$0x0], $0xffff  }
0x79: {  	v11 =	vld [tilespmem:s6+$0xFFFFFFF0]  }
0x7a: {  	v16 =	vmul.f32 v14, v5;
	v14 =	vld [tilespmem:s19+$0xFFFFFFF0]  }
0x7b: {  	v17 =	vld.idx.msk [tilespmem:v6+s3+$0x0], $0xffff;
	v15 =	vmul.f32 v15, v8  }
0x7c: {  	[tilespmem:v4+s28+$0x0] =	vst.idx.add.f32.msk $0xffff, v16  }
0x7d: {  	v10 =	vmul.f32 v10, v13;
	[tilespmem:v12+s25+$0x0] =	vst.idx.add.f32.msk $0xffff, v15  }
0x7e: {  	v16 =	vld.idx.msk [tilespmem:v7+s26+$0x0], $0xffff  }
0x7f: {  	v15 =	vld.idx.msk [tilespmem:v3+s29+$0x0], $0xffff  }
0x80: {  	v13 =	vld.idx.msk [tilespmem:v9+s31+$0x0], $0xffff  }
0x81: {  	s7 =	simm.s32 $0x40;
	s8 =	simm.s32 $0x138F0;
	v9 =	vmov v14;
	v17 =	vmul.f32 v17, v11;
	[tilespmem:v18+s0+$0x0] =	vst.idx.add.f32.msk $0xffff, v10;
	v10 =	vmov v12  }
.LBB2_6:
0x82: {  	v18 =	vld [tilespmem:s8+$0x0];
	s7 =	sadd.s32 $0x20, s7  }
0x83: {  	v16 =	vmul.f32 v16, v8;
	v19 =	vld [tilespmem:s8+$0xFFFFFFF0];
	p0 =	slt.u32 s7, $0x7A0  }
0x84: {  	[tilespmem:v14+s25+$0x0] =	vst.idx.add.f32.msk $0xffff, v17;
	v14 =	vmul.f32 v15, v5  }
0x85: {  	v20 =	vmul.f32 v13, v2;
	v2 =	vmov v5;
	v5 =	vmov v11;
	[tilespmem:v12+s28+$0x0] =	vst.idx.add.f32.msk $0xffff, v16  }
0x86: {  	v11 =	vld.idx.msk [tilespmem:v7+s29+$0x0], $0xffff  }
0x87: {  	v13 =	vld.idx.msk [tilespmem:v6+s26+$0x0], $0xffff  }
0x88: {  	s19 =	sadd.s32 $0x20, s19;
	[tilespmem:v4+s30+$0x0] =	vst.idx.add.f32.msk $0xffff, v14  }
0x89: {  	v12 =	vld [tilespmem:s19+$0x0]  }
0x8a: {  	s6 =	sadd.s32 $0x20, s6;
	v15 =	vld.idx.msk [tilespmem:v18+s3+$0x0], $0xffff  }
0x8b: {  	v21 =	vld [tilespmem:s6+$0x0]  }
0x8c: {  	v14 =	vmul.f32 v11, v8;
	v16 =	vld.idx.msk [tilespmem:v19+s3+$0x0], $0xffff  }
0x8d: {  	v13 =	vmul.f32 v13, v5;
	v11 =	vld [tilespmem:s6+$0xFFFFFFF0]  }
0x8e: {  	[tilespmem:v10+s30+$0x0] =	vst.idx.add.f32.msk $0xffff, v14  }
0x8f: {  	v22 =	vld.idx.msk [tilespmem:v7+s31+$0x0], $0xffff;
	v7 =	vmov v18  }
0x90: {  	v14 =	vld [tilespmem:s19+$0xFFFFFFF0];
	v15 =	vmul.f32 v15, v21  }
0x91: {  	[tilespmem:v9+s28+$0x0] =	vst.idx.add.f32.msk $0xffff, v13  }
0x92: {  	v17 =	vmul.f32 v16, v11;
	[tilespmem:v12+s25+$0x0] =	vst.idx.add.f32.msk $0xffff, v15  }
.Ltmp3:
0x93: {  	v16 =	vld.idx.msk [tilespmem:v18+s26+$0x0], $0xffff;
	(pc) =	sbr.rel @p0 .LBB2_6-.Ltmp3, $4  }
0x94: {  	v15 =	vld.idx.msk [tilespmem:v6+s29+$0x0], $0xffff  }
0x95: {  	v18 =	vmul.f32 v22, v8;
	v8 =	vmovc v21;
	v13 =	vld.idx.msk [tilespmem:v3+s31+$0x0], $0xffff;
	v3 =	vmov v6;
	v6 =	vmov v19  }
0x96: {  	[tilespmem:v1+s0+$0x0] =	vst.idx.add.f32.msk $0xffff, v20;
	v1 =	vmov v4;
	v4 =	vmov v9;
	v9 =	vmov v14  }
0x97: {  	s8 =	sadd.s32 $0x20, s8;
	[tilespmem:v10+s0+$0x0] =	vst.idx.add.f32.msk $0xffff, v18;
	v10 =	vmov v12  }
0x98: {  	_ =	sdelay $0x3  }
0x99: {  	[tilespmem:v14+s25+$0x0] =	vst.idx.add.f32.msk $0xffff, v17  }
0x9a: {  	v14 =	vld.idx.msk [tilespmem:v6+s26+$0x0], $0xffff;
	_ =	sdelay $0x2  }
0x9b: {  	v16 =	vmul.f32 v16, v8;
	_ =	sdelay $0x1  }
0x9c: {  	[tilespmem:v12+s28+$0x0] =	vst.idx.add.f32.msk $0xffff, v16;
	v14 =	vmul.f32 v14, v11  }
0x9d: {  	v12 =	vld.idx.msk [tilespmem:v7+s29+$0x0], $0xffff  }
0x9e: {  	[tilespmem:v9+s28+$0x0] =	vst.idx.add.f32.msk $0xffff, v14  }
0x9f: {  	v14 =	vld.idx.msk [tilespmem:v6+s29+$0x0], $0xffff  }
0xa0: {  	v15 =	vmul.f32 v15, v5;
	_ =	sdelay $0x1  }
0xa1: {  	[tilespmem:v4+s30+$0x0] =	vst.idx.add.f32.msk $0xffff, v15;
	v12 =	vmul.f32 v12, v8  }
0xa2: {  	v3 =	vld.idx.msk [tilespmem:v3+s31+$0x0], $0xffff  }
0xa3: {  	[tilespmem:v10+s30+$0x0] =	vst.idx.add.f32.msk $0xffff, v12;
	v12 =	vmul.f32 v14, v11  }
0xa4: {  	v7 =	vld.idx.msk [tilespmem:v7+s31+$0x0], $0xffff  }
0xa5: {  	[tilespmem:v9+s30+$0x0] =	vst.idx.add.f32.msk $0xffff, v12  }
0xa6: {  	v6 =	vld.idx.msk [tilespmem:v6+s31+$0x0], $0xffff  }
0xa7: {  	v2 =	vmul.f32 v13, v2;
	_ =	sdelay $0x1  }
0xa8: {  	[tilespmem:v1+s0+$0x0] =	vst.idx.add.f32.msk $0xffff, v2;
	v1 =	vmul.f32 v3, v5  }
0xa9: {  	v7 =	vmul.f32 v7, v8  }
0xaa: {  	[tilespmem:v4+s0+$0x0] =	vst.idx.add.f32.msk $0xffff, v1;
	v2 =	vmul.f32 v6, v11  }
0xab: {  	[tilespmem:v10+s0+$0x0] =	vst.idx.add.f32.msk $0xffff, v7  }
0xac: {  	[tilespmem:v9+s0+$0x0] =	vst.idx.add.f32.msk $0xffff, v2  }
0xad: {  	v1 =	vld [tilespmem:$0x14040];
	_ =	sdelay $0x5  }
0xae: {  	v2 =	vld [tilespmem:$0x14810]  }
0xaf: {  	v3 =	vld [tilespmem:$0x14FE0]  }
0xb0: {  	v4 =	vld.idx.msk [tilespmem:v1+s3+$0x0], $0xffff;
	_ =	sdelay $0x4  }
0xb1: {  	v4 =	vmul.f32 v4, v3;
	_ =	sdelay $0x1  }
0xb2: {  	[tilespmem:v2+s25+$0x0] =	vst.idx.add.f32.msk $0xffff, v4  }
0xb3: {  	v4 =	vld.idx.msk [tilespmem:v1+s26+$0x0], $0xffff;
	_ =	sdelay $0x4  }
0xb4: {  	v4 =	vmul.f32 v4, v3;
	_ =	sdelay $0x1  }
0xb5: {  	[tilespmem:v2+s28+$0x0] =	vst.idx.add.f32.msk $0xffff, v4  }
0xb6: {  	v4 =	vld.idx.msk [tilespmem:v1+s29+$0x0], $0xffff;
	_ =	sdelay $0x4  }
0xb7: {  	v4 =	vmul.f32 v4, v3;
	_ =	sdelay $0x1  }
0xb8: {  	[tilespmem:v2+s30+$0x0] =	vst.idx.add.f32.msk $0xffff, v4  }
0xb9: {  	v1 =	vld.idx.msk [tilespmem:v1+s31+$0x0], $0xffff;
	_ =	sdelay $0x1  }
0xba: {  	p0 =	seq.s32 s18, $0x27  }
0xbb: {  	s6 =	smul.u32 @!p0 $0xFA0, s18;
	_ =	sdelay $0x1  }
0xbc: {  	s6 =	sadd.s32 @!p0 s6, s13;
	v1 =	vmul.f32 v1, v3  }
0xbd: {  	s6 =	sshrl.u32 @!p0 s6, $0x3  }
0xbe: {  	s8 =	simm.s32 @!p0 $0x0;
	s19 =	simm.s32 @!p0 $0x13880;
	s7 =	sadd.s32 @!p0 s4, s6;
	[tilespmem:v2+s0+$0x0] =	vst.idx.add.f32.msk $0xffff, v1  }
0xbf: {  	[tilespmem:s19], [sflag:$0x1] =	stream.linear.gather @!p0 [hbm4b:s7+s8], $0x7D0, $0x38;
	[tilespmem:$0x16760] =	vst v63  }
0xc0: {  	s7 =	sadd.s32 @!p0 s5, s6;
	s19 =	simm.s32 @!p0 $0x14050  }
0xc1: {  	[tilespmem:s19], [sflag:$0x1] =	stream.linear.gather @!p0 [hbm4b:s7+s8], $0x7D0, $0x38;
	[tilespmem:$0x16760] =	vst v63  }
0xc2: {  	s6 =	sadd.s32 @!p0 s2, s6;
	s7 =	simm.s32 @!p0 $0x14820  }
0xc3: {  	[tilespmem:s7], [sflag:$0x1] =	stream.linear.gather @!p0 [hbm4b:s6+s8], $0x7D0, $0x38;
	[tilespmem:$0x16760] =	vst v63  }
0xc4: {  	_ =	swait.ge [sflag:s1], $0x7D0  }
0xc5: {  	[sflag:s1] =	ssyncset.done $0x0  }
0xc6: {  	[sflag:s1] =	ssyncadd.s32 $0xFFFFF830  }
0xc7: {  	_ =	swait.ge [sflag:s1], $0x7D0  }
0xc8: {  	[sflag:s1] =	ssyncset.done $0x0  }
0xc9: {  	[sflag:s1] =	ssyncadd.s32 $0xFFFFF830  }
0xca: {  	_ =	swait.ge [sflag:s1], $0x7D0  }
0xcb: {  	[sflag:s1] =	ssyncset.done $0x0  }
0xcc: {  	s7 =	simm.s32 $0x15000;
	[sflag:s1] =	ssyncadd.s32 $0xFFFFF830  }
0xcd: {  	v4 =	vld [tilespmem:s7+$0x0];
	_ =	sdelay $0x4  }
0xce: {  	s8 =	simm.s32 $0x157D0  }
0xcf: {  	s19 =	simm.s32 $0x15FA0;
	v6 =	vld [tilespmem:s8+$0x0]  }
0xd0: {  	v7 =	vld [tilespmem:s19+$0x0]  }
0xd1: {  	v1 =	vld.idx.msk [tilespmem:v4+s3+$0x0], $0xffff;
	_ =	sdelay $0x4  }
0xd2: {  	v9 =	vld [tilespmem:s7+$0xFFFFFFF0];
	v1 =	vmul.f32 v1, v7;
	_ =	sdelay $0x1  }
0xd3: {  	[tilespmem:v6+s25+$0x0] =	vst.idx.add.f32.msk $0xffff, v1  }
0xd4: {  	v3 =	vld.idx.msk [tilespmem:v4+s26+$0x0], $0xffff;
	_ =	sdelay $0x1  }
0xd5: {  	v1 =	vld [tilespmem:s8+$0xFFFFFFF0];
	s8 =	simm.s32 $0x15020  }
0xd6: {  	v10 =	vld [tilespmem:s8+$0x0]  }
0xd7: {  	v2 =	vld [tilespmem:s19+$0xFFFFFFF0]  }
0xd8: {  	v5 =	vld.idx.msk [tilespmem:v9+s3+$0x0], $0xffff;
	v8 =	vmul.f32 v3, v7  }
0xd9: {  	v3 =	vld [tilespmem:s8+$0xFFFFFFF0]  }
0xda: {  	[tilespmem:v6+s28+$0x0] =	vst.idx.add.f32.msk $0xffff, v8  }
0xdb: {  	s19 =	simm.s32 $0x157F0;
	v8 =	vld.idx.msk [tilespmem:v4+s29+$0x0], $0xffff  }
0xdc: {  	v18 =	vld [tilespmem:s19+$0x0];
	s8 =	simm.s32 $0x15FC0  }
0xdd: {  	v5 =	vmul.f32 v5, v2;
	v13 =	vld [tilespmem:s8+$0x0]  }
0xde: {  	v11 =	vld.idx.msk [tilespmem:v10+s3+$0x0], $0xffff  }
0xdf: {  	[tilespmem:v1+s25+$0x0] =	vst.idx.add.f32.msk $0xffff, v5  }
0xe0: {  	v12 =	vld.idx.msk [tilespmem:v9+s26+$0x0], $0xffff;
	v5 =	vmul.f32 v8, v7  }
0xe1: {  	v8 =	vld.idx.msk [tilespmem:v3+s3+$0x0], $0xffff  }
0xe2: {  	[tilespmem:v6+s30+$0x0] =	vst.idx.add.f32.msk $0xffff, v5  }
0xe3: {  	v11 =	vmul.f32 v11, v13;
	v14 =	vld.idx.msk [tilespmem:v4+s31+$0x0], $0xffff  }
0xe4: {  	v5 =	vld [tilespmem:s8+$0xFFFFFFF0]  }
0xe5: {  	[tilespmem:v18+s25+$0x0] =	vst.idx.add.f32.msk $0xffff, v11  }
0xe6: {  	v12 =	vmul.f32 v12, v2;
	v11 =	vld.idx.msk [tilespmem:v10+s26+$0x0], $0xffff  }
0xe7: {  	v4 =	vld [tilespmem:s19+$0xFFFFFFF0]  }
0xe8: {  	[tilespmem:v1+s28+$0x0] =	vst.idx.add.f32.msk $0xffff, v12;
	v7 =	vmul.f32 v14, v7  }
0xe9: {  	v12 =	vld.idx.msk [tilespmem:v9+s29+$0x0], $0xffff  }
0xea: {  	s19 =	simm.s32 $0x15040;
	[tilespmem:v6+s0+$0x0] =	vst.idx.add.f32.msk $0xffff, v7  }
0xeb: {  	v11 =	vmul.f32 v11, v13;
	v7 =	vld [tilespmem:s19+$0x0]  }
0xec: {  	v6 =	vld [tilespmem:s19+$0xFFFFFFF0]  }
0xed: {  	v8 =	vmul.f32 v8, v5;
	[tilespmem:v18+s28+$0x0] =	vst.idx.add.f32.msk $0xffff, v11  }
0xee: {  	v11 =	vld.idx.msk [tilespmem:v10+s29+$0x0], $0xffff  }
0xef: {  	s19 =	simm.s32 $0x15810;
	[tilespmem:v4+s25+$0x0] =	vst.idx.add.f32.msk $0xffff, v8  }
0xf0: {  	v8 =	vmul.f32 v12, v2;
	v12 =	vld [tilespmem:s19+$0x0]  }
0xf1: {  	v14 =	vld.idx.msk [tilespmem:v3+s26+$0x0], $0xffff  }
0xf2: {  	s6 =	simm.s32 $0x15FE0;
	[tilespmem:v1+s30+$0x0] =	vst.idx.add.f32.msk $0xffff, v8  }
0xf3: {  	v8 =	vld [tilespmem:s6+$0x0];
	v16 =	vmul.f32 v11, v13  }
0xf4: {  	v15 =	vld.idx.msk [tilespmem:v7+s3+$0x0], $0xffff  }
0xf5: {  	[tilespmem:v18+s30+$0x0] =	vst.idx.add.f32.msk $0xffff, v16  }
0xf6: {  	v10 =	vld.idx.msk [tilespmem:v10+s31+$0x0], $0xffff  }
0xf7: {  	v11 =	vld [tilespmem:s6+$0xFFFFFFF0]  }
0xf8: {  	v17 =	vld.idx.msk [tilespmem:v6+s3+$0x0], $0xffff;
	v16 =	vmul.f32 v14, v5  }
0xf9: {  	v14 =	vld [tilespmem:s19+$0xFFFFFFF0];
	v15 =	vmul.f32 v15, v8  }
0xfa: {  	[tilespmem:v4+s28+$0x0] =	vst.idx.add.f32.msk $0xffff, v16  }
0xfb: {  	v10 =	vmul.f32 v10, v13;
	[tilespmem:v12+s25+$0x0] =	vst.idx.add.f32.msk $0xffff, v15  }
0xfc: {  	v16 =	vld.idx.msk [tilespmem:v7+s26+$0x0], $0xffff  }
0xfd: {  	v15 =	vld.idx.msk [tilespmem:v3+s29+$0x0], $0xffff  }
0xfe: {  	v13 =	vld.idx.msk [tilespmem:v9+s31+$0x0], $0xffff  }
0xff: {  	s7 =	simm.s32 $0x40;
	s8 =	simm.s32 $0x15060;
	v17 =	vmul.f32 v17, v11;
	v9 =	vmov v14;
	[tilespmem:v18+s0+$0x0] =	vst.idx.add.f32.msk $0xffff, v10;
	v10 =	vmov v12  }
.LBB2_8:
0x100: {  	v18 =	vld [tilespmem:s8+$0x0];
	s7 =	sadd.s32 $0x20, s7  }
0x101: {  	v16 =	vmul.f32 v16, v8;
	v19 =	vld [tilespmem:s8+$0xFFFFFFF0];
	p1 =	slt.u32 s7, $0x7A0  }
0x102: {  	[tilespmem:v14+s25+$0x0] =	vst.idx.add.f32.msk $0xffff, v17;
	v14 =	vmul.f32 v15, v5  }
0x103: {  	v20 =	vmul.f32 v13, v2;
	v2 =	vmov v5;
	v5 =	vmov v11;
	[tilespmem:v12+s28+$0x0] =	vst.idx.add.f32.msk $0xffff, v16  }
0x104: {  	v11 =	vld.idx.msk [tilespmem:v7+s29+$0x0], $0xffff  }
0x105: {  	v13 =	vld.idx.msk [tilespmem:v6+s26+$0x0], $0xffff  }
0x106: {  	s19 =	sadd.s32 $0x20, s19;
	[tilespmem:v4+s30+$0x0] =	vst.idx.add.f32.msk $0xffff, v14  }
0x107: {  	v12 =	vld [tilespmem:s19+$0x0]  }
0x108: {  	s6 =	sadd.s32 $0x20, s6;
	v15 =	vld.idx.msk [tilespmem:v18+s3+$0x0], $0xffff  }
0x109: {  	v21 =	vld [tilespmem:s6+$0x0]  }
0x10a: {  	v14 =	vmul.f32 v11, v8;
	v16 =	vld.idx.msk [tilespmem:v19+s3+$0x0], $0xffff  }
0x10b: {  	v13 =	vmul.f32 v13, v5;
	v11 =	vld [tilespmem:s6+$0xFFFFFFF0]  }
0x10c: {  	[tilespmem:v10+s30+$0x0] =	vst.idx.add.f32.msk $0xffff, v14  }
0x10d: {  	v22 =	vld.idx.msk [tilespmem:v7+s31+$0x0], $0xffff;
	v7 =	vmov v18  }
0x10e: {  	v14 =	vld [tilespmem:s19+$0xFFFFFFF0];
	v15 =	vmul.f32 v15, v21  }
0x10f: {  	[tilespmem:v9+s28+$0x0] =	vst.idx.add.f32.msk $0xffff, v13  }
0x110: {  	v17 =	vmul.f32 v16, v11;
	[tilespmem:v12+s25+$0x0] =	vst.idx.add.f32.msk $0xffff, v15  }
.Ltmp4:
0x111: {  	v16 =	vld.idx.msk [tilespmem:v18+s26+$0x0], $0xffff;
	(pc) =	sbr.rel @p1 .LBB2_8-.Ltmp4, $4  }
0x112: {  	v15 =	vld.idx.msk [tilespmem:v6+s29+$0x0], $0xffff  }
0x113: {  	v18 =	vmul.f32 v22, v8;
	v8 =	vmovc v21;
	v13 =	vld.idx.msk [tilespmem:v3+s31+$0x0], $0xffff;
	v3 =	vmov v6;
	v6 =	vmov v19  }
0x114: {  	[tilespmem:v1+s0+$0x0] =	vst.idx.add.f32.msk $0xffff, v20;
	v1 =	vmov v4;
	v4 =	vmov v9;
	v9 =	vmov v14  }
0x115: {  	s8 =	sadd.s32 $0x20, s8;
	[tilespmem:v10+s0+$0x0] =	vst.idx.add.f32.msk $0xffff, v18;
	v10 =	vmov v12  }
0x116: {  	_ =	sdelay $0x3  }
0x117: {  	[tilespmem:v14+s25+$0x0] =	vst.idx.add.f32.msk $0xffff, v17  }
0x118: {  	v14 =	vld.idx.msk [tilespmem:v6+s26+$0x0], $0xffff;
	_ =	sdelay $0x2  }
0x119: {  	v16 =	vmul.f32 v16, v8;
	_ =	sdelay $0x1  }
0x11a: {  	[tilespmem:v12+s28+$0x0] =	vst.idx.add.f32.msk $0xffff, v16;
	v14 =	vmul.f32 v14, v11  }
0x11b: {  	v12 =	vld.idx.msk [tilespmem:v7+s29+$0x0], $0xffff  }
0x11c: {  	[tilespmem:v9+s28+$0x0] =	vst.idx.add.f32.msk $0xffff, v14  }
0x11d: {  	v14 =	vld.idx.msk [tilespmem:v6+s29+$0x0], $0xffff  }
0x11e: {  	v15 =	vmul.f32 v15, v5;
	_ =	sdelay $0x1  }
0x11f: {  	[tilespmem:v4+s30+$0x0] =	vst.idx.add.f32.msk $0xffff, v15;
	v12 =	vmul.f32 v12, v8  }
0x120: {  	v3 =	vld.idx.msk [tilespmem:v3+s31+$0x0], $0xffff  }
0x121: {  	[tilespmem:v10+s30+$0x0] =	vst.idx.add.f32.msk $0xffff, v12;
	v62 =	vmul.f32 v14, v11  }
0x122: {  	v61 =	vld.idx.msk [tilespmem:v7+s31+$0x0], $0xffff  }
0x123: {  	[tilespmem:v9+s30+$0x0] =	vst.idx.add.f32.msk $0xffff, v62  }
0x124: {  	v63 =	vld.idx.msk [tilespmem:v6+s31+$0x0], $0xffff  }
0x125: {  	v2 =	vmul.f32 v13, v2;
	_ =	sdelay $0x1  }
0x126: {  	[tilespmem:v1+s0+$0x0] =	vst.idx.add.f32.msk $0xffff, v2;
	v1 =	vmul.f32 v3, v5  }
0x127: {  	v7 =	vmul.f32 v61, v8  }
0x128: {  	[tilespmem:v4+s0+$0x0] =	vst.idx.add.f32.msk $0xffff, v1;
	v2 =	vmul.f32 v63, v11  }
0x129: {  	[tilespmem:v10+s0+$0x0] =	vst.idx.add.f32.msk $0xffff, v7  }
0x12a: {  	[tilespmem:v9+s0+$0x0] =	vst.idx.add.f32.msk $0xffff, v2  }
0x12b: {  	v1 =	vld [tilespmem:$0x157B0];
	_ =	sdelay $0x5  }
0x12c: {  	v2 =	vld [tilespmem:$0x15F80]  }
0x12d: {  	v3 =	vld [tilespmem:$0x16750]  }
0x12e: {  	v4 =	vld.idx.msk [tilespmem:v1+s3+$0x0], $0xffff;
	_ =	sdelay $0x4  }
0x12f: {  	v4 =	vmul.f32 v4, v3;
	_ =	sdelay $0x1  }
0x130: {  	[tilespmem:v2+s25+$0x0] =	vst.idx.add.f32.msk $0xffff, v4  }
0x131: {  	v4 =	vld.idx.msk [tilespmem:v1+s26+$0x0], $0xffff;
	_ =	sdelay $0x4  }
0x132: {  	v4 =	vmul.f32 v4, v3;
	_ =	sdelay $0x1  }
0x133: {  	[tilespmem:v2+s28+$0x0] =	vst.idx.add.f32.msk $0xffff, v4  }
0x134: {  	v4 =	vld.idx.msk [tilespmem:v1+s29+$0x0], $0xffff;
	_ =	sdelay $0x4  }
0x135: {  	v4 =	vmul.f32 v4, v3;
	_ =	sdelay $0x1  }
0x136: {  	[tilespmem:v2+s30+$0x0] =	vst.idx.add.f32.msk $0xffff, v4  }
0x137: {  	v1 =	vld.idx.msk [tilespmem:v1+s31+$0x0], $0xffff;
	_ =	sdelay $0x2  }
.Ltmp5:
0x138: {  	_ = 	snop;
	(pc) =	sbr.rel @!p0 .LBB2_10-.Ltmp5, $3  }
0x139: {  	_ = 	snop  }
0x13a: {  	v1 =	vmul.f32 v1, v3;
	_ =	sdelay $0x1  }
0x13b: {  	[tilespmem:v2+s0+$0x0] =	vst.idx.add.f32.msk $0xffff, v1  }
0x13c: {  	s17 =	sadd.s32 $0x1, s17  }
0x13d: {  	p0 =	sne.s32 s17, s16  }
.Ltmp6:
0x13e: {  	_ = 	snop;
	(pc) =	sbr.rel @p0 .LBB2_1-.Ltmp6, $4  }
0x13f: {  	[hbm4b:s15+s3] =	stream.linear.scatter [tilespmem:s25], [sflag:$0x3], $0x9C40, $0x38;
	[tilespmem:$0x16760] =	vst v63  }
0x140: {  	_ =	swait.ge [sflag:s23], $0x9C40  }
0x141: {  	[sflag:s23] =	ssyncset.done $0x0  }
0x142: {  	[sflag:s23] =	ssyncadd.s32 $0xFFFF63C0  }
0x143: {  	_ =	sfence.sel $0x180000  }
0x144: {  	[bflag:$0x0] =	sbarrier.arrive $0xFFFF  }
0x145: {  	_ =	strace $0x9000004A  }
0x146: {  	s0 =	stileid.u32;
	[bflag:$0x2] =	sbarrier.arrive $0xFFFF  }
0x147: {  	p0 =	sne.s32 s0, $0x0;
	s0 =	rddreg [dreg:$0x2]  }
0x148: {  	s0 =	sadd.s32 @!p0 $0x100000, s0  }
0x149: {  	[sflag:s0] =	ssyncadd.tile.s32 @!p0 $0x1;
	_ =	shalt  }
.Lfunc_end2:
_tile_overlayer_lowered:
.L_overlay_start_2:
0x14a: {  	(tag) =	ssettag $0x2  }
0x14b: {  	s0 =	rddreg [dreg:$0x0];
	s2 =	stileid.u32  }
0x14c: {  	s1 =	rddreg [dreg:$0x1];
	p0 =	sne.s32 s2, $0x0  }
0x14d: {  	s3 =	rddreg [dreg:$0x2];
	[bflag:$0x3] =	sbarrier.arrive $0xFFFF;
	s2 =	simm.s32 @!p0 $0x1C03  }
0x14e: {  	[timem:s3], [sflag:s2] =	dma.local @!p0 [hbm:s0], s1  }
0x14f: {  	s0 =	simm.s32 @!p0 $0x3  }
0x150: {  	_ =	swait.ge @!p0 [sflag:s0], s1  }
0x151: {  	s1 =	ssub.s32 @!p0 $0x0, s1;
	[sflag:s0] =	ssyncset.done @!p0 $0x0  }
0x152: {  	[sflag:s0] =	ssyncadd.s32 @!p0 s1  }
0x153: {  	[bflag:$0x3] =	sbarrier.arrive $0xFFFF  }
0x154: {  	_ =	shalt  }

// kernel: kernel.15.cloned.1.call-start
scs
__scs_entry_jumppad:
0x0: {  	(pc) =	sbr.rel $0x88, $3  }
0x1: {  	(tag) =	ssettag $0x0;
	lr =	simm.s32 $0x1  }
0x2: {  	[smem:$0x3F8C] =	sst lr;
	_ =	strace $0xD0000000  }
0x3: {  	_ = 	snop  }
0x4: {  	_ = 	snop  }
0x5: {  	_ = 	snop  }
0x6: {  	_ = 	snop  }
0x7: {  	_ = 	snop  }
__scs_overlays_trampoline_lowered:
0x8: {  	[smem:$0x3F9B] =	sst s0  }
0x9: {  	[smem:$0x3F9C] =	sst s1  }
0xa: {  	[smem:$0x3F9D] =	sst s2  }
0xb: {  	[smem:$0x3F9E] =	sst s3  }
0xc: {  	[smem:$0x3F9F] =	sst s4  }
0xd: {  	[smem:$0x3FA0] =	sst s5  }
0xe: {  	[smem:$0x3FA1] =	sst s6  }
0xf: {  	[smem:$0x3FA2] =	sst s7  }
0x10: {  	[smem:$0x3FA3] =	sst s8  }
0x11: {  	[smem:$0x3FA4] =	sst s9;
	s0 =	simm.s32 @!p0 $0x0  }
0x12: {  	s1 =	sld [smem:$0x3F8A];
	s0 =	simm.s32 @p0 $0x1  }
0x13: {  	[smem:$0x3FA5] =	sst s0;
	s0 =	simm.s32 @!p1 $0x0  }
0x14: {  	s2 =	sld [smem:$0x3F89];
	s0 =	simm.s32 @p1 $0x1  }
0x15: {  	[smem:$0x3FA6] =	sst s0;
	s0 =	simm.s32 @!p2 $0x0  }
0x16: {  	s3 =	sld [smem:$0x3FDB];
	s0 =	simm.s32 @p2 $0x1  }
0x17: {  	s4 =	simm.s32 $0x1BF5;
	[smem:$0x3FA8] =	sst s0  }
0x18: {  	s0 =	sld [smem:$0x3F8B];
	_ =	swait.ge [sflag:s4], $0x0  }
0x19: {  	s7 =	sld [smem:$0x3F8C]  }
0x1a: {  	s8 =	sadd.s32 $0xFFFFE003, lr  }
0x1b: {  	s9 =	sadd.s32 $0xFFFFFEF7, lr;
	s5 =	simm.s32 $0xFFFFFFFF;
	p2 =	slt.u32 s8, $0xFFFFF086  }
0x1c: {  	p1 =	slt.u32 s9, $0xF7A;
	s5 =	simm.s32 @!p2 $0x0  }
0x1d: {  	s5 =	simm.s32 @p1 $0x1;
	p0 =	seq.s32 s7, s2  }
0x1e: {  	s7 =	smul.u32 @!p0 $0xF7A, s2;
	p2 =	seq.s32 @!p0 s5, $0x0  }
0x1f: {  	s9 =	smul.u32 $0xF7A, s1;
	s8 =	simm.s32 @!p0 $0x1BF5;
	p2 =	por !p2, p0  }
0x20: {  	[sflag:s8] =	ssyncset.s32 @!p0 $0xFFFFF086;
	s6 =	sadd.s32 @!p0 s3, s7;
	s7 =	simm.s32 @!p0 $0x108  }
0x21: {  	s3 =	sadd.s32 s3, s9;
	s6 =	sadd.s32 @!p0 $0x88, s6;
	s7 =	simm.s32 @p2 $0x1082  }
0x22: {  	[simem:s7], [sflag:s8] =	dma.local @!p0 [hbm:s6], $0xF7A  }
0x23: {  	s9 =	sor.u32 $0xD0000000, s2;
	s6 =	simm.s32 $0x108;
	_ =	swait.ge @!p0 [sflag:s8], $0x0  }
0x24: {  	s3 =	sadd.s32 $0x88, s3;
	s6 =	simm.s32 @!p1 $0x1082;
	[sflag:s4] =	ssyncset.s32 $0xFFFFF086  }
0x25: {  	[simem:s6], [sflag:s4] =	dma.local [hbm:s3], $0xF7A  }
0x26: {  	[smem:$0x3F8C] =	sst s1;
	(tag) =	ssettag s2;
	_ =	strace s9  }
0x27: {  	s1 =	sld [smem:$0x3F9C]  }
0x28: {  	s2 =	sld [smem:$0x3F9D]  }
0x29: {  	s4 =	sld [smem:$0x3F9F]  }
0x2a: {  	p0 =	seq.s32 s5, $0x0;
	s5 =	sld [smem:$0x3FA0]  }
0x2b: {  	s6 =	sld [smem:$0x3FA1]  }
0x2c: {  	s7 =	sld [smem:$0x3FA2]  }
0x2d: {  	s3 =	simm.s32 $0x108;
	s8 =	sld [smem:$0x3FA3]  }
0x2e: {  	s3 =	simm.s32 @!p0 $0x1082;
	s9 =	sld [smem:$0x3FA4]  }
0x2f: {  	lr =	sadd.s32 s0, s3;
	s0 =	sld [smem:$0x3F9B]  }
0x30: {  	s3 =	sld [smem:$0x3F9E]  }
0x31: {  	[smem:$0x3FA7] =	sst s10  }
0x32: {  	s10 =	sld [smem:$0x3FA5];
	_ =	sdelay $0x3  }
0x33: {  	p0 =	seq.s32 s10, $0x1;
	s10 =	sld [smem:$0x3FA7];
	_ =	sdelay $0x3  }
0x34: {  	[smem:$0x3FA7] =	sst s10  }
0x35: {  	s10 =	sld [smem:$0x3FA6];
	_ =	sdelay $0x3  }
0x36: {  	p1 =	seq.s32 s10, $0x1;
	s10 =	sld [smem:$0x3FA7];
	_ =	sdelay $0x3  }
0x37: {  	[smem:$0x3FA7] =	sst s10  }
0x38: {  	s10 =	sld [smem:$0x3FA8]  }
0x39: {  	_ = 	snop;
	(pc) =	sbr.ind lr, $3  }
0x3a: {  	_ = 	snop  }
0x3b: {  	_ = 	snop  }
0x3c: {  	p2 =	seq.s32 s10, $0x1;
	s10 =	sld [smem:$0x3FA7]  }
0x3d: {  	_ =	shalt  }
0x3e: {  	_ =	shalt  }
0x3f: {  	_ =	shalt  }
0x40: {  	_ =	shalt  }
0x41: {  	_ =	shalt  }
0x42: {  	_ =	shalt  }
0x43: {  	_ =	shalt  }
0x44: {  	_ =	shalt  }
0x45: {  	_ =	shalt  }
0x46: {  	_ =	shalt  }
0x47: {  	_ =	shalt  }
0x48: {  	_ =	shalt  }
0x49: {  	_ =	shalt  }
0x4a: {  	_ =	shalt  }
0x4b: {  	_ =	shalt  }
0x4c: {  	_ =	shalt  }
0x4d: {  	_ =	shalt  }
0x4e: {  	_ =	shalt  }
0x4f: {  	_ =	shalt  }
0x50: {  	_ =	shalt  }
0x51: {  	_ =	shalt  }
0x52: {  	_ =	shalt  }
0x53: {  	_ =	shalt  }
0x54: {  	_ =	shalt  }
0x55: {  	_ =	shalt  }
0x56: {  	_ =	shalt  }
0x57: {  	_ =	shalt  }
0x58: {  	_ =	shalt  }
0x59: {  	_ =	shalt  }
0x5a: {  	_ =	shalt  }
0x5b: {  	_ =	shalt  }
0x5c: {  	_ =	shalt  }
0x5d: {  	_ =	shalt  }
0x5e: {  	_ =	shalt  }
0x5f: {  	_ =	shalt  }
0x60: {  	_ =	shalt  }
0x61: {  	_ =	shalt  }
0x62: {  	_ =	shalt  }
0x63: {  	_ =	shalt  }
0x64: {  	_ =	shalt  }
0x65: {  	_ =	shalt  }
0x66: {  	_ =	shalt  }
0x67: {  	_ =	shalt  }
0x68: {  	_ =	shalt  }
0x69: {  	_ =	shalt  }
0x6a: {  	_ =	shalt  }
0x6b: {  	_ =	shalt  }
0x6c: {  	_ =	shalt  }
0x6d: {  	_ =	shalt  }
0x6e: {  	_ =	shalt  }
0x6f: {  	_ =	shalt  }
0x70: {  	_ =	shalt  }
0x71: {  	_ =	shalt  }
0x72: {  	_ =	shalt  }
0x73: {  	_ =	shalt  }
0x74: {  	_ =	shalt  }
0x75: {  	_ =	shalt  }
0x76: {  	_ =	shalt  }
0x77: {  	_ =	shalt  }
0x78: {  	_ =	shalt  }
0x79: {  	_ =	shalt  }
0x7a: {  	_ =	shalt  }
0x7b: {  	_ =	shalt  }
0x7c: {  	_ =	shalt  }
0x7d: {  	_ =	shalt  }
0x7e: {  	_ =	shalt  }
0x7f: {  	_ =	shalt  }
0x80: {  	_ =	shalt  }
0x81: {  	_ =	shalt  }
0x82: {  	_ =	shalt  }
0x83: {  	_ =	shalt  }
0x84: {  	_ =	shalt  }
0x85: {  	_ =	shalt  }
0x86: {  	_ =	shalt  }
0x87: {  	_ =	shalt  }
.Lfunc_end0:
.L_simem_size_0:
called_computation.2_lowered:
.L_overlay_start_0:
0x88: {  	s2 =	sld [smem:$0x3FD9]  }
0x89: {  	s3 =	sld [smem:$0x3FFE];
	_ =	sdelay $0x1  }
0x8a: {  	s1 =	srdreg.scid  }
0x8b: {  	s0 =	sand.u32 $0x1, s1  }
0x8c: {  	s17 =	sshll.u32 s0, $0xA;
	s2 =	sadd.s32 s3, s2  }
0x8d: {  	s2 =	sadd.s32 s2, s17  }
0x8e: {  	[smem:$0x3FB3] =	sst s2  }
0x8f: {  	_ = 	snop  }
0x90: {  	s2 =	sld [smem:$0x3FC7];
	(tm) =	ssettm $0x1  }
0x91: {  	s18 =	sld [smem:$0x3FFB];
	_ =	sdelay $0x3  }
0x92: {  	_ =	strace s18  }
0x93: {  	s3 =	sld [smem:$0x3FFC];
	_ =	sdelay $0x3  }
0x94: {  	_ =	strace s3  }
0x95: {  	s3 =	sld [smem:$0x3FFD];
	_ =	sdelay $0x3  }
0x96: {  	_ =	strace s3  }
0x97: {  	_ =	strace $0x8FFFFFFF  }
0x98: {  	s19 =	sld [smem:$0x3FDB];
	_ =	sdelay $0x1  }
0x99: {  	s4 =	simm.s32 $_scs_section_size  }
0x9a: {  	s5 =	simm.s32 $_size__tile_overlayer_lowered;
	s6 =	simm.s32 $_tile_overlayer_lowered  }
0x9b: {  	s22 =	simm.s32 $0x1BFF;
	s21 =	sshll.u32 s6, $0x1;
	s3 =	sadd.s32 s4, s19  }
0x9c: {  	s7 =	simm.s32 $0x0;
	s20 =	sshll.u32 s5, $0x1;
	s5 =	sadd.s32 s21, s3  }
0x9d: {  	[timem:s7], [sflag:s22] =	dma.local [hbm:s5], s20  }
0x9e: {  	_ =	swait.ge [sflag:s22], s20  }
0x9f: {  	s4 =	ssub.s32 $0x0, s20;
	[sflag:s22] =	ssyncset.done $0x0  }
0xa0: {  	[sflag:s22] =	ssyncadd.s32 s4;
	_ =	sdelay $0x1  }
0xa1: {  	s23 =	simm.s32 $0x1B8B  }
0xa2: {  	_ =	swait.ge [sflag:s23], $0x1  }
0xa3: {  	[sflag:s23] =	ssyncset.done $0x0  }
0xa4: {  	s25 =	simm.s32 $0x1B8E;
	s24 =	sld [smem:$0x3FFE];
	[sflag:s23] =	ssyncadd.s32 $0xFFFFFFFF  }
0xa5: {  	s26 =	simm.s32 $execute0_lowered;
	[smem:$0x3FD2] =	sst s25  }
0xa6: {  	s5 =	sshll.u32 s26, $0x1;
	_ =	strace $0x8000004C;
	[dreg:$0x1] =	wrdreg $0xFFFFFFFF  }
0xa7: {  	s28 =	simm.s32 $_size_execute0_lowered;
	s3 =	sadd.s32 s3, s5;
	[dreg:$0x0] =	wrdreg $0x0  }
0xa8: {  	s5 =	sshll.u32 s28, $0x1;
	[dreg:$0x2] =	wrdreg s3  }
0xa9: {  	[dreg:$0x3] =	wrdreg s5  }
0xaa: {  	[dreg:$0x4] =	wrdreg $0xC0  }
0xab: {  	_ =	task [dreg:s7], $0x5FFFF  }
0xac: {  	[dreg:$0x1] =	wrdreg $0xFFFFFFFF  }
0xad: {  	[dreg:$0x0] =	wrdreg $0x60  }
0xae: {  	[dreg:$0x2] =	wrdreg s24  }
0xaf: {  	[dreg:$0x3] =	wrdreg s2  }
0xb0: {  	[dreg:$0x4] =	wrdreg $0x9  }
0xb1: {  	_ =	task.clear_ibuf [dreg:s7], $0x5FFFF;
	_ =	strace $0x9000004C  }
0xb2: {  	s29 =	simm.s32 $0x9;
	_ =	strace $0x8000004E  }
0xb3: {  	_ =	swait.ge [sflag:s29], $0x1  }
0xb4: {  	[sflag:s29] =	ssyncadd.s32 $0xFFFFFFFF  }
0xb5: {  	_ =	strace $0x9000004E  }
0xb6: {  	_ =	sfence  }
0xb7: {  	s30 =	sld [smem:$0x0];
	_ =	sdelay $0x2  }
0xb8: {  	s31 =	sshll.u32 s1, $0xD;
	s1 =	sshrl.u32 s1, $0x2  }
0xb9: {  	s3 =	sand.u32 $0x4000, s31;
	s1 =	sadd.s32 s1, s30  }
0xba: {  	s0 =	sor.u32 s3, s0;
	s1 =	sshll.u32 s1, $0x11  }
0xbb: {  	s0 =	sor.u32 s1, s0  }
0xbc: {  	s0 =	sadd.s32 $0x8F2B, s0  }
0xbd: {  	[sflag:s0] =	ssyncadd.remote.s32 $0x1  }
0xbe: {  	_ =	sfence.sel $0xFFFF  }
0xbf: {  	[dreg:$0x0] =	wrdreg $0xFFFFFFFF;
	(pc) =	sbr.abs _section_cstart, $3  }
0xc0: {  	[dreg:$0x1] =	wrdreg $0xFFFFFFFF  }
0xc1: {  	_ =	task.clear_ibuf [dreg:s7], $0x2FFFF;
	_ =	strace $0x9FFFFFFF  }
0xc2: {  	(tm) =	ssettm $0x7FFFFFFF  }
0xc3: {  	_ =	shalt  }
tec
execute0_lowered:
.L_overlay_start_1:
0x0: {  	(tag) =	ssettag $0x1  }
0x1: {  	s0 =	rddreg [dreg:$0x0];
	s1 =	srdreg.scid  }
0x2: {  	s2 =	rddreg [dreg:$0x1];
	s6 =	stileid.u32;
	s3 =	simm.s32 $0x0  }
0x3: {  	s20 =	simm.s32 $0x14FF0;
	s21 =	simm.s32 $0x157C0;
	s22 =	simm.s32 $0x15F90  }
0x4: {  	s23 =	simm.s32 $0x3;
	s28 =	simm.s32 $0xC350;
	s29 =	simm.s32 $0x4E20  }
0x5: {  	s30 =	simm.s32 $0xEA60;
	s31 =	simm.s32 $0x7530;
	s17 =	simm.s32 $0x0  }
0x6: {  	s1 =	sand.u32 $0x1, s1;
	s5 =	smul.u32 $0x1388, s6;
	[smem:$0x7FF] =	sst s3  }
0x7: {  	s4 =	sshll.u32 s1, $0x4;
	_ =	strace $0x8000004D;
	s8 =	smul.u32 $0x27100, s1  }
0x8: {  	s1 =	ssub.s32 $0x2, s1;
	s4 =	sor.u32 s6, s4;
	s7 =	sadd.s32 s5, s0  }
0x9: {  	s5 =	sadd.s32 $0x2800, s0;
	s24 =	sshrl.u32 s1, $0x1;
	s6 =	smul.u32 $0x1388, s4  }
0xa: {  	s4 =	sadd.s32 $0xC600, s0;
	s9 =	sshrl.u32 s8, $0x3;
	s1 =	ssub.s32 s1, s24  }
0xb: {  	s12 =	sadd.s32 $0x16400, s7;
	s13 =	sadd.s32 $0xFA0, s8;
	s14 =	sadd.s32 $0x1770, s8  }
0xc: {  	s24 =	simm.s32 $0x1;
	s25 =	sadd.s32 s4, s9;
	s26 =	sadd.s32 $0xFA, s9  }
0xd: {  	s10 =	sadd.s32 s5, s9;
	s9 =	sadd.s32 s2, s9;
	[dreg:$0x3] =	wrdreg s25  }
0xe: {  	s16 =	smax.u32 s1, $0x1;
	s1 =	simm.s32 $0x2;
	[dreg:$0x4] =	wrdreg s10  }
0xf: {  	s0 =	sadd.s32 s6, s0;
	[dreg:$0x5] =	wrdreg s9;
	s9 =	sadd.s32 s4, s26  }
0x10: {  	s10 =	sadd.s32 s5, s26;
	s11 =	sadd.s32 s2, s26;
	s25 =	simm.s32 $0x9C40  }
0x11: {  	v0 =	vimm.f32 $0.0e+00;
	s26 =	simm.s32 $0x2710;
	s15 =	sadd.s32 $0x29E00, s0;
	s0 =	simm.s32 $0x11170  }
.LBB2_1:
0x12: {  	s6 =	rddreg [dreg:$0x3];
	s7 =	simm.s32 $0x13880  }
0x13: {  	[tilespmem:s7], [sflag:$0x1] =	stream.linear.gather [hbm4b:s6+s3], $0x7D0, $0x38;
	[tilespmem:$0x16760] =	vst v63  }
0x14: {  	s8 =	simm.s32 $0x14050;
	s7 =	rddreg [dreg:$0x4]  }
0x15: {  	[tilespmem:s8], [sflag:$0x1] =	stream.linear.gather [hbm4b:s7+s3], $0x7D0, $0x38;
	[tilespmem:$0x16760] =	vst v63  }
0x16: {  	s18 =	rddreg [dreg:$0x5];
	s19 =	simm.s32 $0x14820  }
0x17: {  	[tilespmem:s19], [sflag:$0x1] =	stream.linear.gather [hbm4b:s18+s3], $0x7D0, $0x38;
	[tilespmem:$0x16760] =	vst v63  }
0x18: {  	_ = 	snop  }
0x19: {  	[tilespmem:s20], [sflag:$0x2] =	stream.linear.gather [hbm4b:s9+s3], $0x7D0, $0x38;
	[tilespmem:$0x16760] =	vst v63  }
0x1a: {  	_ = 	snop  }
0x1b: {  	[tilespmem:s21], [sflag:$0x2] =	stream.linear.gather [hbm4b:s10+s3], $0x7D0, $0x38;
	[tilespmem:$0x16760] =	vst v63  }
0x1c: {  	_ = 	snop  }
0x1d: {  	[tilespmem:s22], [sflag:$0x2] =	stream.linear.gather [hbm4b:s11+s3], $0x7D0, $0x38;
	[tilespmem:$0x16760] =	vst v63  }
0x1e: {  	_ = 	snop  }
0x1f: {  	[tilespmem:s3], [sflag:$0x3] =	stream.linear.gather [hbm4b:s12+s3], $0x9C40, $0x38;
	[tilespmem:$0x16760] =	vst v63  }
0x20: {  	_ =	swait.ge [sflag:s23], $0x9C40  }
0x21: {  	[sflag:s23] =	ssyncset.done $0x0  }
0x22: {  	s6 =	simm.s32 $0x9C80;
	[sflag:s23] =	ssyncadd.s32 $0xFFFF63C0  }
0x23: {  	[tilespmem:s6+$0xFFFFFFC0] =	vst v0  }
0x24: {  	[tilespmem:s6+$0x30] =	vst v0  }
0x25: {  	[tilespmem:s6+$0x20] =	vst v0  }
0x26: {  	[tilespmem:s6+$0x10] =	vst v0  }
0x27: {  	[tilespmem:s6+$0x0] =	vst v0  }
0x28: {  	[tilespmem:s6+$0xFFFFFFF0] =	vst v0  }
0x29: {  	s7 =	simm.s32 $0x0;
	[tilespmem:s6+$0xFFFFFFE0] =	vst v0  }
.LBB2_2:
0x2a: {  	s7 =	sadd.s32 $0x8, s7;
	[tilespmem:s6+$0xFFFFFFD0] =	vst v0;
	s6 =	sadd.s32 $0x80, s6  }
0x2b: {  	[tilespmem:s6+$0xFFFFFFC0] =	vst v0;
	p0 =	slt.u32 s7, $0x9B8  }
0x2c: {  	[tilespmem:s6+$0x30] =	vst v0  }
.Ltmp0:
0x2d: {  	[tilespmem:s6+$0x20] =	vst v0;
	(pc) =	sbr.rel @p0 .LBB2_2-.Ltmp0, $4  }
0x2e: {  	[tilespmem:s6+$0x10] =	vst v0  }
0x2f: {  	[tilespmem:s6+$0x0] =	vst v0  }
0x30: {  	[tilespmem:s6+$0xFFFFFFF0] =	vst v0  }
0x31: {  	[tilespmem:s6+$0xFFFFFFE0] =	vst v0  }
0x32: {  	[tilespmem:s6+$0xFFFFFFD0] =	vst v0;
	s18 =	simm.s32 $0x0;
	s6 =	simm.s32 $0x0  }
.LBB2_4:
0x33: {  	p0 =	sne.s32 s6, $0xC0  }
.Ltmp1:
0x34: {  	_ = 	snop;
	(pc) =	sbr.rel @p0 .LBB2_4-.Ltmp1, $3  }
0x35: {  	_ =	sdelay $0x1  }
0x36: {  	s7 =	sshra.s32 s6, $0x2  }
0x37: {  	s6 =	sadd.s32 $0x40, s6;
	[tilespmem:s7+$0x13840] =	vst v0  }
.Ltmp2:
0x38: {  	_ = 	snop;
	(pc) =	sbr.rel .LBB2_5-.Ltmp2, $1  }
0x39: {  	_ =	sdelay $0x3  }
.LBB2_10:
0x3a: {  	s6 =	smul.u32 $0xFA0, s18;
	_ =	sdelay $0x1  }
0x3b: {  	s6 =	sadd.s32 s6, s14  }
0x3c: {  	s6 =	sshrl.u32 s6, $0x3  }
0x3d: {  	s7 =	sadd.s32 s4, s6  }
0x3e: {  	[tilespmem:s20], [sflag:$0x2] =	stream.linear.gather [hbm4b:s7+s3], $0x7D0, $0x38;
	[tilespmem:$0x16760] =	vst v63  }
0x3f: {  	s19 =	sadd.s32 s5, s6  }
0x40: {  	[tilespmem:s21], [sflag:$0x2] =	stream.linear.gather [hbm4b:s19+s3], $0x7D0, $0x38;
	[tilespmem:$0x16760] =	vst v63  }
0x41: {  	s18 =	sadd.s32 $0x1, s18;
	s6 =	sadd.s32 s2, s6  }
0x42: {  	[tilespmem:s22], [sflag:$0x2] =	stream.linear.gather [hbm4b:s6+s3], $0x7D0, $0x38;
	[tilespmem:$0x16760] =	vst v63  }
.LBB2_5:
0x43: {  	_ =	swait.ge [sflag:s24], $0x7D0  }
0x44: {  	[sflag:s24] =	ssyncset.done $0x0  }
0x45: {  	[sflag:s24] =	ssyncadd.s32 $0xFFFFF830  }
0x46: {  	_ =	swait.ge [sflag:s24], $0x7D0  }
0x47: {  	[sflag:s24] =	ssyncset.done $0x0  }
0x48: {  	[sflag:s24] =	ssyncadd.s32 $0xFFFFF830  }
0x49: {  	_ =	swait.ge [sflag:s24], $0x7D0  }
0x4a: {  	[sflag:s24] =	ssyncset.done $0x0  }
0x4b: {  	s6 =	simm.s32 $0x13890;
	[sflag:s24] =	ssyncadd.s32 $0xFFFFF830  }
0x4c: {  	v4 =	vld [tilespmem:s6+$0x0];
	_ =	sdelay $0x4  }
0x4d: {  	s7 =	simm.s32 $0x14060  }
0x4e: {  	s19 =	simm.s32 $0x14830;
	v6 =	vld [tilespmem:s7+$0x0]  }
0x4f: {  	v7 =	vld [tilespmem:s19+$0x0]  }
0x50: {  	v1 =	vld.idx.msk [tilespmem:v4+s3+$0x0], $0xffff;
	_ =	sdelay $0x1  }
0x51: {  	v9 =	vld [tilespmem:s6+$0xFFFFFFF0]  }
0x52: {  	s8 =	simm.s32 $0x138B0  }
0x53: {  	v10 =	vld [tilespmem:s8+$0x0]  }
0x54: {  	v1 =	vmul.f32 v1, v7  }
0x55: {  	v2 =	vld [tilespmem:s19+$0xFFFFFFF0]  }
0x56: {  	[tilespmem:v6+s25+$0x0] =	vst.idx.add.f32.msk $0xffff, v1  }
0x57: {  	s19 =	simm.s32 $0x14080;
	v3 =	vld.idx.msk [tilespmem:v4+s26+$0x0], $0xffff  }
0x58: {  	v18 =	vld [tilespmem:s19+$0x0]  }
0x59: {  	v5 =	vld.idx.msk [tilespmem:v9+s3+$0x0], $0xffff  }
0x5a: {  	v1 =	vld [tilespmem:s7+$0xFFFFFFF0]  }
0x5b: {  	v11 =	vld.idx.msk [tilespmem:v10+s3+$0x0], $0xffff  }
0x5c: {  	v8 =	vmul.f32 v3, v7;
	v3 =	vld [tilespmem:s8+$0xFFFFFFF0];
	s8 =	simm.s32 $0x14850  }
0x5d: {  	v13 =	vld [tilespmem:s8+$0x0]  }
0x5e: {  	[tilespmem:v6+s28+$0x0] =	vst.idx.add.f32.msk $0xffff, v8  }
0x5f: {  	v8 =	vld.idx.msk [tilespmem:v4+s29+$0x0], $0xffff  }
0x60: {  	v5 =	vmul.f32 v5, v2;
	_ =	sdelay $0x1  }
0x61: {  	[tilespmem:v1+s25+$0x0] =	vst.idx.add.f32.msk $0xffff, v5;
	v11 =	vmul.f32 v11, v13  }
0x62: {  	v12 =	vld.idx.msk [tilespmem:v9+s26+$0x0], $0xffff  }
0x63: {  	v5 =	vmul.f32 v8, v7;
	[tilespmem:v18+s25+$0x0] =	vst.idx.add.f32.msk $0xffff, v11  }
0x64: {  	v11 =	vld.idx.msk [tilespmem:v10+s26+$0x0], $0xffff  }
0x65: {  	[tilespmem:v6+s30+$0x0] =	vst.idx.add.f32.msk $0xffff, v5  }
0x66: {  	v14 =	vld.idx.msk [tilespmem:v4+s31+$0x0], $0xffff  }
0x67: {  	v8 =	vld.idx.msk [tilespmem:v3+s3+$0x0], $0xffff  }
0x68: {  	v12 =	vmul.f32 v12, v2;
	v5 =	vld [tilespmem:s8+$0xFFFFFFF0]  }
0x69: {  	v4 =	vld [tilespmem:s19+$0xFFFFFFF0]  }
0x6a: {  	[tilespmem:v1+s28+$0x0] =	vst.idx.add.f32.msk $0xffff, v12;
	v11 =	vmul.f32 v11, v13  }
0x6b: {  	v12 =	vld.idx.msk [tilespmem:v9+s29+$0x0], $0xffff;
	v7 =	vmul.f32 v14, v7  }
0x6c: {  	[tilespmem:v18+s28+$0x0] =	vst.idx.add.f32.msk $0xffff, v11  }
0x6d: {  	s19 =	simm.s32 $0x138D0;
	[tilespmem:v6+s0+$0x0] =	vst.idx.add.f32.msk $0xffff, v7  }
0x6e: {  	v7 =	vld [tilespmem:s19+$0x0]  }
0x6f: {  	v8 =	vmul.f32 v8, v5;
	v11 =	vld.idx.msk [tilespmem:v10+s29+$0x0], $0xffff  }
0x70: {  	v6 =	vld [tilespmem:s19+$0xFFFFFFF0]  }
0x71: {  	s19 =	simm.s32 $0x140A0;
	[tilespmem:v4+s25+$0x0] =	vst.idx.add.f32.msk $0xffff, v8  }
0x72: {  	v8 =	vmul.f32 v12, v2;
	v12 =	vld [tilespmem:s19+$0x0]  }
0x73: {  	v14 =	vld.idx.msk [tilespmem:v3+s26+$0x0], $0xffff  }
0x74: {  	s6 =	simm.s32 $0x14870;
	[tilespmem:v1+s30+$0x0] =	vst.idx.add.f32.msk $0xffff, v8  }
0x75: {  	v8 =	vld [tilespmem:s6+$0x0];
	v16 =	vmul.f32 v11, v13  }
0x76: {  	v15 =	vld.idx.msk [tilespmem:v7+s3+$0x0], $0xffff  }
0x77: {  	[tilespmem:v18+s30+$0x0] =	vst.idx.add.f32.msk $0xffff, v16  }
0x78: {  	v10 =	vld.idx.msk [tilespmem:v10+s31+$0x0], $0xffff  }
0x79: {  	v11 =	vld [tilespmem:s6+$0xFFFFFFF0]  }
0x7a: {  	v16 =	vmul.f32 v14, v5;
	v14 =	vld [tilespmem:s19+$0xFFFFFFF0]  }
0x7b: {  	v17 =	vld.idx.msk [tilespmem:v6+s3+$0x0], $0xffff;
	v15 =	vmul.f32 v15, v8  }
0x7c: {  	[tilespmem:v4+s28+$0x0] =	vst.idx.add.f32.msk $0xffff, v16  }
0x7d: {  	v10 =	vmul.f32 v10, v13;
	[tilespmem:v12+s25+$0x0] =	vst.idx.add.f32.msk $0xffff, v15  }
0x7e: {  	v16 =	vld.idx.msk [tilespmem:v7+s26+$0x0], $0xffff  }
0x7f: {  	v15 =	vld.idx.msk [tilespmem:v3+s29+$0x0], $0xffff  }
0x80: {  	v13 =	vld.idx.msk [tilespmem:v9+s31+$0x0], $0xffff  }
0x81: {  	s7 =	simm.s32 $0x40;
	s8 =	simm.s32 $0x138F0;
	v9 =	vmov v14;
	v17 =	vmul.f32 v17, v11;
	[tilespmem:v18+s0+$0x0] =	vst.idx.add.f32.msk $0xffff, v10;
	v10 =	vmov v12  }
.LBB2_6:
0x82: {  	v18 =	vld [tilespmem:s8+$0x0];
	s7 =	sadd.s32 $0x20, s7  }
0x83: {  	v16 =	vmul.f32 v16, v8;
	v19 =	vld [tilespmem:s8+$0xFFFFFFF0];
	p0 =	slt.u32 s7, $0x7A0  }
0x84: {  	[tilespmem:v14+s25+$0x0] =	vst.idx.add.f32.msk $0xffff, v17;
	v14 =	vmul.f32 v15, v5  }
0x85: {  	v20 =	vmul.f32 v13, v2;
	v2 =	vmov v5;
	v5 =	vmov v11;
	[tilespmem:v12+s28+$0x0] =	vst.idx.add.f32.msk $0xffff, v16  }
0x86: {  	v11 =	vld.idx.msk [tilespmem:v7+s29+$0x0], $0xffff  }
0x87: {  	v13 =	vld.idx.msk [tilespmem:v6+s26+$0x0], $0xffff  }
0x88: {  	s19 =	sadd.s32 $0x20, s19;
	[tilespmem:v4+s30+$0x0] =	vst.idx.add.f32.msk $0xffff, v14  }
0x89: {  	v12 =	vld [tilespmem:s19+$0x0]  }
0x8a: {  	s6 =	sadd.s32 $0x20, s6;
	v15 =	vld.idx.msk [tilespmem:v18+s3+$0x0], $0xffff  }
0x8b: {  	v21 =	vld [tilespmem:s6+$0x0]  }
0x8c: {  	v14 =	vmul.f32 v11, v8;
	v16 =	vld.idx.msk [tilespmem:v19+s3+$0x0], $0xffff  }
0x8d: {  	v13 =	vmul.f32 v13, v5;
	v11 =	vld [tilespmem:s6+$0xFFFFFFF0]  }
0x8e: {  	[tilespmem:v10+s30+$0x0] =	vst.idx.add.f32.msk $0xffff, v14  }
0x8f: {  	v22 =	vld.idx.msk [tilespmem:v7+s31+$0x0], $0xffff;
	v7 =	vmov v18  }
0x90: {  	v14 =	vld [tilespmem:s19+$0xFFFFFFF0];
	v15 =	vmul.f32 v15, v21  }
0x91: {  	[tilespmem:v9+s28+$0x0] =	vst.idx.add.f32.msk $0xffff, v13  }
0x92: {  	v17 =	vmul.f32 v16, v11;
	[tilespmem:v12+s25+$0x0] =	vst.idx.add.f32.msk $0xffff, v15  }
.Ltmp3:
0x93: {  	v16 =	vld.idx.msk [tilespmem:v18+s26+$0x0], $0xffff;
	(pc) =	sbr.rel @p0 .LBB2_6-.Ltmp3, $4  }
0x94: {  	v15 =	vld.idx.msk [tilespmem:v6+s29+$0x0], $0xffff  }
0x95: {  	v18 =	vmul.f32 v22, v8;
	v8 =	vmovc v21;
	v13 =	vld.idx.msk [tilespmem:v3+s31+$0x0], $0xffff;
	v3 =	vmov v6;
	v6 =	vmov v19  }
0x96: {  	[tilespmem:v1+s0+$0x0] =	vst.idx.add.f32.msk $0xffff, v20;
	v1 =	vmov v4;
	v4 =	vmov v9;
	v9 =	vmov v14  }
0x97: {  	s8 =	sadd.s32 $0x20, s8;
	[tilespmem:v10+s0+$0x0] =	vst.idx.add.f32.msk $0xffff, v18;
	v10 =	vmov v12  }
0x98: {  	_ =	sdelay $0x3  }
0x99: {  	[tilespmem:v14+s25+$0x0] =	vst.idx.add.f32.msk $0xffff, v17  }
0x9a: {  	v14 =	vld.idx.msk [tilespmem:v6+s26+$0x0], $0xffff;
	_ =	sdelay $0x2  }
0x9b: {  	v16 =	vmul.f32 v16, v8;
	_ =	sdelay $0x1  }
0x9c: {  	[tilespmem:v12+s28+$0x0] =	vst.idx.add.f32.msk $0xffff, v16;
	v14 =	vmul.f32 v14, v11  }
0x9d: {  	v12 =	vld.idx.msk [tilespmem:v7+s29+$0x0], $0xffff  }
0x9e: {  	[tilespmem:v9+s28+$0x0] =	vst.idx.add.f32.msk $0xffff, v14  }
0x9f: {  	v14 =	vld.idx.msk [tilespmem:v6+s29+$0x0], $0xffff  }
0xa0: {  	v15 =	vmul.f32 v15, v5;
	_ =	sdelay $0x1  }
0xa1: {  	[tilespmem:v4+s30+$0x0] =	vst.idx.add.f32.msk $0xffff, v15;
	v12 =	vmul.f32 v12, v8  }
0xa2: {  	v3 =	vld.idx.msk [tilespmem:v3+s31+$0x0], $0xffff  }
0xa3: {  	[tilespmem:v10+s30+$0x0] =	vst.idx.add.f32.msk $0xffff, v12;
	v12 =	vmul.f32 v14, v11  }
0xa4: {  	v7 =	vld.idx.msk [tilespmem:v7+s31+$0x0], $0xffff  }
0xa5: {  	[tilespmem:v9+s30+$0x0] =	vst.idx.add.f32.msk $0xffff, v12  }
0xa6: {  	v6 =	vld.idx.msk [tilespmem:v6+s31+$0x0], $0xffff  }
0xa7: {  	v2 =	vmul.f32 v13, v2;
	_ =	sdelay $0x1  }
0xa8: {  	[tilespmem:v1+s0+$0x0] =	vst.idx.add.f32.msk $0xffff, v2;
	v1 =	vmul.f32 v3, v5  }
0xa9: {  	v7 =	vmul.f32 v7, v8  }
0xaa: {  	[tilespmem:v4+s0+$0x0] =	vst.idx.add.f32.msk $0xffff, v1;
	v2 =	vmul.f32 v6, v11  }
0xab: {  	[tilespmem:v10+s0+$0x0] =	vst.idx.add.f32.msk $0xffff, v7  }
0xac: {  	[tilespmem:v9+s0+$0x0] =	vst.idx.add.f32.msk $0xffff, v2  }
0xad: {  	v1 =	vld [tilespmem:$0x14040];
	_ =	sdelay $0x5  }
0xae: {  	v2 =	vld [tilespmem:$0x14810]  }
0xaf: {  	v3 =	vld [tilespmem:$0x14FE0]  }
0xb0: {  	v4 =	vld.idx.msk [tilespmem:v1+s3+$0x0], $0xffff;
	_ =	sdelay $0x4  }
0xb1: {  	v4 =	vmul.f32 v4, v3;
	_ =	sdelay $0x1  }
0xb2: {  	[tilespmem:v2+s25+$0x0] =	vst.idx.add.f32.msk $0xffff, v4  }
0xb3: {  	v4 =	vld.idx.msk [tilespmem:v1+s26+$0x0], $0xffff;
	_ =	sdelay $0x4  }
0xb4: {  	v4 =	vmul.f32 v4, v3;
	_ =	sdelay $0x1  }
0xb5: {  	[tilespmem:v2+s28+$0x0] =	vst.idx.add.f32.msk $0xffff, v4  }
0xb6: {  	v4 =	vld.idx.msk [tilespmem:v1+s29+$0x0], $0xffff;
	_ =	sdelay $0x4  }
0xb7: {  	v4 =	vmul.f32 v4, v3;
	_ =	sdelay $0x1  }
0xb8: {  	[tilespmem:v2+s30+$0x0] =	vst.idx.add.f32.msk $0xffff, v4  }
0xb9: {  	v1 =	vld.idx.msk [tilespmem:v1+s31+$0x0], $0xffff;
	_ =	sdelay $0x1  }
0xba: {  	p0 =	seq.s32 s18, $0x27  }
0xbb: {  	s6 =	smul.u32 @!p0 $0xFA0, s18;
	_ =	sdelay $0x1  }
0xbc: {  	s6 =	sadd.s32 @!p0 s6, s13;
	v1 =	vmul.f32 v1, v3  }
0xbd: {  	s6 =	sshrl.u32 @!p0 s6, $0x3  }
0xbe: {  	s8 =	simm.s32 @!p0 $0x0;
	s19 =	simm.s32 @!p0 $0x13880;
	s7 =	sadd.s32 @!p0 s4, s6;
	[tilespmem:v2+s0+$0x0] =	vst.idx.add.f32.msk $0xffff, v1  }
0xbf: {  	[tilespmem:s19], [sflag:$0x1] =	stream.linear.gather @!p0 [hbm4b:s7+s8], $0x7D0, $0x38;
	[tilespmem:$0x16760] =	vst v63  }
0xc0: {  	s7 =	sadd.s32 @!p0 s5, s6;
	s19 =	simm.s32 @!p0 $0x14050  }
0xc1: {  	[tilespmem:s19], [sflag:$0x1] =	stream.linear.gather @!p0 [hbm4b:s7+s8], $0x7D0, $0x38;
	[tilespmem:$0x16760] =	vst v63  }
0xc2: {  	s6 =	sadd.s32 @!p0 s2, s6;
	s7 =	simm.s32 @!p0 $0x14820  }
0xc3: {  	[tilespmem:s7], [sflag:$0x1] =	stream.linear.gather @!p0 [hbm4b:s6+s8], $0x7D0, $0x38;
	[tilespmem:$0x16760] =	vst v63  }
0xc4: {  	_ =	swait.ge [sflag:s1], $0x7D0  }
0xc5: {  	[sflag:s1] =	ssyncset.done $0x0  }
0xc6: {  	[sflag:s1] =	ssyncadd.s32 $0xFFFFF830  }
0xc7: {  	_ =	swait.ge [sflag:s1], $0x7D0  }
0xc8: {  	[sflag:s1] =	ssyncset.done $0x0  }
0xc9: {  	[sflag:s1] =	ssyncadd.s32 $0xFFFFF830  }
0xca: {  	_ =	swait.ge [sflag:s1], $0x7D0  }
0xcb: {  	[sflag:s1] =	ssyncset.done $0x0  }
0xcc: {  	s7 =	simm.s32 $0x15000;
	[sflag:s1] =	ssyncadd.s32 $0xFFFFF830  }
0xcd: {  	v4 =	vld [tilespmem:s7+$0x0];
	_ =	sdelay $0x4  }
0xce: {  	s8 =	simm.s32 $0x157D0  }
0xcf: {  	s19 =	simm.s32 $0x15FA0;
	v6 =	vld [tilespmem:s8+$0x0]  }
0xd0: {  	v7 =	vld [tilespmem:s19+$0x0]  }
0xd1: {  	v1 =	vld.idx.msk [tilespmem:v4+s3+$0x0], $0xffff;
	_ =	sdelay $0x4  }
0xd2: {  	v9 =	vld [tilespmem:s7+$0xFFFFFFF0];
	v1 =	vmul.f32 v1, v7;
	_ =	sdelay $0x1  }
0xd3: {  	[tilespmem:v6+s25+$0x0] =	vst.idx.add.f32.msk $0xffff, v1  }
0xd4: {  	v3 =	vld.idx.msk [tilespmem:v4+s26+$0x0], $0xffff;
	_ =	sdelay $0x1  }
0xd5: {  	v1 =	vld [tilespmem:s8+$0xFFFFFFF0];
	s8 =	simm.s32 $0x15020  }
0xd6: {  	v10 =	vld [tilespmem:s8+$0x0]  }
0xd7: {  	v2 =	vld [tilespmem:s19+$0xFFFFFFF0]  }
0xd8: {  	v5 =	vld.idx.msk [tilespmem:v9+s3+$0x0], $0xffff;
	v8 =	vmul.f32 v3, v7  }
0xd9: {  	v3 =	vld [tilespmem:s8+$0xFFFFFFF0]  }
0xda: {  	[tilespmem:v6+s28+$0x0] =	vst.idx.add.f32.msk $0xffff, v8  }
0xdb: {  	s19 =	simm.s32 $0x157F0;
	v8 =	vld.idx.msk [tilespmem:v4+s29+$0x0], $0xffff  }
0xdc: {  	v18 =	vld [tilespmem:s19+$0x0];
	s8 =	simm.s32 $0x15FC0  }
0xdd: {  	v5 =	vmul.f32 v5, v2;
	v13 =	vld [tilespmem:s8+$0x0]  }
0xde: {  	v11 =	vld.idx.msk [tilespmem:v10+s3+$0x0], $0xffff  }
0xdf: {  	[tilespmem:v1+s25+$0x0] =	vst.idx.add.f32.msk $0xffff, v5  }
0xe0: {  	v12 =	vld.idx.msk [tilespmem:v9+s26+$0x0], $0xffff;
	v5 =	vmul.f32 v8, v7  }
0xe1: {  	v8 =	vld.idx.msk [tilespmem:v3+s3+$0x0], $0xffff  }
0xe2: {  	[tilespmem:v6+s30+$0x0] =	vst.idx.add.f32.msk $0xffff, v5  }
0xe3: {  	v11 =	vmul.f32 v11, v13;
	v14 =	vld.idx.msk [tilespmem:v4+s31+$0x0], $0xffff  }
0xe4: {  	v5 =	vld [tilespmem:s8+$0xFFFFFFF0]  }
0xe5: {  	[tilespmem:v18+s25+$0x0] =	vst.idx.add.f32.msk $0xffff, v11  }
0xe6: {  	v12 =	vmul.f32 v12, v2;
	v11 =	vld.idx.msk [tilespmem:v10+s26+$0x0], $0xffff  }
0xe7: {  	v4 =	vld [tilespmem:s19+$0xFFFFFFF0]  }
0xe8: {  	[tilespmem:v1+s28+$0x0] =	vst.idx.add.f32.msk $0xffff, v12;
	v7 =	vmul.f32 v14, v7  }
0xe9: {  	v12 =	vld.idx.msk [tilespmem:v9+s29+$0x0], $0xffff  }
0xea: {  	s19 =	simm.s32 $0x15040;
	[tilespmem:v6+s0+$0x0] =	vst.idx.add.f32.msk $0xffff, v7  }
0xeb: {  	v11 =	vmul.f32 v11, v13;
	v7 =	vld [tilespmem:s19+$0x0]  }
0xec: {  	v6 =	vld [tilespmem:s19+$0xFFFFFFF0]  }
0xed: {  	v8 =	vmul.f32 v8, v5;
	[tilespmem:v18+s28+$0x0] =	vst.idx.add.f32.msk $0xffff, v11  }
0xee: {  	v11 =	vld.idx.msk [tilespmem:v10+s29+$0x0], $0xffff  }
0xef: {  	s19 =	simm.s32 $0x15810;
	[tilespmem:v4+s25+$0x0] =	vst.idx.add.f32.msk $0xffff, v8  }
0xf0: {  	v8 =	vmul.f32 v12, v2;
	v12 =	vld [tilespmem:s19+$0x0]  }
0xf1: {  	v14 =	vld.idx.msk [tilespmem:v3+s26+$0x0], $0xffff  }
0xf2: {  	s6 =	simm.s32 $0x15FE0;
	[tilespmem:v1+s30+$0x0] =	vst.idx.add.f32.msk $0xffff, v8  }
0xf3: {  	v8 =	vld [tilespmem:s6+$0x0];
	v16 =	vmul.f32 v11, v13  }
0xf4: {  	v15 =	vld.idx.msk [tilespmem:v7+s3+$0x0], $0xffff  }
0xf5: {  	[tilespmem:v18+s30+$0x0] =	vst.idx.add.f32.msk $0xffff, v16  }
0xf6: {  	v10 =	vld.idx.msk [tilespmem:v10+s31+$0x0], $0xffff  }
0xf7: {  	v11 =	vld [tilespmem:s6+$0xFFFFFFF0]  }
0xf8: {  	v17 =	vld.idx.msk [tilespmem:v6+s3+$0x0], $0xffff;
	v16 =	vmul.f32 v14, v5  }
0xf9: {  	v14 =	vld [tilespmem:s19+$0xFFFFFFF0];
	v15 =	vmul.f32 v15, v8  }
0xfa: {  	[tilespmem:v4+s28+$0x0] =	vst.idx.add.f32.msk $0xffff, v16  }
0xfb: {  	v10 =	vmul.f32 v10, v13;
	[tilespmem:v12+s25+$0x0] =	vst.idx.add.f32.msk $0xffff, v15  }
0xfc: {  	v16 =	vld.idx.msk [tilespmem:v7+s26+$0x0], $0xffff  }
0xfd: {  	v15 =	vld.idx.msk [tilespmem:v3+s29+$0x0], $0xffff  }
0xfe: {  	v13 =	vld.idx.msk [tilespmem:v9+s31+$0x0], $0xffff  }
0xff: {  	s7 =	simm.s32 $0x40;
	s8 =	simm.s32 $0x15060;
	v17 =	vmul.f32 v17, v11;
	v9 =	vmov v14;
	[tilespmem:v18+s0+$0x0] =	vst.idx.add.f32.msk $0xffff, v10;
	v10 =	vmov v12  }
.LBB2_8:
0x100: {  	v18 =	vld [tilespmem:s8+$0x0];
	s7 =	sadd.s32 $0x20, s7  }
0x101: {  	v16 =	vmul.f32 v16, v8;
	v19 =	vld [tilespmem:s8+$0xFFFFFFF0];
	p1 =	slt.u32 s7, $0x7A0  }
0x102: {  	[tilespmem:v14+s25+$0x0] =	vst.idx.add.f32.msk $0xffff, v17;
	v14 =	vmul.f32 v15, v5  }
0x103: {  	v20 =	vmul.f32 v13, v2;
	v2 =	vmov v5;
	v5 =	vmov v11;
	[tilespmem:v12+s28+$0x0] =	vst.idx.add.f32.msk $0xffff, v16  }
0x104: {  	v11 =	vld.idx.msk [tilespmem:v7+s29+$0x0], $0xffff  }
0x105: {  	v13 =	vld.idx.msk [tilespmem:v6+s26+$0x0], $0xffff  }
0x106: {  	s19 =	sadd.s32 $0x20, s19;
	[tilespmem:v4+s30+$0x0] =	vst.idx.add.f32.msk $0xffff, v14  }
0x107: {  	v12 =	vld [tilespmem:s19+$0x0]  }
0x108: {  	s6 =	sadd.s32 $0x20, s6;
	v15 =	vld.idx.msk [tilespmem:v18+s3+$0x0], $0xffff  }
0x109: {  	v21 =	vld [tilespmem:s6+$0x0]  }
0x10a: {  	v14 =	vmul.f32 v11, v8;
	v16 =	vld.idx.msk [tilespmem:v19+s3+$0x0], $0xffff  }
0x10b: {  	v13 =	vmul.f32 v13, v5;
	v11 =	vld [tilespmem:s6+$0xFFFFFFF0]  }
0x10c: {  	[tilespmem:v10+s30+$0x0] =	vst.idx.add.f32.msk $0xffff, v14  }
0x10d: {  	v22 =	vld.idx.msk [tilespmem:v7+s31+$0x0], $0xffff;
	v7 =	vmov v18  }
0x10e: {  	v14 =	vld [tilespmem:s19+$0xFFFFFFF0];
	v15 =	vmul.f32 v15, v21  }
0x10f: {  	[tilespmem:v9+s28+$0x0] =	vst.idx.add.f32.msk $0xffff, v13  }
0x110: {  	v17 =	vmul.f32 v16, v11;
	[tilespmem:v12+s25+$0x0] =	vst.idx.add.f32.msk $0xffff, v15  }
.Ltmp4:
0x111: {  	v16 =	vld.idx.msk [tilespmem:v18+s26+$0x0], $0xffff;
	(pc) =	sbr.rel @p1 .LBB2_8-.Ltmp4, $4  }
0x112: {  	v15 =	vld.idx.msk [tilespmem:v6+s29+$0x0], $0xffff  }
0x113: {  	v18 =	vmul.f32 v22, v8;
	v8 =	vmovc v21;
	v13 =	vld.idx.msk [tilespmem:v3+s31+$0x0], $0xffff;
	v3 =	vmov v6;
	v6 =	vmov v19  }
0x114: {  	[tilespmem:v1+s0+$0x0] =	vst.idx.add.f32.msk $0xffff, v20;
	v1 =	vmov v4;
	v4 =	vmov v9;
	v9 =	vmov v14  }
0x115: {  	s8 =	sadd.s32 $0x20, s8;
	[tilespmem:v10+s0+$0x0] =	vst.idx.add.f32.msk $0xffff, v18;
	v10 =	vmov v12  }
0x116: {  	_ =	sdelay $0x3  }
0x117: {  	[tilespmem:v14+s25+$0x0] =	vst.idx.add.f32.msk $0xffff, v17  }
0x118: {  	v14 =	vld.idx.msk [tilespmem:v6+s26+$0x0], $0xffff;
	_ =	sdelay $0x2  }
0x119: {  	v16 =	vmul.f32 v16, v8;
	_ =	sdelay $0x1  }
0x11a: {  	[tilespmem:v12+s28+$0x0] =	vst.idx.add.f32.msk $0xffff, v16;
	v14 =	vmul.f32 v14, v11  }
0x11b: {  	v12 =	vld.idx.msk [tilespmem:v7+s29+$0x0], $0xffff  }
0x11c: {  	[tilespmem:v9+s28+$0x0] =	vst.idx.add.f32.msk $0xffff, v14  }
0x11d: {  	v14 =	vld.idx.msk [tilespmem:v6+s29+$0x0], $0xffff  }
0x11e: {  	v15 =	vmul.f32 v15, v5;
	_ =	sdelay $0x1  }
0x11f: {  	[tilespmem:v4+s30+$0x0] =	vst.idx.add.f32.msk $0xffff, v15;
	v12 =	vmul.f32 v12, v8  }
0x120: {  	v3 =	vld.idx.msk [tilespmem:v3+s31+$0x0], $0xffff  }
0x121: {  	[tilespmem:v10+s30+$0x0] =	vst.idx.add.f32.msk $0xffff, v12;
	v62 =	vmul.f32 v14, v11  }
0x122: {  	v61 =	vld.idx.msk [tilespmem:v7+s31+$0x0], $0xffff  }
0x123: {  	[tilespmem:v9+s30+$0x0] =	vst.idx.add.f32.msk $0xffff, v62  }
0x124: {  	v63 =	vld.idx.msk [tilespmem:v6+s31+$0x0], $0xffff  }
0x125: {  	v2 =	vmul.f32 v13, v2;
	_ =	sdelay $0x1  }
0x126: {  	[tilespmem:v1+s0+$0x0] =	vst.idx.add.f32.msk $0xffff, v2;
	v1 =	vmul.f32 v3, v5  }
0x127: {  	v7 =	vmul.f32 v61, v8  }
0x128: {  	[tilespmem:v4+s0+$0x0] =	vst.idx.add.f32.msk $0xffff, v1;
	v2 =	vmul.f32 v63, v11  }
0x129: {  	[tilespmem:v10+s0+$0x0] =	vst.idx.add.f32.msk $0xffff, v7  }
0x12a: {  	[tilespmem:v9+s0+$0x0] =	vst.idx.add.f32.msk $0xffff, v2  }
0x12b: {  	v1 =	vld [tilespmem:$0x157B0];
	_ =	sdelay $0x5  }
0x12c: {  	v2 =	vld [tilespmem:$0x15F80]  }
0x12d: {  	v3 =	vld [tilespmem:$0x16750]  }
0x12e: {  	v4 =	vld.idx.msk [tilespmem:v1+s3+$0x0], $0xffff;
	_ =	sdelay $0x4  }
0x12f: {  	v4 =	vmul.f32 v4, v3;
	_ =	sdelay $0x1  }
0x130: {  	[tilespmem:v2+s25+$0x0] =	vst.idx.add.f32.msk $0xffff, v4  }
0x131: {  	v4 =	vld.idx.msk [tilespmem:v1+s26+$0x0], $0xffff;
	_ =	sdelay $0x4  }
0x132: {  	v4 =	vmul.f32 v4, v3;
	_ =	sdelay $0x1  }
0x133: {  	[tilespmem:v2+s28+$0x0] =	vst.idx.add.f32.msk $0xffff, v4  }
0x134: {  	v4 =	vld.idx.msk [tilespmem:v1+s29+$0x0], $0xffff;
	_ =	sdelay $0x4  }
0x135: {  	v4 =	vmul.f32 v4, v3;
	_ =	sdelay $0x1  }
0x136: {  	[tilespmem:v2+s30+$0x0] =	vst.idx.add.f32.msk $0xffff, v4  }
0x137: {  	v1 =	vld.idx.msk [tilespmem:v1+s31+$0x0], $0xffff;
	_ =	sdelay $0x2  }
.Ltmp5:
0x138: {  	_ = 	snop;
	(pc) =	sbr.rel @!p0 .LBB2_10-.Ltmp5, $3  }
0x139: {  	_ = 	snop  }
0x13a: {  	v1 =	vmul.f32 v1, v3;
	_ =	sdelay $0x1  }
0x13b: {  	[tilespmem:v2+s0+$0x0] =	vst.idx.add.f32.msk $0xffff, v1  }
0x13c: {  	s17 =	sadd.s32 $0x1, s17  }
0x13d: {  	p0 =	sne.s32 s17, s16  }
.Ltmp6:
0x13e: {  	_ = 	snop;
	(pc) =	sbr.rel @p0 .LBB2_1-.Ltmp6, $4  }
0x13f: {  	[hbm4b:s15+s3] =	stream.linear.scatter [tilespmem:s25], [sflag:$0x3], $0x9C40, $0x38;
	[tilespmem:$0x16760] =	vst v63  }
0x140: {  	_ =	swait.ge [sflag:s23], $0x9C40  }
0x141: {  	[sflag:s23] =	ssyncset.done $0x0  }
0x142: {  	[sflag:s23] =	ssyncadd.s32 $0xFFFF63C0  }
0x143: {  	_ =	sfence.sel $0x180000  }
0x144: {  	[bflag:$0x0] =	sbarrier.arrive $0xFFFF  }
0x145: {  	_ =	strace $0x9000004D  }
0x146: {  	s0 =	stileid.u32;
	[bflag:$0x2] =	sbarrier.arrive $0xFFFF  }
0x147: {  	p0 =	sne.s32 s0, $0x0;
	s0 =	rddreg [dreg:$0x2]  }
0x148: {  	s0 =	sadd.s32 @!p0 $0x100000, s0  }
0x149: {  	[sflag:s0] =	ssyncadd.tile.s32 @!p0 $0x1;
	_ =	shalt  }
.Lfunc_end2:
_tile_overlayer_lowered:
.L_overlay_start_2:
0x14a: {  	(tag) =	ssettag $0x2  }
0x14b: {  	s0 =	rddreg [dreg:$0x0];
	s2 =	stileid.u32  }
0x14c: {  	s1 =	rddreg [dreg:$0x1];
	p0 =	sne.s32 s2, $0x0  }
0x14d: {  	s3 =	rddreg [dreg:$0x2];
	[bflag:$0x3] =	sbarrier.arrive $0xFFFF;
	s2 =	simm.s32 @!p0 $0x1C03  }
0x14e: {  	[timem:s3], [sflag:s2] =	dma.local @!p0 [hbm:s0], s1  }
0x14f: {  	s0 =	simm.s32 @!p0 $0x3  }
0x150: {  	_ =	swait.ge @!p0 [sflag:s0], s1  }
0x151: {  	s1 =	ssub.s32 @!p0 $0x0, s1;
	[sflag:s0] =	ssyncset.done @!p0 $0x0  }
0x152: {  	[sflag:s0] =	ssyncadd.s32 @!p0 s1  }
0x153: {  	[bflag:$0x3] =	sbarrier.arrive $0xFFFF  }
0x154: {  	_ =	shalt  }

// kernel: kernel.9.cloned.1.call-start
scs
__scs_entry_jumppad:
0x0: {  	(pc) =	sbr.rel $0x88, $3  }
0x1: {  	(tag) =	ssettag $0x0;
	lr =	simm.s32 $0x1  }
0x2: {  	[smem:$0x3F8C] =	sst lr;
	_ =	strace $0xD0000000  }
0x3: {  	_ = 	snop  }
0x4: {  	_ = 	snop  }
0x5: {  	_ = 	snop  }
0x6: {  	_ = 	snop  }
0x7: {  	_ = 	snop  }
__scs_overlays_trampoline_lowered:
0x8: {  	[smem:$0x3F9B] =	sst s0  }
0x9: {  	[smem:$0x3F9C] =	sst s1  }
0xa: {  	[smem:$0x3F9D] =	sst s2  }
0xb: {  	[smem:$0x3F9E] =	sst s3  }
0xc: {  	[smem:$0x3F9F] =	sst s4  }
0xd: {  	[smem:$0x3FA0] =	sst s5  }
0xe: {  	[smem:$0x3FA1] =	sst s6  }
0xf: {  	[smem:$0x3FA2] =	sst s7  }
0x10: {  	[smem:$0x3FA3] =	sst s8  }
0x11: {  	[smem:$0x3FA4] =	sst s9;
	s0 =	simm.s32 @!p0 $0x0  }
0x12: {  	s1 =	sld [smem:$0x3F8A];
	s0 =	simm.s32 @p0 $0x1  }
0x13: {  	[smem:$0x3FA5] =	sst s0;
	s0 =	simm.s32 @!p1 $0x0  }
0x14: {  	s2 =	sld [smem:$0x3F89];
	s0 =	simm.s32 @p1 $0x1  }
0x15: {  	[smem:$0x3FA6] =	sst s0;
	s0 =	simm.s32 @!p2 $0x0  }
0x16: {  	s3 =	sld [smem:$0x3FDB];
	s0 =	simm.s32 @p2 $0x1  }
0x17: {  	s4 =	simm.s32 $0x1BF5;
	[smem:$0x3FA8] =	sst s0  }
0x18: {  	s0 =	sld [smem:$0x3F8B];
	_ =	swait.ge [sflag:s4], $0x0  }
0x19: {  	s7 =	sld [smem:$0x3F8C]  }
0x1a: {  	s8 =	sadd.s32 $0xFFFFE003, lr  }
0x1b: {  	s9 =	sadd.s32 $0xFFFFFEF7, lr;
	s5 =	simm.s32 $0xFFFFFFFF;
	p2 =	slt.u32 s8, $0xFFFFF086  }
0x1c: {  	p1 =	slt.u32 s9, $0xF7A;
	s5 =	simm.s32 @!p2 $0x0  }
0x1d: {  	s5 =	simm.s32 @p1 $0x1;
	p0 =	seq.s32 s7, s2  }
0x1e: {  	s7 =	smul.u32 @!p0 $0xF7A, s2;
	p2 =	seq.s32 @!p0 s5, $0x0  }
0x1f: {  	s9 =	smul.u32 $0xF7A, s1;
	s8 =	simm.s32 @!p0 $0x1BF5;
	p2 =	por !p2, p0  }
0x20: {  	[sflag:s8] =	ssyncset.s32 @!p0 $0xFFFFF086;
	s6 =	sadd.s32 @!p0 s3, s7;
	s7 =	simm.s32 @!p0 $0x108  }
0x21: {  	s3 =	sadd.s32 s3, s9;
	s6 =	sadd.s32 @!p0 $0x88, s6;
	s7 =	simm.s32 @p2 $0x1082  }
0x22: {  	[simem:s7], [sflag:s8] =	dma.local @!p0 [hbm:s6], $0xF7A  }
0x23: {  	s9 =	sor.u32 $0xD0000000, s2;
	s6 =	simm.s32 $0x108;
	_ =	swait.ge @!p0 [sflag:s8], $0x0  }
0x24: {  	s3 =	sadd.s32 $0x88, s3;
	s6 =	simm.s32 @!p1 $0x1082;
	[sflag:s4] =	ssyncset.s32 $0xFFFFF086  }
0x25: {  	[simem:s6], [sflag:s4] =	dma.local [hbm:s3], $0xF7A  }
0x26: {  	[smem:$0x3F8C] =	sst s1;
	(tag) =	ssettag s2;
	_ =	strace s9  }
0x27: {  	s1 =	sld [smem:$0x3F9C]  }
0x28: {  	s2 =	sld [smem:$0x3F9D]  }
0x29: {  	s4 =	sld [smem:$0x3F9F]  }
0x2a: {  	p0 =	seq.s32 s5, $0x0;
	s5 =	sld [smem:$0x3FA0]  }
0x2b: {  	s6 =	sld [smem:$0x3FA1]  }
0x2c: {  	s7 =	sld [smem:$0x3FA2]  }
0x2d: {  	s3 =	simm.s32 $0x108;
	s8 =	sld [smem:$0x3FA3]  }
0x2e: {  	s3 =	simm.s32 @!p0 $0x1082;
	s9 =	sld [smem:$0x3FA4]  }
0x2f: {  	lr =	sadd.s32 s0, s3;
	s0 =	sld [smem:$0x3F9B]  }
0x30: {  	s3 =	sld [smem:$0x3F9E]  }
0x31: {  	[smem:$0x3FA7] =	sst s10  }
0x32: {  	s10 =	sld [smem:$0x3FA5];
	_ =	sdelay $0x3  }
0x33: {  	p0 =	seq.s32 s10, $0x1;
	s10 =	sld [smem:$0x3FA7];
	_ =	sdelay $0x3  }
0x34: {  	[smem:$0x3FA7] =	sst s10  }
0x35: {  	s10 =	sld [smem:$0x3FA6];
	_ =	sdelay $0x3  }
0x36: {  	p1 =	seq.s32 s10, $0x1;
	s10 =	sld [smem:$0x3FA7];
	_ =	sdelay $0x3  }
0x37: {  	[smem:$0x3FA7] =	sst s10  }
0x38: {  	s10 =	sld [smem:$0x3FA8]  }
0x39: {  	_ = 	snop;
	(pc) =	sbr.ind lr, $3  }
0x3a: {  	_ = 	snop  }
0x3b: {  	_ = 	snop  }
0x3c: {  	p2 =	seq.s32 s10, $0x1;
	s10 =	sld [smem:$0x3FA7]  }
0x3d: {  	_ =	shalt  }
0x3e: {  	_ =	shalt  }
0x3f: {  	_ =	shalt  }
0x40: {  	_ =	shalt  }
0x41: {  	_ =	shalt  }
0x42: {  	_ =	shalt  }
0x43: {  	_ =	shalt  }
0x44: {  	_ =	shalt  }
0x45: {  	_ =	shalt  }
0x46: {  	_ =	shalt  }
0x47: {  	_ =	shalt  }
0x48: {  	_ =	shalt  }
0x49: {  	_ =	shalt  }
0x4a: {  	_ =	shalt  }
0x4b: {  	_ =	shalt  }
0x4c: {  	_ =	shalt  }
0x4d: {  	_ =	shalt  }
0x4e: {  	_ =	shalt  }
0x4f: {  	_ =	shalt  }
0x50: {  	_ =	shalt  }
0x51: {  	_ =	shalt  }
0x52: {  	_ =	shalt  }
0x53: {  	_ =	shalt  }
0x54: {  	_ =	shalt  }
0x55: {  	_ =	shalt  }
0x56: {  	_ =	shalt  }
0x57: {  	_ =	shalt  }
0x58: {  	_ =	shalt  }
0x59: {  	_ =	shalt  }
0x5a: {  	_ =	shalt  }
0x5b: {  	_ =	shalt  }
0x5c: {  	_ =	shalt  }
0x5d: {  	_ =	shalt  }
0x5e: {  	_ =	shalt  }
0x5f: {  	_ =	shalt  }
0x60: {  	_ =	shalt  }
0x61: {  	_ =	shalt  }
0x62: {  	_ =	shalt  }
0x63: {  	_ =	shalt  }
0x64: {  	_ =	shalt  }
0x65: {  	_ =	shalt  }
0x66: {  	_ =	shalt  }
0x67: {  	_ =	shalt  }
0x68: {  	_ =	shalt  }
0x69: {  	_ =	shalt  }
0x6a: {  	_ =	shalt  }
0x6b: {  	_ =	shalt  }
0x6c: {  	_ =	shalt  }
0x6d: {  	_ =	shalt  }
0x6e: {  	_ =	shalt  }
0x6f: {  	_ =	shalt  }
0x70: {  	_ =	shalt  }
0x71: {  	_ =	shalt  }
0x72: {  	_ =	shalt  }
0x73: {  	_ =	shalt  }
0x74: {  	_ =	shalt  }
0x75: {  	_ =	shalt  }
0x76: {  	_ =	shalt  }
0x77: {  	_ =	shalt  }
0x78: {  	_ =	shalt  }
0x79: {  	_ =	shalt  }
0x7a: {  	_ =	shalt  }
0x7b: {  	_ =	shalt  }
0x7c: {  	_ =	shalt  }
0x7d: {  	_ =	shalt  }
0x7e: {  	_ =	shalt  }
0x7f: {  	_ =	shalt  }
0x80: {  	_ =	shalt  }
0x81: {  	_ =	shalt  }
0x82: {  	_ =	shalt  }
0x83: {  	_ =	shalt  }
0x84: {  	_ =	shalt  }
0x85: {  	_ =	shalt  }
0x86: {  	_ =	shalt  }
0x87: {  	_ =	shalt  }
.Lfunc_end0:
.L_simem_size_0:
called_computation_lowered:
.L_overlay_start_0:
0x88: {  	s2 =	sld [smem:$0x3FD9]  }
0x89: {  	s3 =	sld [smem:$0x3FFE];
	_ =	sdelay $0x1  }
0x8a: {  	s1 =	srdreg.scid  }
0x8b: {  	s0 =	sand.u32 $0x1, s1  }
0x8c: {  	s17 =	sshll.u32 s0, $0xA;
	s2 =	sadd.s32 s3, s2  }
0x8d: {  	s2 =	sadd.s32 s2, s17  }
0x8e: {  	[smem:$0x3FB3] =	sst s2  }
0x8f: {  	_ = 	snop  }
0x90: {  	s2 =	sld [smem:$0x3FC7];
	(tm) =	ssettm $0x1  }
0x91: {  	s18 =	sld [smem:$0x3FFB];
	_ =	sdelay $0x3  }
0x92: {  	_ =	strace s18  }
0x93: {  	s3 =	sld [smem:$0x3FFC];
	_ =	sdelay $0x3  }
0x94: {  	_ =	strace s3  }
0x95: {  	s3 =	sld [smem:$0x3FFD];
	_ =	sdelay $0x3  }
0x96: {  	_ =	strace s3  }
0x97: {  	_ =	strace $0x8FFFFFFF  }
0x98: {  	s19 =	sld [smem:$0x3FDB];
	_ =	sdelay $0x1  }
0x99: {  	s4 =	simm.s32 $_scs_section_size  }
0x9a: {  	s5 =	simm.s32 $_size__tile_overlayer_lowered;
	s6 =	simm.s32 $_tile_overlayer_lowered  }
0x9b: {  	s22 =	simm.s32 $0x1BFF;
	s21 =	sshll.u32 s6, $0x1;
	s3 =	sadd.s32 s4, s19  }
0x9c: {  	s7 =	simm.s32 $0x0;
	s20 =	sshll.u32 s5, $0x1;
	s5 =	sadd.s32 s21, s3  }
0x9d: {  	[timem:s7], [sflag:s22] =	dma.local [hbm:s5], s20  }
0x9e: {  	_ =	swait.ge [sflag:s22], s20  }
0x9f: {  	s4 =	ssub.s32 $0x0, s20;
	[sflag:s22] =	ssyncset.done $0x0  }
0xa0: {  	[sflag:s22] =	ssyncadd.s32 s4;
	_ =	sdelay $0x1  }
0xa1: {  	s23 =	simm.s32 $0x1B8B  }
0xa2: {  	_ =	swait.ge [sflag:s23], $0x1  }
0xa3: {  	[sflag:s23] =	ssyncset.done $0x0  }
0xa4: {  	s25 =	simm.s32 $0x1B8E;
	s24 =	sld [smem:$0x3FFE];
	[sflag:s23] =	ssyncadd.s32 $0xFFFFFFFF  }
0xa5: {  	s26 =	simm.s32 $execute0_lowered;
	[smem:$0x3FD2] =	sst s25  }
0xa6: {  	s5 =	sshll.u32 s26, $0x1;
	_ =	strace $0x80000046;
	[dreg:$0x1] =	wrdreg $0xFFFFFFFF  }
0xa7: {  	s28 =	simm.s32 $_size_execute0_lowered;
	s3 =	sadd.s32 s3, s5;
	[dreg:$0x0] =	wrdreg $0x0  }
0xa8: {  	s5 =	sshll.u32 s28, $0x1;
	[dreg:$0x2] =	wrdreg s3  }
0xa9: {  	[dreg:$0x3] =	wrdreg s5  }
0xaa: {  	[dreg:$0x4] =	wrdreg $0xC0  }
0xab: {  	_ =	task [dreg:s7], $0x5FFFF  }
0xac: {  	[dreg:$0x1] =	wrdreg $0xFFFFFFFF  }
0xad: {  	[dreg:$0x0] =	wrdreg $0x60  }
0xae: {  	[dreg:$0x2] =	wrdreg s24  }
0xaf: {  	[dreg:$0x3] =	wrdreg s2  }
0xb0: {  	[dreg:$0x4] =	wrdreg $0x9  }
0xb1: {  	_ =	task.clear_ibuf [dreg:s7], $0x5FFFF;
	_ =	strace $0x90000046  }
0xb2: {  	s29 =	simm.s32 $0x9;
	_ =	strace $0x80000048  }
0xb3: {  	_ =	swait.ge [sflag:s29], $0x1  }
0xb4: {  	[sflag:s29] =	ssyncadd.s32 $0xFFFFFFFF  }
0xb5: {  	_ =	strace $0x90000048  }
0xb6: {  	_ =	sfence  }
0xb7: {  	s30 =	sld [smem:$0x0];
	_ =	sdelay $0x2  }
0xb8: {  	s31 =	sshll.u32 s1, $0xD;
	s1 =	sshrl.u32 s1, $0x2  }
0xb9: {  	s3 =	sand.u32 $0x4000, s31;
	s1 =	sadd.s32 s1, s30  }
0xba: {  	s0 =	sor.u32 s3, s0;
	s1 =	sshll.u32 s1, $0x11  }
0xbb: {  	s0 =	sor.u32 s1, s0  }
0xbc: {  	s0 =	sadd.s32 $0x8F2B, s0  }
0xbd: {  	[sflag:s0] =	ssyncadd.remote.s32 $0x1  }
0xbe: {  	_ =	sfence.sel $0xFFFF  }
0xbf: {  	[dreg:$0x0] =	wrdreg $0xFFFFFFFF;
	(pc) =	sbr.abs _section_cstart, $3  }
0xc0: {  	[dreg:$0x1] =	wrdreg $0xFFFFFFFF  }
0xc1: {  	_ =	task.clear_ibuf [dreg:s7], $0x2FFFF;
	_ =	strace $0x9FFFFFFF  }
0xc2: {  	(tm) =	ssettm $0x7FFFFFFF  }
0xc3: {  	_ =	shalt  }
tec
execute0_lowered:
.L_overlay_start_1:
0x0: {  	(tag) =	ssettag $0x1  }
0x1: {  	s0 =	rddreg [dreg:$0x0];
	s1 =	srdreg.scid  }
0x2: {  	s2 =	rddreg [dreg:$0x1];
	s6 =	stileid.u32;
	s3 =	simm.s32 $0x0  }
0x3: {  	s20 =	simm.s32 $0x14FF0;
	s21 =	simm.s32 $0x157C0;
	s22 =	simm.s32 $0x15F90  }
0x4: {  	s23 =	simm.s32 $0x3;
	s28 =	simm.s32 $0xC350;
	s29 =	simm.s32 $0x4E20  }
0x5: {  	s30 =	simm.s32 $0xEA60;
	s31 =	simm.s32 $0x7530;
	s17 =	simm.s32 $0x0  }
0x6: {  	s1 =	sand.u32 $0x1, s1;
	s5 =	smul.u32 $0x1388, s6;
	[smem:$0x7FF] =	sst s3  }
0x7: {  	s4 =	sshll.u32 s1, $0x4;
	_ =	strace $0x80000047;
	s8 =	smul.u32 $0x27100, s1  }
0x8: {  	s1 =	ssub.s32 $0x2, s1;
	s4 =	sor.u32 s6, s4;
	s7 =	sadd.s32 s5, s0  }
0x9: {  	s5 =	sadd.s32 $0x2800, s0;
	s24 =	sshrl.u32 s1, $0x1;
	s6 =	smul.u32 $0x1388, s4  }
0xa: {  	s4 =	sadd.s32 $0xC600, s0;
	s9 =	sshrl.u32 s8, $0x3;
	s1 =	ssub.s32 s1, s24  }
0xb: {  	s12 =	sadd.s32 $0x16400, s7;
	s13 =	sadd.s32 $0xFA0, s8;
	s14 =	sadd.s32 $0x1770, s8  }
0xc: {  	s24 =	simm.s32 $0x1;
	s25 =	sadd.s32 s4, s9;
	s26 =	sadd.s32 $0xFA, s9  }
0xd: {  	s10 =	sadd.s32 s5, s9;
	s9 =	sadd.s32 s2, s9;
	[dreg:$0x3] =	wrdreg s25  }
0xe: {  	s16 =	smax.u32 s1, $0x1;
	s1 =	simm.s32 $0x2;
	[dreg:$0x4] =	wrdreg s10  }
0xf: {  	s0 =	sadd.s32 s6, s0;
	[dreg:$0x5] =	wrdreg s9;
	s9 =	sadd.s32 s4, s26  }
0x10: {  	s10 =	sadd.s32 s5, s26;
	s11 =	sadd.s32 s2, s26;
	s25 =	simm.s32 $0x9C40  }
0x11: {  	v0 =	vimm.f32 $0.0e+00;
	s26 =	simm.s32 $0x2710;
	s15 =	sadd.s32 $0x29E00, s0;
	s0 =	simm.s32 $0x11170  }
.LBB2_1:
0x12: {  	s6 =	rddreg [dreg:$0x3];
	s7 =	simm.s32 $0x13880  }
0x13: {  	[tilespmem:s7], [sflag:$0x1] =	stream.linear.gather [hbm4b:s6+s3], $0x7D0, $0x38;
	[tilespmem:$0x16760] =	vst v63  }
0x14: {  	s8 =	simm.s32 $0x14050;
	s7 =	rddreg [dreg:$0x4]  }
0x15: {  	[tilespmem:s8], [sflag:$0x1] =	stream.linear.gather [hbm4b:s7+s3], $0x7D0, $0x38;
	[tilespmem:$0x16760] =	vst v63  }
0x16: {  	s18 =	rddreg [dreg:$0x5];
	s19 =	simm.s32 $0x14820  }
0x17: {  	[tilespmem:s19], [sflag:$0x1] =	stream.linear.gather [hbm4b:s18+s3], $0x7D0, $0x38;
	[tilespmem:$0x16760] =	vst v63  }
0x18: {  	_ = 	snop  }
0x19: {  	[tilespmem:s20], [sflag:$0x2] =	stream.linear.gather [hbm4b:s9+s3], $0x7D0, $0x38;
	[tilespmem:$0x16760] =	vst v63  }
0x1a: {  	_ = 	snop  }
0x1b: {  	[tilespmem:s21], [sflag:$0x2] =	stream.linear.gather [hbm4b:s10+s3], $0x7D0, $0x38;
	[tilespmem:$0x16760] =	vst v63  }
0x1c: {  	_ = 	snop  }
0x1d: {  	[tilespmem:s22], [sflag:$0x2] =	stream.linear.gather [hbm4b:s11+s3], $0x7D0, $0x38;
	[tilespmem:$0x16760] =	vst v63  }
0x1e: {  	_ = 	snop  }
0x1f: {  	[tilespmem:s3], [sflag:$0x3] =	stream.linear.gather [hbm4b:s12+s3], $0x9C40, $0x38;
	[tilespmem:$0x16760] =	vst v63  }
0x20: {  	_ =	swait.ge [sflag:s23], $0x9C40  }
0x21: {  	[sflag:s23] =	ssyncset.done $0x0  }
0x22: {  	s6 =	simm.s32 $0x9C80;
	[sflag:s23] =	ssyncadd.s32 $0xFFFF63C0  }
0x23: {  	[tilespmem:s6+$0xFFFFFFC0] =	vst v0  }
0x24: {  	[tilespmem:s6+$0x30] =	vst v0  }
0x25: {  	[tilespmem:s6+$0x20] =	vst v0  }
0x26: {  	[tilespmem:s6+$0x10] =	vst v0  }
0x27: {  	[tilespmem:s6+$0x0] =	vst v0  }
0x28: {  	[tilespmem:s6+$0xFFFFFFF0] =	vst v0  }
0x29: {  	s7 =	simm.s32 $0x0;
	[tilespmem:s6+$0xFFFFFFE0] =	vst v0  }
.LBB2_2:
0x2a: {  	s7 =	sadd.s32 $0x8, s7;
	[tilespmem:s6+$0xFFFFFFD0] =	vst v0;
	s6 =	sadd.s32 $0x80, s6  }
0x2b: {  	[tilespmem:s6+$0xFFFFFFC0] =	vst v0;
	p0 =	slt.u32 s7, $0x9B8  }
0x2c: {  	[tilespmem:s6+$0x30] =	vst v0  }
.Ltmp0:
0x2d: {  	[tilespmem:s6+$0x20] =	vst v0;
	(pc) =	sbr.rel @p0 .LBB2_2-.Ltmp0, $4  }
0x2e: {  	[tilespmem:s6+$0x10] =	vst v0  }
0x2f: {  	[tilespmem:s6+$0x0] =	vst v0  }
0x30: {  	[tilespmem:s6+$0xFFFFFFF0] =	vst v0  }
0x31: {  	[tilespmem:s6+$0xFFFFFFE0] =	vst v0  }
0x32: {  	[tilespmem:s6+$0xFFFFFFD0] =	vst v0;
	s18 =	simm.s32 $0x0;
	s6 =	simm.s32 $0x0  }
.LBB2_4:
0x33: {  	p0 =	sne.s32 s6, $0xC0  }
.Ltmp1:
0x34: {  	_ = 	snop;
	(pc) =	sbr.rel @p0 .LBB2_4-.Ltmp1, $3  }
0x35: {  	_ =	sdelay $0x1  }
0x36: {  	s7 =	sshra.s32 s6, $0x2  }
0x37: {  	s6 =	sadd.s32 $0x40, s6;
	[tilespmem:s7+$0x13840] =	vst v0  }
.Ltmp2:
0x38: {  	_ = 	snop;
	(pc) =	sbr.rel .LBB2_5-.Ltmp2, $1  }
0x39: {  	_ =	sdelay $0x3  }
.LBB2_10:
0x3a: {  	s6 =	smul.u32 $0xFA0, s18;
	_ =	sdelay $0x1  }
0x3b: {  	s6 =	sadd.s32 s6, s14  }
0x3c: {  	s6 =	sshrl.u32 s6, $0x3  }
0x3d: {  	s7 =	sadd.s32 s4, s6  }
0x3e: {  	[tilespmem:s20], [sflag:$0x2] =	stream.linear.gather [hbm4b:s7+s3], $0x7D0, $0x38;
	[tilespmem:$0x16760] =	vst v63  }
0x3f: {  	s19 =	sadd.s32 s5, s6  }
0x40: {  	[tilespmem:s21], [sflag:$0x2] =	stream.linear.gather [hbm4b:s19+s3], $0x7D0, $0x38;
	[tilespmem:$0x16760] =	vst v63  }
0x41: {  	s18 =	sadd.s32 $0x1, s18;
	s6 =	sadd.s32 s2, s6  }
0x42: {  	[tilespmem:s22], [sflag:$0x2] =	stream.linear.gather [hbm4b:s6+s3], $0x7D0, $0x38;
	[tilespmem:$0x16760] =	vst v63  }
.LBB2_5:
0x43: {  	_ =	swait.ge [sflag:s24], $0x7D0  }
0x44: {  	[sflag:s24] =	ssyncset.done $0x0  }
0x45: {  	[sflag:s24] =	ssyncadd.s32 $0xFFFFF830  }
0x46: {  	_ =	swait.ge [sflag:s24], $0x7D0  }
0x47: {  	[sflag:s24] =	ssyncset.done $0x0  }
0x48: {  	[sflag:s24] =	ssyncadd.s32 $0xFFFFF830  }
0x49: {  	_ =	swait.ge [sflag:s24], $0x7D0  }
0x4a: {  	[sflag:s24] =	ssyncset.done $0x0  }
0x4b: {  	s6 =	simm.s32 $0x13890;
	[sflag:s24] =	ssyncadd.s32 $0xFFFFF830  }
0x4c: {  	v4 =	vld [tilespmem:s6+$0x0];
	_ =	sdelay $0x4  }
0x4d: {  	s7 =	simm.s32 $0x14060  }
0x4e: {  	s19 =	simm.s32 $0x14830;
	v6 =	vld [tilespmem:s7+$0x0]  }
0x4f: {  	v7 =	vld [tilespmem:s19+$0x0]  }
0x50: {  	v1 =	vld.idx.msk [tilespmem:v4+s3+$0x0], $0xffff;
	_ =	sdelay $0x1  }
0x51: {  	v9 =	vld [tilespmem:s6+$0xFFFFFFF0]  }
0x52: {  	s8 =	simm.s32 $0x138B0  }
0x53: {  	v10 =	vld [tilespmem:s8+$0x0]  }
0x54: {  	v1 =	vmul.f32 v1, v7  }
0x55: {  	v2 =	vld [tilespmem:s19+$0xFFFFFFF0]  }
0x56: {  	[tilespmem:v6+s25+$0x0] =	vst.idx.add.f32.msk $0xffff, v1  }
0x57: {  	s19 =	simm.s32 $0x14080;
	v3 =	vld.idx.msk [tilespmem:v4+s26+$0x0], $0xffff  }
0x58: {  	v18 =	vld [tilespmem:s19+$0x0]  }
0x59: {  	v5 =	vld.idx.msk [tilespmem:v9+s3+$0x0], $0xffff  }
0x5a: {  	v1 =	vld [tilespmem:s7+$0xFFFFFFF0]  }
0x5b: {  	v11 =	vld.idx.msk [tilespmem:v10+s3+$0x0], $0xffff  }
0x5c: {  	v8 =	vmul.f32 v3, v7;
	v3 =	vld [tilespmem:s8+$0xFFFFFFF0];
	s8 =	simm.s32 $0x14850  }
0x5d: {  	v13 =	vld [tilespmem:s8+$0x0]  }
0x5e: {  	[tilespmem:v6+s28+$0x0] =	vst.idx.add.f32.msk $0xffff, v8  }
0x5f: {  	v8 =	vld.idx.msk [tilespmem:v4+s29+$0x0], $0xffff  }
0x60: {  	v5 =	vmul.f32 v5, v2;
	_ =	sdelay $0x1  }
0x61: {  	[tilespmem:v1+s25+$0x0] =	vst.idx.add.f32.msk $0xffff, v5;
	v11 =	vmul.f32 v11, v13  }
0x62: {  	v12 =	vld.idx.msk [tilespmem:v9+s26+$0x0], $0xffff  }
0x63: {  	v5 =	vmul.f32 v8, v7;
	[tilespmem:v18+s25+$0x0] =	vst.idx.add.f32.msk $0xffff, v11  }
0x64: {  	v11 =	vld.idx.msk [tilespmem:v10+s26+$0x0], $0xffff  }
0x65: {  	[tilespmem:v6+s30+$0x0] =	vst.idx.add.f32.msk $0xffff, v5  }
0x66: {  	v14 =	vld.idx.msk [tilespmem:v4+s31+$0x0], $0xffff  }
0x67: {  	v8 =	vld.idx.msk [tilespmem:v3+s3+$0x0], $0xffff  }
0x68: {  	v12 =	vmul.f32 v12, v2;
	v5 =	vld [tilespmem:s8+$0xFFFFFFF0]  }
0x69: {  	v4 =	vld [tilespmem:s19+$0xFFFFFFF0]  }
0x6a: {  	[tilespmem:v1+s28+$0x0] =	vst.idx.add.f32.msk $0xffff, v12;
	v11 =	vmul.f32 v11, v13  }
0x6b: {  	v12 =	vld.idx.msk [tilespmem:v9+s29+$0x0], $0xffff;
	v7 =	vmul.f32 v14, v7  }
0x6c: {  	[tilespmem:v18+s28+$0x0] =	vst.idx.add.f32.msk $0xffff, v11  }
0x6d: {  	s19 =	simm.s32 $0x138D0;
	[tilespmem:v6+s0+$0x0] =	vst.idx.add.f32.msk $0xffff, v7  }
0x6e: {  	v7 =	vld [tilespmem:s19+$0x0]  }
0x6f: {  	v8 =	vmul.f32 v8, v5;
	v11 =	vld.idx.msk [tilespmem:v10+s29+$0x0], $0xffff  }
0x70: {  	v6 =	vld [tilespmem:s19+$0xFFFFFFF0]  }
0x71: {  	s19 =	simm.s32 $0x140A0;
	[tilespmem:v4+s25+$0x0] =	vst.idx.add.f32.msk $0xffff, v8  }
0x72: {  	v8 =	vmul.f32 v12, v2;
	v12 =	vld [tilespmem:s19+$0x0]  }
0x73: {  	v14 =	vld.idx.msk [tilespmem:v3+s26+$0x0], $0xffff  }
0x74: {  	s6 =	simm.s32 $0x14870;
	[tilespmem:v1+s30+$0x0] =	vst.idx.add.f32.msk $0xffff, v8  }
0x75: {  	v8 =	vld [tilespmem:s6+$0x0];
	v16 =	vmul.f32 v11, v13  }
0x76: {  	v15 =	vld.idx.msk [tilespmem:v7+s3+$0x0], $0xffff  }
0x77: {  	[tilespmem:v18+s30+$0x0] =	vst.idx.add.f32.msk $0xffff, v16  }
0x78: {  	v10 =	vld.idx.msk [tilespmem:v10+s31+$0x0], $0xffff  }
0x79: {  	v11 =	vld [tilespmem:s6+$0xFFFFFFF0]  }
0x7a: {  	v16 =	vmul.f32 v14, v5;
	v14 =	vld [tilespmem:s19+$0xFFFFFFF0]  }
0x7b: {  	v17 =	vld.idx.msk [tilespmem:v6+s3+$0x0], $0xffff;
	v15 =	vmul.f32 v15, v8  }
0x7c: {  	[tilespmem:v4+s28+$0x0] =	vst.idx.add.f32.msk $0xffff, v16  }
0x7d: {  	v10 =	vmul.f32 v10, v13;
	[tilespmem:v12+s25+$0x0] =	vst.idx.add.f32.msk $0xffff, v15  }
0x7e: {  	v16 =	vld.idx.msk [tilespmem:v7+s26+$0x0], $0xffff  }
0x7f: {  	v15 =	vld.idx.msk [tilespmem:v3+s29+$0x0], $0xffff  }
0x80: {  	v13 =	vld.idx.msk [tilespmem:v9+s31+$0x0], $0xffff  }
0x81: {  	s7 =	simm.s32 $0x40;
	s8 =	simm.s32 $0x138F0;
	v9 =	vmov v14;
	v17 =	vmul.f32 v17, v11;
	[tilespmem:v18+s0+$0x0] =	vst.idx.add.f32.msk $0xffff, v10;
	v10 =	vmov v12  }
.LBB2_6:
0x82: {  	v18 =	vld [tilespmem:s8+$0x0];
	s7 =	sadd.s32 $0x20, s7  }
0x83: {  	v16 =	vmul.f32 v16, v8;
	v19 =	vld [tilespmem:s8+$0xFFFFFFF0];
	p0 =	slt.u32 s7, $0x7A0  }
0x84: {  	[tilespmem:v14+s25+$0x0] =	vst.idx.add.f32.msk $0xffff, v17;
	v14 =	vmul.f32 v15, v5  }
0x85: {  	v20 =	vmul.f32 v13, v2;
	v2 =	vmov v5;
	v5 =	vmov v11;
	[tilespmem:v12+s28+$0x0] =	vst.idx.add.f32.msk $0xffff, v16  }
0x86: {  	v11 =	vld.idx.msk [tilespmem:v7+s29+$0x0], $0xffff  }
0x87: {  	v13 =	vld.idx.msk [tilespmem:v6+s26+$0x0], $0xffff  }
0x88: {  	s19 =	sadd.s32 $0x20, s19;
	[tilespmem:v4+s30+$0x0] =	vst.idx.add.f32.msk $0xffff, v14  }
0x89: {  	v12 =	vld [tilespmem:s19+$0x0]  }
0x8a: {  	s6 =	sadd.s32 $0x20, s6;
	v15 =	vld.idx.msk [tilespmem:v18+s3+$0x0], $0xffff  }
0x8b: {  	v21 =	vld [tilespmem:s6+$0x0]  }
0x8c: {  	v14 =	vmul.f32 v11, v8;
	v16 =	vld.idx.msk [tilespmem:v19+s3+$0x0], $0xffff  }
0x8d: {  	v13 =	vmul.f32 v13, v5;
	v11 =	vld [tilespmem:s6+$0xFFFFFFF0]  }
0x8e: {  	[tilespmem:v10+s30+$0x0] =	vst.idx.add.f32.msk $0xffff, v14  }
0x8f: {  	v22 =	vld.idx.msk [tilespmem:v7+s31+$0x0], $0xffff;
	v7 =	vmov v18  }
0x90: {  	v14 =	vld [tilespmem:s19+$0xFFFFFFF0];
	v15 =	vmul.f32 v15, v21  }
0x91: {  	[tilespmem:v9+s28+$0x0] =	vst.idx.add.f32.msk $0xffff, v13  }
0x92: {  	v17 =	vmul.f32 v16, v11;
	[tilespmem:v12+s25+$0x0] =	vst.idx.add.f32.msk $0xffff, v15  }
.Ltmp3:
0x93: {  	v16 =	vld.idx.msk [tilespmem:v18+s26+$0x0], $0xffff;
	(pc) =	sbr.rel @p0 .LBB2_6-.Ltmp3, $4  }
0x94: {  	v15 =	vld.idx.msk [tilespmem:v6+s29+$0x0], $0xffff  }
0x95: {  	v18 =	vmul.f32 v22, v8;
	v8 =	vmovc v21;
	v13 =	vld.idx.msk [tilespmem:v3+s31+$0x0], $0xffff;
	v3 =	vmov v6;
	v6 =	vmov v19  }
0x96: {  	[tilespmem:v1+s0+$0x0] =	vst.idx.add.f32.msk $0xffff, v20;
	v1 =	vmov v4;
	v4 =	vmov v9;
	v9 =	vmov v14  }
0x97: {  	s8 =	sadd.s32 $0x20, s8;
	[tilespmem:v10+s0+$0x0] =	vst.idx.add.f32.msk $0xffff, v18;
	v10 =	vmov v12  }
0x98: {  	_ =	sdelay $0x3  }
0x99: {  	[tilespmem:v14+s25+$0x0] =	vst.idx.add.f32.msk $0xffff, v17  }
0x9a: {  	v14 =	vld.idx.msk [tilespmem:v6+s26+$0x0], $0xffff;
	_ =	sdelay $0x2  }
0x9b: {  	v16 =	vmul.f32 v16, v8;
	_ =	sdelay $0x1  }
0x9c: {  	[tilespmem:v12+s28+$0x0] =	vst.idx.add.f32.msk $0xffff, v16;
	v14 =	vmul.f32 v14, v11  }
0x9d: {  	v12 =	vld.idx.msk [tilespmem:v7+s29+$0x0], $0xffff  }
0x9e: {  	[tilespmem:v9+s28+$0x0] =	vst.idx.add.f32.msk $0xffff, v14  }
0x9f: {  	v14 =	vld.idx.msk [tilespmem:v6+s29+$0x0], $0xffff  }
0xa0: {  	v15 =	vmul.f32 v15, v5;
	_ =	sdelay $0x1  }
0xa1: {  	[tilespmem:v4+s30+$0x0] =	vst.idx.add.f32.msk $0xffff, v15;
	v12 =	vmul.f32 v12, v8  }
0xa2: {  	v3 =	vld.idx.msk [tilespmem:v3+s31+$0x0], $0xffff  }
0xa3: {  	[tilespmem:v10+s30+$0x0] =	vst.idx.add.f32.msk $0xffff, v12;
	v12 =	vmul.f32 v14, v11  }
0xa4: {  	v7 =	vld.idx.msk [tilespmem:v7+s31+$0x0], $0xffff  }
0xa5: {  	[tilespmem:v9+s30+$0x0] =	vst.idx.add.f32.msk $0xffff, v12  }
0xa6: {  	v6 =	vld.idx.msk [tilespmem:v6+s31+$0x0], $0xffff  }
0xa7: {  	v2 =	vmul.f32 v13, v2;
	_ =	sdelay $0x1  }
0xa8: {  	[tilespmem:v1+s0+$0x0] =	vst.idx.add.f32.msk $0xffff, v2;
	v1 =	vmul.f32 v3, v5  }
0xa9: {  	v7 =	vmul.f32 v7, v8  }
0xaa: {  	[tilespmem:v4+s0+$0x0] =	vst.idx.add.f32.msk $0xffff, v1;
	v2 =	vmul.f32 v6, v11  }
0xab: {  	[tilespmem:v10+s0+$0x0] =	vst.idx.add.f32.msk $0xffff, v7  }
0xac: {  	[tilespmem:v9+s0+$0x0] =	vst.idx.add.f32.msk $0xffff, v2  }
0xad: {  	v1 =	vld [tilespmem:$0x14040];
	_ =	sdelay $0x5  }
0xae: {  	v2 =	vld [tilespmem:$0x14810]  }
0xaf: {  	v3 =	vld [tilespmem:$0x14FE0]  }
0xb0: {  	v4 =	vld.idx.msk [tilespmem:v1+s3+$0x0], $0xffff;
	_ =	sdelay $0x4  }
0xb1: {  	v4 =	vmul.f32 v4, v3;
	_ =	sdelay $0x1  }
0xb2: {  	[tilespmem:v2+s25+$0x0] =	vst.idx.add.f32.msk $0xffff, v4  }
0xb3: {  	v4 =	vld.idx.msk [tilespmem:v1+s26+$0x0], $0xffff;
	_ =	sdelay $0x4  }
0xb4: {  	v4 =	vmul.f32 v4, v3;
	_ =	sdelay $0x1  }
0xb5: {  	[tilespmem:v2+s28+$0x0] =	vst.idx.add.f32.msk $0xffff, v4  }
0xb6: {  	v4 =	vld.idx.msk [tilespmem:v1+s29+$0x0], $0xffff;
	_ =	sdelay $0x4  }
0xb7: {  	v4 =	vmul.f32 v4, v3;
	_ =	sdelay $0x1  }
0xb8: {  	[tilespmem:v2+s30+$0x0] =	vst.idx.add.f32.msk $0xffff, v4  }
0xb9: {  	v1 =	vld.idx.msk [tilespmem:v1+s31+$0x0], $0xffff;
	_ =	sdelay $0x1  }
0xba: {  	p0 =	seq.s32 s18, $0x27  }
0xbb: {  	s6 =	smul.u32 @!p0 $0xFA0, s18;
	_ =	sdelay $0x1  }
0xbc: {  	s6 =	sadd.s32 @!p0 s6, s13;
	v1 =	vmul.f32 v1, v3  }
0xbd: {  	s6 =	sshrl.u32 @!p0 s6, $0x3  }
0xbe: {  	s8 =	simm.s32 @!p0 $0x0;
	s19 =	simm.s32 @!p0 $0x13880;
	s7 =	sadd.s32 @!p0 s4, s6;
	[tilespmem:v2+s0+$0x0] =	vst.idx.add.f32.msk $0xffff, v1  }
0xbf: {  	[tilespmem:s19], [sflag:$0x1] =	stream.linear.gather @!p0 [hbm4b:s7+s8], $0x7D0, $0x38;
	[tilespmem:$0x16760] =	vst v63  }
0xc0: {  	s7 =	sadd.s32 @!p0 s5, s6;
	s19 =	simm.s32 @!p0 $0x14050  }
0xc1: {  	[tilespmem:s19], [sflag:$0x1] =	stream.linear.gather @!p0 [hbm4b:s7+s8], $0x7D0, $0x38;
	[tilespmem:$0x16760] =	vst v63  }
0xc2: {  	s6 =	sadd.s32 @!p0 s2, s6;
	s7 =	simm.s32 @!p0 $0x14820  }
0xc3: {  	[tilespmem:s7], [sflag:$0x1] =	stream.linear.gather @!p0 [hbm4b:s6+s8], $0x7D0, $0x38;
	[tilespmem:$0x16760] =	vst v63  }
0xc4: {  	_ =	swait.ge [sflag:s1], $0x7D0  }
0xc5: {  	[sflag:s1] =	ssyncset.done $0x0  }
0xc6: {  	[sflag:s1] =	ssyncadd.s32 $0xFFFFF830  }
0xc7: {  	_ =	swait.ge [sflag:s1], $0x7D0  }
0xc8: {  	[sflag:s1] =	ssyncset.done $0x0  }
0xc9: {  	[sflag:s1] =	ssyncadd.s32 $0xFFFFF830  }
0xca: {  	_ =	swait.ge [sflag:s1], $0x7D0  }
0xcb: {  	[sflag:s1] =	ssyncset.done $0x0  }
0xcc: {  	s7 =	simm.s32 $0x15000;
	[sflag:s1] =	ssyncadd.s32 $0xFFFFF830  }
0xcd: {  	v4 =	vld [tilespmem:s7+$0x0];
	_ =	sdelay $0x4  }
0xce: {  	s8 =	simm.s32 $0x157D0  }
0xcf: {  	s19 =	simm.s32 $0x15FA0;
	v6 =	vld [tilespmem:s8+$0x0]  }
0xd0: {  	v7 =	vld [tilespmem:s19+$0x0]  }
0xd1: {  	v1 =	vld.idx.msk [tilespmem:v4+s3+$0x0], $0xffff;
	_ =	sdelay $0x4  }
0xd2: {  	v9 =	vld [tilespmem:s7+$0xFFFFFFF0];
	v1 =	vmul.f32 v1, v7;
	_ =	sdelay $0x1  }
0xd3: {  	[tilespmem:v6+s25+$0x0] =	vst.idx.add.f32.msk $0xffff, v1  }
0xd4: {  	v3 =	vld.idx.msk [tilespmem:v4+s26+$0x0], $0xffff;
	_ =	sdelay $0x1  }
0xd5: {  	v1 =	vld [tilespmem:s8+$0xFFFFFFF0];
	s8 =	simm.s32 $0x15020  }
0xd6: {  	v10 =	vld [tilespmem:s8+$0x0]  }
0xd7: {  	v2 =	vld [tilespmem:s19+$0xFFFFFFF0]  }
0xd8: {  	v5 =	vld.idx.msk [tilespmem:v9+s3+$0x0], $0xffff;
	v8 =	vmul.f32 v3, v7  }
0xd9: {  	v3 =	vld [tilespmem:s8+$0xFFFFFFF0]  }
0xda: {  	[tilespmem:v6+s28+$0x0] =	vst.idx.add.f32.msk $0xffff, v8  }
0xdb: {  	s19 =	simm.s32 $0x157F0;
	v8 =	vld.idx.msk [tilespmem:v4+s29+$0x0], $0xffff  }
0xdc: {  	v18 =	vld [tilespmem:s19+$0x0];
	s8 =	simm.s32 $0x15FC0  }
0xdd: {  	v5 =	vmul.f32 v5, v2;
	v13 =	vld [tilespmem:s8+$0x0]  }
0xde: {  	v11 =	vld.idx.msk [tilespmem:v10+s3+$0x0], $0xffff  }
0xdf: {  	[tilespmem:v1+s25+$0x0] =	vst.idx.add.f32.msk $0xffff, v5  }
0xe0: {  	v12 =	vld.idx.msk [tilespmem:v9+s26+$0x0], $0xffff;
	v5 =	vmul.f32 v8, v7  }
0xe1: {  	v8 =	vld.idx.msk [tilespmem:v3+s3+$0x0], $0xffff  }
0xe2: {  	[tilespmem:v6+s30+$0x0] =	vst.idx.add.f32.msk $0xffff, v5  }
0xe3: {  	v11 =	vmul.f32 v11, v13;
	v14 =	vld.idx.msk [tilespmem:v4+s31+$0x0], $0xffff  }
0xe4: {  	v5 =	vld [tilespmem:s8+$0xFFFFFFF0]  }
0xe5: {  	[tilespmem:v18+s25+$0x0] =	vst.idx.add.f32.msk $0xffff, v11  }
0xe6: {  	v12 =	vmul.f32 v12, v2;
	v11 =	vld.idx.msk [tilespmem:v10+s26+$0x0], $0xffff  }
0xe7: {  	v4 =	vld [tilespmem:s19+$0xFFFFFFF0]  }
0xe8: {  	[tilespmem:v1+s28+$0x0] =	vst.idx.add.f32.msk $0xffff, v12;
	v7 =	vmul.f32 v14, v7  }
0xe9: {  	v12 =	vld.idx.msk [tilespmem:v9+s29+$0x0], $0xffff  }
0xea: {  	s19 =	simm.s32 $0x15040;
	[tilespmem:v6+s0+$0x0] =	vst.idx.add.f32.msk $0xffff, v7  }
0xeb: {  	v11 =	vmul.f32 v11, v13;
	v7 =	vld [tilespmem:s19+$0x0]  }
0xec: {  	v6 =	vld [tilespmem:s19+$0xFFFFFFF0]  }
0xed: {  	v8 =	vmul.f32 v8, v5;
	[tilespmem:v18+s28+$0x0] =	vst.idx.add.f32.msk $0xffff, v11  }
0xee: {  	v11 =	vld.idx.msk [tilespmem:v10+s29+$0x0], $0xffff  }
0xef: {  	s19 =	simm.s32 $0x15810;
	[tilespmem:v4+s25+$0x0] =	vst.idx.add.f32.msk $0xffff, v8  }
0xf0: {  	v8 =	vmul.f32 v12, v2;
	v12 =	vld [tilespmem:s19+$0x0]  }
0xf1: {  	v14 =	vld.idx.msk [tilespmem:v3+s26+$0x0], $0xffff  }
0xf2: {  	s6 =	simm.s32 $0x15FE0;
	[tilespmem:v1+s30+$0x0] =	vst.idx.add.f32.msk $0xffff, v8  }
0xf3: {  	v8 =	vld [tilespmem:s6+$0x0];
	v16 =	vmul.f32 v11, v13  }
0xf4: {  	v15 =	vld.idx.msk [tilespmem:v7+s3+$0x0], $0xffff  }
0xf5: {  	[tilespmem:v18+s30+$0x0] =	vst.idx.add.f32.msk $0xffff, v16  }
0xf6: {  	v10 =	vld.idx.msk [tilespmem:v10+s31+$0x0], $0xffff  }
0xf7: {  	v11 =	vld [tilespmem:s6+$0xFFFFFFF0]  }
0xf8: {  	v17 =	vld.idx.msk [tilespmem:v6+s3+$0x0], $0xffff;
	v16 =	vmul.f32 v14, v5  }
0xf9: {  	v14 =	vld [tilespmem:s19+$0xFFFFFFF0];
	v15 =	vmul.f32 v15, v8  }
0xfa: {  	[tilespmem:v4+s28+$0x0] =	vst.idx.add.f32.msk $0xffff, v16  }
0xfb: {  	v10 =	vmul.f32 v10, v13;
	[tilespmem:v12+s25+$0x0] =	vst.idx.add.f32.msk $0xffff, v15  }
0xfc: {  	v16 =	vld.idx.msk [tilespmem:v7+s26+$0x0], $0xffff  }
0xfd: {  	v15 =	vld.idx.msk [tilespmem:v3+s29+$0x0], $0xffff  }
0xfe: {  	v13 =	vld.idx.msk [tilespmem:v9+s31+$0x0], $0xffff  }
0xff: {  	s7 =	simm.s32 $0x40;
	s8 =	simm.s32 $0x15060;
	v17 =	vmul.f32 v17, v11;
	v9 =	vmov v14;
	[tilespmem:v18+s0+$0x0] =	vst.idx.add.f32.msk $0xffff, v10;
	v10 =	vmov v12  }
.LBB2_8:
0x100: {  	v18 =	vld [tilespmem:s8+$0x0];
	s7 =	sadd.s32 $0x20, s7  }
0x101: {  	v16 =	vmul.f32 v16, v8;
	v19 =	vld [tilespmem:s8+$0xFFFFFFF0];
	p1 =	slt.u32 s7, $0x7A0  }
0x102: {  	[tilespmem:v14+s25+$0x0] =	vst.idx.add.f32.msk $0xffff, v17;
	v14 =	vmul.f32 v15, v5  }
0x103: {  	v20 =	vmul.f32 v13, v2;
	v2 =	vmov v5;
	v5 =	vmov v11;
	[tilespmem:v12+s28+$0x0] =	vst.idx.add.f32.msk $0xffff, v16  }
0x104: {  	v11 =	vld.idx.msk [tilespmem:v7+s29+$0x0], $0xffff  }
0x105: {  	v13 =	vld.idx.msk [tilespmem:v6+s26+$0x0], $0xffff  }
0x106: {  	s19 =	sadd.s32 $0x20, s19;
	[tilespmem:v4+s30+$0x0] =	vst.idx.add.f32.msk $0xffff, v14  }
0x107: {  	v12 =	vld [tilespmem:s19+$0x0]  }
0x108: {  	s6 =	sadd.s32 $0x20, s6;
	v15 =	vld.idx.msk [tilespmem:v18+s3+$0x0], $0xffff  }
0x109: {  	v21 =	vld [tilespmem:s6+$0x0]  }
0x10a: {  	v14 =	vmul.f32 v11, v8;
	v16 =	vld.idx.msk [tilespmem:v19+s3+$0x0], $0xffff  }
0x10b: {  	v13 =	vmul.f32 v13, v5;
	v11 =	vld [tilespmem:s6+$0xFFFFFFF0]  }
0x10c: {  	[tilespmem:v10+s30+$0x0] =	vst.idx.add.f32.msk $0xffff, v14  }
0x10d: {  	v22 =	vld.idx.msk [tilespmem:v7+s31+$0x0], $0xffff;
	v7 =	vmov v18  }
0x10e: {  	v14 =	vld [tilespmem:s19+$0xFFFFFFF0];
	v15 =	vmul.f32 v15, v21  }
0x10f: {  	[tilespmem:v9+s28+$0x0] =	vst.idx.add.f32.msk $0xffff, v13  }
0x110: {  	v17 =	vmul.f32 v16, v11;
	[tilespmem:v12+s25+$0x0] =	vst.idx.add.f32.msk $0xffff, v15  }
.Ltmp4:
0x111: {  	v16 =	vld.idx.msk [tilespmem:v18+s26+$0x0], $0xffff;
	(pc) =	sbr.rel @p1 .LBB2_8-.Ltmp4, $4  }
0x112: {  	v15 =	vld.idx.msk [tilespmem:v6+s29+$0x0], $0xffff  }
0x113: {  	v18 =	vmul.f32 v22, v8;
	v8 =	vmovc v21;
	v13 =	vld.idx.msk [tilespmem:v3+s31+$0x0], $0xffff;
	v3 =	vmov v6;
	v6 =	vmov v19  }
0x114: {  	[tilespmem:v1+s0+$0x0] =	vst.idx.add.f32.msk $0xffff, v20;
	v1 =	vmov v4;
	v4 =	vmov v9;
	v9 =	vmov v14  }
0x115: {  	s8 =	sadd.s32 $0x20, s8;
	[tilespmem:v10+s0+$0x0] =	vst.idx.add.f32.msk $0xffff, v18;
	v10 =	vmov v12  }
0x116: {  	_ =	sdelay $0x3  }
0x117: {  	[tilespmem:v14+s25+$0x0] =	vst.idx.add.f32.msk $0xffff, v17  }
0x118: {  	v14 =	vld.idx.msk [tilespmem:v6+s26+$0x0], $0xffff;
	_ =	sdelay $0x2  }
0x119: {  	v16 =	vmul.f32 v16, v8;
	_ =	sdelay $0x1  }
0x11a: {  	[tilespmem:v12+s28+$0x0] =	vst.idx.add.f32.msk $0xffff, v16;
	v14 =	vmul.f32 v14, v11  }
0x11b: {  	v12 =	vld.idx.msk [tilespmem:v7+s29+$0x0], $0xffff  }
0x11c: {  	[tilespmem:v9+s28+$0x0] =	vst.idx.add.f32.msk $0xffff, v14  }
0x11d: {  	v14 =	vld.idx.msk [tilespmem:v6+s29+$0x0], $0xffff  }
0x11e: {  	v15 =	vmul.f32 v15, v5;
	_ =	sdelay $0x1  }
0x11f: {  	[tilespmem:v4+s30+$0x0] =	vst.idx.add.f32.msk $0xffff, v15;
	v12 =	vmul.f32 v12, v8  }
0x120: {  	v3 =	vld.idx.msk [tilespmem:v3+s31+$0x0], $0xffff  }
0x121: {  	[tilespmem:v10+s30+$0x0] =	vst.idx.add.f32.msk $0xffff, v12;
	v62 =	vmul.f32 v14, v11  }
0x122: {  	v61 =	vld.idx.msk [tilespmem:v7+s31+$0x0], $0xffff  }
0x123: {  	[tilespmem:v9+s30+$0x0] =	vst.idx.add.f32.msk $0xffff, v62  }
0x124: {  	v63 =	vld.idx.msk [tilespmem:v6+s31+$0x0], $0xffff  }
0x125: {  	v2 =	vmul.f32 v13, v2;
	_ =	sdelay $0x1  }
0x126: {  	[tilespmem:v1+s0+$0x0] =	vst.idx.add.f32.msk $0xffff, v2;
	v1 =	vmul.f32 v3, v5  }
0x127: {  	v7 =	vmul.f32 v61, v8  }
0x128: {  	[tilespmem:v4+s0+$0x0] =	vst.idx.add.f32.msk $0xffff, v1;
	v2 =	vmul.f32 v63, v11  }
0x129: {  	[tilespmem:v10+s0+$0x0] =	vst.idx.add.f32.msk $0xffff, v7  }
0x12a: {  	[tilespmem:v9+s0+$0x0] =	vst.idx.add.f32.msk $0xffff, v2  }
0x12b: {  	v1 =	vld [tilespmem:$0x157B0];
	_ =	sdelay $0x5  }
0x12c: {  	v2 =	vld [tilespmem:$0x15F80]  }
0x12d: {  	v3 =	vld [tilespmem:$0x16750]  }
0x12e: {  	v4 =	vld.idx.msk [tilespmem:v1+s3+$0x0], $0xffff;
	_ =	sdelay $0x4  }
0x12f: {  	v4 =	vmul.f32 v4, v3;
	_ =	sdelay $0x1  }
0x130: {  	[tilespmem:v2+s25+$0x0] =	vst.idx.add.f32.msk $0xffff, v4  }
0x131: {  	v4 =	vld.idx.msk [tilespmem:v1+s26+$0x0], $0xffff;
	_ =	sdelay $0x4  }
0x132: {  	v4 =	vmul.f32 v4, v3;
	_ =	sdelay $0x1  }
0x133: {  	[tilespmem:v2+s28+$0x0] =	vst.idx.add.f32.msk $0xffff, v4  }
0x134: {  	v4 =	vld.idx.msk [tilespmem:v1+s29+$0x0], $0xffff;
	_ =	sdelay $0x4  }
0x135: {  	v4 =	vmul.f32 v4, v3;
	_ =	sdelay $0x1  }
0x136: {  	[tilespmem:v2+s30+$0x0] =	vst.idx.add.f32.msk $0xffff, v4  }
0x137: {  	v1 =	vld.idx.msk [tilespmem:v1+s31+$0x0], $0xffff;
	_ =	sdelay $0x2  }
.Ltmp5:
0x138: {  	_ = 	snop;
	(pc) =	sbr.rel @!p0 .LBB2_10-.Ltmp5, $3  }
0x139: {  	_ = 	snop  }
0x13a: {  	v1 =	vmul.f32 v1, v3;
	_ =	sdelay $0x1  }
0x13b: {  	[tilespmem:v2+s0+$0x0] =	vst.idx.add.f32.msk $0xffff, v1  }
0x13c: {  	s17 =	sadd.s32 $0x1, s17  }
0x13d: {  	p0 =	sne.s32 s17, s16  }
.Ltmp6:
0x13e: {  	_ = 	snop;
	(pc) =	sbr.rel @p0 .LBB2_1-.Ltmp6, $4  }
0x13f: {  	[hbm4b:s15+s3] =	stream.linear.scatter [tilespmem:s25], [sflag:$0x3], $0x9C40, $0x38;
	[tilespmem:$0x16760] =	vst v63  }
0x140: {  	_ =	swait.ge [sflag:s23], $0x9C40  }
0x141: {  	[sflag:s23] =	ssyncset.done $0x0  }
0x142: {  	[sflag:s23] =	ssyncadd.s32 $0xFFFF63C0  }
0x143: {  	_ =	sfence.sel $0x180000  }
0x144: {  	[bflag:$0x0] =	sbarrier.arrive $0xFFFF  }
0x145: {  	_ =	strace $0x90000047  }
0x146: {  	s0 =	stileid.u32;
	[bflag:$0x2] =	sbarrier.arrive $0xFFFF  }
0x147: {  	p0 =	sne.s32 s0, $0x0;
	s0 =	rddreg [dreg:$0x2]  }
0x148: {  	s0 =	sadd.s32 @!p0 $0x100000, s0  }
0x149: {  	[sflag:s0] =	ssyncadd.tile.s32 @!p0 $0x1;
	_ =	shalt  }
.Lfunc_end2:
_tile_overlayer_lowered:
.L_overlay_start_2:
0x14a: {  	(tag) =	ssettag $0x2  }
0x14b: {  	s0 =	rddreg [dreg:$0x0];
	s2 =	stileid.u32  }
0x14c: {  	s1 =	rddreg [dreg:$0x1];
	p0 =	sne.s32 s2, $0x0  }
0x14d: {  	s3 =	rddreg [dreg:$0x2];
	[bflag:$0x3] =	sbarrier.arrive $0xFFFF;
	s2 =	simm.s32 @!p0 $0x1C03  }
0x14e: {  	[timem:s3], [sflag:s2] =	dma.local @!p0 [hbm:s0], s1  }
0x14f: {  	s0 =	simm.s32 @!p0 $0x3  }
0x150: {  	_ =	swait.ge @!p0 [sflag:s0], s1  }
0x151: {  	s1 =	ssub.s32 @!p0 $0x0, s1;
	[sflag:s0] =	ssyncset.done @!p0 $0x0  }
0x152: {  	[sflag:s0] =	ssyncadd.s32 @!p0 s1  }
0x153: {  	[bflag:$0x3] =	sbarrier.arrive $0xFFFF  }
0x154: {  	_ =	shalt  }

</sc_bundles>
